<compile_context>
chip_gen: v7x
topology: tpu7x:2x2x1
jax: 0.10.2.dev20260603
libtpu: 0.0.44.dev20260713+nightly
codegen_flags: <defaults>
</compile_context>

<pallas_src>
import functools

import jax
import jax.numpy as jnp
from jax import lax
from jax.experimental import pallas as pl
from jax.experimental.pallas import tpu as pltpu
from jax.experimental.pallas import tpu_sc as plsc

_N = 10000
_NP = 10240
_E = 320000
_H = 128
_G = 64

_K = 80
_NW = 32
_RW = _E // (_NW * _K)
_CS = _RW + 1
_CP = _CS + 1
_CR = 128
_EW = _CR * _K
_TNP = _NP // 16
_WB = 80

_sc_mesh = plsc.VectorSubcoreMesh(core_axis_name="c", subcore_axis_name="s")


@functools.partial(
    pl.kernel,
    out_type=jax.ShapeDtypeStruct((2, _NP, _H), jnp.float32),
    mesh=_sc_mesh,
    scratch_types=[
        pltpu.VMEM((_EW,), jnp.int32),
        pltpu.VMEM((_CR, _K), jnp.int32),
        pltpu.VMEM((_K, _H), jnp.float32),
        pltpu.VMEM((_K, _H), jnp.float32),
        pltpu.VMEM_SHARED((_NP, _H), jnp.float32),
        pltpu.SemaphoreType.DMA,
        pltpu.SemaphoreType.DMA,
    ],
)
def _agg(y, srcflat, dst3d, zeros_hbm, out, sidx, didx, buf0, buf1, acc,
         sem0, sem1):
    c = lax.axis_index("c")
    s = lax.axis_index("s")
    wid = s * 2 + c
    pltpu.sync_copy(zeros_hbm, buf0)
    for i in range(8):
        pltpu.sync_copy(buf0, acc.at[pl.ds(s * _TNP + i * _WB, _WB)])
    pltpu.sync_copy(srcflat.at[pl.ds(wid * _EW, _EW)], sidx)
    pltpu.sync_copy(dst3d.at[wid], didx)
    plsc.subcore_barrier()

    def body(j, carry):
        pltpu.async_copy(y.at[sidx.at[pl.ds(j * _K, _K)]], buf0, sem0).wait()
        pltpu.sync_copy(buf0, acc.at[didx.at[j]], add=True)
        return carry

    lax.fori_loop(0, _RW, body, 0)
    plsc.subcore_barrier()
    for i in range(8):
        pltpu.sync_copy(acc.at[pl.ds(s * _TNP + i * _WB, _WB)], buf0)
        pltpu.sync_copy(buf0, out.at[c, pl.ds(s * _TNP + i * _WB, _WB)])


@functools.partial(
    pl.kernel,
    out_type=jax.ShapeDtypeStruct((2, _NP, _H), jnp.float32),
    mesh=_sc_mesh,
    scratch_types=[
        pltpu.VMEM((_RW, _K), jnp.int32),
        pltpu.VMEM((_K, _H), jnp.float32),
        pltpu.VMEM_SHARED((_NP, _H), jnp.float32),
    ],
)
def _deg(dst3d, zeros_hbm, ones_hbm, out, didx, buf, acc):
    c = lax.axis_index("c")
    s = lax.axis_index("s")
    wid = s * 2 + c
    pltpu.sync_copy(zeros_hbm, buf)
    for i in range(8):
        pltpu.sync_copy(buf, acc.at[pl.ds(s * _TNP + i * _WB, _WB)])
    pltpu.sync_copy(dst3d.at[wid], didx)
    pltpu.sync_copy(ones_hbm, buf)
    plsc.subcore_barrier()

    def body(j, carry):
        pltpu.sync_copy(buf, acc.at[didx.at[j]], add=True)
        return carry

    lax.fori_loop(0, _RW, body, 0)
    plsc.subcore_barrier()
    for i in range(8):
        pltpu.sync_copy(acc.at[pl.ds(s * _TNP + i * _WB, _WB)], buf)
        pltpu.sync_copy(buf, out.at[c, pl.ds(s * _TNP + i * _WB, _WB)])


def _tc_mm(x_ref, w_ref, xw_ref):
    xw_ref[...] = jnp.dot(x_ref[...], w_ref[...],
                          preferred_element_type=jnp.float32)


def _tc_scale(xw_ref, degp_ref, y_ref, dinv_ref):
    deg = degp_ref[0, : _N] + degp_ref[1, : _N] + 1.0
    dinv = lax.rsqrt(jnp.maximum(deg, 1.0))
    y_ref[...] = xw_ref[...] * dinv
    dinv_ref[...] = dinv


def _tc_mid(accp_ref, y_ref, dinv_ref, b_ref, w_ref, y2_ref):
    acc = accp_ref[0, : _N] + accp_ref[1, : _N] + y_ref[...]
    h = jnp.maximum(acc * dinv_ref[...] + b_ref[...], 0.0)
    xw = jnp.dot(h, w_ref[...], preferred_element_type=jnp.float32)
    y2_ref[...] = xw * dinv_ref[...]


def _tc_final(accp_ref, y2_ref, dinv_ref, b_ref, batch_ref,
              wl1_ref, bl1_ref, wl2_ref, bl2_ref, out_ref):
    acc = accp_ref[0, : _N] + accp_ref[1, : _N] + y2_ref[...]
    h = jnp.maximum(acc * dinv_ref[...] + b_ref[...], 0.0)
    seg = lax.broadcasted_iota(jnp.int32, (_G, _N), 0)
    p = (batch_ref[...] == seg).astype(jnp.float32)
    g = jnp.dot(p, h, preferred_element_type=jnp.float32)
    g1 = jnp.maximum(
        jnp.dot(g, wl1_ref[...], preferred_element_type=jnp.float32)
        + bl1_ref[...], 0.0)
    out_ref[...] = (
        jnp.dot(g1, wl2_ref[...], preferred_element_type=jnp.float32)
        + bl2_ref[...])


def kernel(x, edge_index, batch, Wc1, bc1, Wc2, bc2, Wl1, bl1, Wl2, bl2):
    dst3d = edge_index[1].reshape(_NW, _RW, _K)
    npad = _CR - _RW
    srcflat = jnp.concatenate(
        [edge_index[0].reshape(_NW, _RW, _K),
         jnp.zeros((_NW, npad, _K), jnp.int32)], 1).reshape(_NW * _EW)
    padrows = _N + jnp.arange(_K, dtype=jnp.int32)
    dst3a = jnp.concatenate(
        [dst3d, jnp.broadcast_to(padrows, (_NW, npad, _K))], 1)
    ones_h = jnp.ones((_K, _H), jnp.float32)
    zeros_h = jnp.zeros((_WB, _H), jnp.float32)

    degp = _deg(dst3d, zeros_h, ones_h)
    xw1 = pl.pallas_call(
        _tc_mm,
        out_shape=jax.ShapeDtypeStruct((_N, _H), jnp.float32),
    )(x, Wc1)

    y1, dinv = pl.pallas_call(
        _tc_scale,
        out_shape=(
            jax.ShapeDtypeStruct((_N, _H), jnp.float32),
            jax.ShapeDtypeStruct((_N, _H), jnp.float32),
        ),
    )(xw1, degp)

    accp1 = _agg(y1, srcflat, dst3a, zeros_h)

    y2 = pl.pallas_call(
        _tc_mid,
        out_shape=jax.ShapeDtypeStruct((_N, _H), jnp.float32),
    )(accp1, y1, dinv, bc1.reshape(1, _H), Wc2)

    accp2 = _agg(y2, srcflat, dst3a, zeros_h)

    out = pl.pallas_call(
        _tc_final,
        out_shape=jax.ShapeDtypeStruct((_G, 10), jnp.float32),
    )(accp2, y2, dinv, bc2.reshape(1, _H), batch.reshape(1, _N),
      Wl1, bl1.reshape(1, _H), Wl2, bl2.reshape(1, 10))

    return out

# --- scband reference (transcript-rebuilt; emitter-appended) ---
"""Pipeline reference for scband-gnnmodel-31825707663693 (READ-ONLY COPY).

The authoritative reference and input builder live on the scoring server;
editing this copy changes nothing except your own understanding.
"""

import jax, jax.numpy as jnp
import numpy as np

N = 10000
E = 320000
D = 128
H = 128
C = 10
G = 64


def setup_inputs(seed: int = 0) -> dict:
    key = jax.random.key(seed)
    ks = jax.random.split(key, 12)
    x = jax.random.normal(ks[0], (N, D), dtype=jnp.float32)
    edge_index = jax.random.randint(ks[1], (2, E), 0, N, dtype=jnp.int32)
    batch = jnp.sort(jax.random.randint(ks[2], (N,), 0, G, dtype=jnp.int32))
    Wc1 = jax.random.normal(ks[3], (D, H), dtype=jnp.float32) * (1.0 / np.sqrt(D))
    bc1 = jnp.zeros((H,), dtype=jnp.float32)
    Wc2 = jax.random.normal(ks[4], (H, H), dtype=jnp.float32) * (1.0 / np.sqrt(H))
    bc2 = jnp.zeros((H,), dtype=jnp.float32)
    Wl1 = jax.random.normal(ks[5], (H, H), dtype=jnp.float32) * (1.0 / np.sqrt(H))
    bl1 = jnp.zeros((H,), dtype=jnp.float32)
    Wl2 = jax.random.normal(ks[6], (H, C), dtype=jnp.float32) * (1.0 / np.sqrt(H))
    bl2 = jnp.zeros((C,), dtype=jnp.float32)
    return {"x": x, "edge_index": edge_index, "batch": batch,
            "Wc1": Wc1, "bc1": bc1, "Wc2": Wc2, "bc2": bc2,
            "Wl1": Wl1, "bl1": bl1, "Wl2": Wl2, "bl2": bl2}


def _gcn_conv(x, edge_index, W, b):
    n = x.shape[0]
    loop = jnp.arange(n, dtype=edge_index.dtype)
    src = jnp.concatenate([edge_index[0], loop])
    dst = jnp.concatenate([edge_index[1], loop])
    deg = jnp.zeros((n,), jnp.float32).at[dst].add(1.0)
    dinv = jax.lax.rsqrt(jnp.maximum(deg, 1.0))
    xw = x @ W
    norm = (dinv[src] * dinv[dst])[:, None]
    msg = jnp.take(xw, src, axis=0) * norm
    out = jnp.zeros((n, W.shape[1]), jnp.float32).at[dst].add(msg)
    return out + b


def reference(x, edge_index, batch, Wc1, bc1, Wc2, bc2, Wl1, bl1, Wl2, bl2):
    h = jax.nn.relu(_gcn_conv(x, edge_index, Wc1, bc1))
    h = jax.nn.relu(_gcn_conv(h, edge_index, Wc2, bc2))
    g = jax.ops.segment_sum(h, batch, num_segments=G)
    g = jax.nn.relu(g @ Wl1 + bl1)
    out = g @ Wl2 + bl2
    # torch squeeze(dim=1) is a no-op since C=10 != 1
    return out

if __name__ == "__main__":
    import jax
    _d = setup_inputs()
    print(jax.jit(kernel)(*tuple(_d.values())))

</pallas_src>

<mosaic_0001>
#map = affine_map<(d0, d1) -> (0, 0)>
#map1 = affine_map<(d0, d1) -> (0)>
#map2 = affine_map<(d0, d1) -> (0, 0, 0)>
module attributes {stable_mosaic.version = 14 : i64} {
  func.func @_agg(%arg0: i32, %arg1: i32, %arg2: memref<10000x128xf32, #tpu.memory_space<hbm>>, %arg3: memref<327680xi32, #tpu.memory_space<hbm>>, %arg4: memref<32x128x80xi32, #tpu.memory_space<hbm>>, %arg5: memref<80x128xf32, #tpu.memory_space<hbm>>, %arg6: memref<2x10240x128xf32, #tpu.memory_space<hbm>>, %arg7: memref<10240xi32, #tpu.memory_space<vmem>>, %arg8: memref<128x80xi32, #tpu.memory_space<vmem>>, %arg9: memref<80x128xf32, #tpu.memory_space<vmem>>, %arg10: memref<80x128xf32, #tpu.memory_space<vmem>>, %arg11: memref<10240x128xf32, #tpu.memory_space<vmem_shared>>, %arg12: memref<!tpu.dma_semaphore, #tpu.memory_space<semaphore_mem>>, %arg13: memref<!tpu.dma_semaphore, #tpu.memory_space<semaphore_mem>>) attributes {dimension_semantics = [#tpu.dimension_semantics<core_parallel>, #tpu.dimension_semantics<subcore_parallel>], iteration_bounds = array<i64: 2, 16>, scalar_prefetch = 0 : i64, scratch_operands = 7 : i64, tpu.core_type = #tpu.core_type<sc_vector_subcore>, window_params = [{transform_indices = #map}, {transform_indices = #map1}, {transform_indices = #map2}, {transform_indices = #map}, {transform_indices = #map2}]} {
    %mul3A = arith.constant 2 : i32
    %mul3A_0 = arith.muli %arg1, %mul3A : i32
    %add3A = arith.addi %mul3A_0, %arg0 : i32
    "tpu.region"() ({
      %run_scoped3A = tpu.sem_alloc : memref<!tpu.dma_semaphore, #tpu.memory_space<semaphore_mem>>
      tpu.enqueue_dma source(%arg5 : memref<80x128xf32, #tpu.memory_space<hbm>>) target(%arg9 : memref<80x128xf32, #tpu.memory_space<vmem>>) target_semaphore(%run_scoped3A : memref<!tpu.dma_semaphore, #tpu.memory_space<semaphore_mem>>)
      tpu.wait_dma2 semaphore(%run_scoped3A : memref<!tpu.dma_semaphore, #tpu.memory_space<semaphore_mem>>) src(%arg5 : memref<80x128xf32, #tpu.memory_space<hbm>>) dst(%arg9 : memref<80x128xf32, #tpu.memory_space<vmem>>)
      tpu.yield
    }) : () -> ()
    %mul3A_1 = arith.constant 640 : i32
    %mul3A_2 = arith.muli %arg1, %mul3A_1 : i32
    %add3A_3 = arith.constant 0 : i32
    %add3A_4 = arith.addi %mul3A_2, %add3A_3 : i32
    "tpu.region"() ({
      %run_scoped3A = tpu.sem_alloc : memref<!tpu.dma_semaphore, #tpu.memory_space<semaphore_mem>>
      %dma_start3A = arith.constant 0 : i32
      %dma_start3A_105 = tpu.memref_slice %arg11[%add3A_4, %dma_start3A] : memref<10240x128xf32, #tpu.memory_space<vmem_shared>> -> memref<80x128xf32, #tpu.memory_space<vmem_shared>>
      %dma_start3A_106 = arith.constant 0 : i32
      %dma_start3A_107 = tpu.memref_slice %arg11[%add3A_4, %dma_start3A_106] : memref<10240x128xf32, #tpu.memory_space<vmem_shared>> -> memref<80x128xf32, #tpu.memory_space<vmem_shared>>
      tpu.enqueue_dma source(%arg9 : memref<80x128xf32, #tpu.memory_space<vmem>>) target(%dma_start3A_107 : memref<80x128xf32, #tpu.memory_space<vmem_shared>>) target_semaphore(%run_scoped3A : memref<!tpu.dma_semaphore, #tpu.memory_space<semaphore_mem>>)
      %dma_wait3A = arith.constant 0 : i32
      %dma_wait3A_108 = tpu.memref_slice %arg11[%add3A_4, %dma_wait3A] : memref<10240x128xf32, #tpu.memory_space<vmem_shared>> -> memref<80x128xf32, #tpu.memory_space<vmem_shared>>
      %dma_wait3A_109 = arith.constant 0 : i32
      %dma_wait3A_110 = tpu.memref_slice %arg11[%add3A_4, %dma_wait3A_109] : memref<10240x128xf32, #tpu.memory_space<vmem_shared>> -> memref<80x128xf32, #tpu.memory_space<vmem_shared>>
      tpu.wait_dma2 semaphore(%run_scoped3A : memref<!tpu.dma_semaphore, #tpu.memory_space<semaphore_mem>>) src(%arg9 : memref<80x128xf32, #tpu.memory_space<vmem>>) dst(%dma_wait3A_110 : memref<80x128xf32, #tpu.memory_space<vmem_shared>>)
      tpu.yield
    }) : () -> ()
    %mul3A_5 = arith.constant 640 : i32
    %mul3A_6 = arith.muli %arg1, %mul3A_5 : i32
    %add3A_7 = arith.constant 80 : i32
    %add3A_8 = arith.addi %mul3A_6, %add3A_7 : i32
    "tpu.region"() ({
      %run_scoped3A = tpu.sem_alloc : memref<!tpu.dma_semaphore, #tpu.memory_space<semaphore_mem>>
      %dma_start3A = arith.constant 0 : i32
      %dma_start3A_105 = tpu.memref_slice %arg11[%add3A_8, %dma_start3A] : memref<10240x128xf32, #tpu.memory_space<vmem_shared>> -> memref<80x128xf32, #tpu.memory_space<vmem_shared>>
      %dma_start3A_106 = arith.constant 0 : i32
      %dma_start3A_107 = tpu.memref_slice %arg11[%add3A_8, %dma_start3A_106] : memref<10240x128xf32, #tpu.memory_space<vmem_shared>> -> memref<80x128xf32, #tpu.memory_space<vmem_shared>>
      tpu.enqueue_dma source(%arg9 : memref<80x128xf32, #tpu.memory_space<vmem>>) target(%dma_start3A_107 : memref<80x128xf32, #tpu.memory_space<vmem_shared>>) target_semaphore(%run_scoped3A : memref<!tpu.dma_semaphore, #tpu.memory_space<semaphore_mem>>)
      %dma_wait3A = arith.constant 0 : i32
      %dma_wait3A_108 = tpu.memref_slice %arg11[%add3A_8, %dma_wait3A] : memref<10240x128xf32, #tpu.memory_space<vmem_shared>> -> memref<80x128xf32, #tpu.memory_space<vmem_shared>>
      %dma_wait3A_109 = arith.constant 0 : i32
      %dma_wait3A_110 = tpu.memref_slice %arg11[%add3A_8, %dma_wait3A_109] : memref<10240x128xf32, #tpu.memory_space<vmem_shared>> -> memref<80x128xf32, #tpu.memory_space<vmem_shared>>
      tpu.wait_dma2 semaphore(%run_scoped3A : memref<!tpu.dma_semaphore, #tpu.memory_space<semaphore_mem>>) src(%arg9 : memref<80x128xf32, #tpu.memory_space<vmem>>) dst(%dma_wait3A_110 : memref<80x128xf32, #tpu.memory_space<vmem_shared>>)
      tpu.yield
    }) : () -> ()
    %mul3A_9 = arith.constant 640 : i32
    %mul3A_10 = arith.muli %arg1, %mul3A_9 : i32
    %add3A_11 = arith.constant 160 : i32
    %add3A_12 = arith.addi %mul3A_10, %add3A_11 : i32
    "tpu.region"() ({
      %run_scoped3A = tpu.sem_alloc : memref<!tpu.dma_semaphore, #tpu.memory_space<semaphore_mem>>
      %dma_start3A = arith.constant 0 : i32
      %dma_start3A_105 = tpu.memref_slice %arg11[%add3A_12, %dma_start3A] : memref<10240x128xf32, #tpu.memory_space<vmem_shared>> -> memref<80x128xf32, #tpu.memory_space<vmem_shared>>
      %dma_start3A_106 = arith.constant 0 : i32
      %dma_start3A_107 = tpu.memref_slice %arg11[%add3A_12, %dma_start3A_106] : memref<10240x128xf32, #tpu.memory_space<vmem_shared>> -> memref<80x128xf32, #tpu.memory_space<vmem_shared>>
      tpu.enqueue_dma source(%arg9 : memref<80x128xf32, #tpu.memory_space<vmem>>) target(%dma_start3A_107 : memref<80x128xf32, #tpu.memory_space<vmem_shared>>) target_semaphore(%run_scoped3A : memref<!tpu.dma_semaphore, #tpu.memory_space<semaphore_mem>>)
      %dma_wait3A = arith.constant 0 : i32
      %dma_wait3A_108 = tpu.memref_slice %arg11[%add3A_12, %dma_wait3A] : memref<10240x128xf32, #tpu.memory_space<vmem_shared>> -> memref<80x128xf32, #tpu.memory_space<vmem_shared>>
      %dma_wait3A_109 = arith.constant 0 : i32
      %dma_wait3A_110 = tpu.memref_slice %arg11[%add3A_12, %dma_wait3A_109] : memref<10240x128xf32, #tpu.memory_space<vmem_shared>> -> memref<80x128xf32, #tpu.memory_space<vmem_shared>>
      tpu.wait_dma2 semaphore(%run_scoped3A : memref<!tpu.dma_semaphore, #tpu.memory_space<semaphore_mem>>) src(%arg9 : memref<80x128xf32, #tpu.memory_space<vmem>>) dst(%dma_wait3A_110 : memref<80x128xf32, #tpu.memory_space<vmem_shared>>)
      tpu.yield
    }) : () -> ()
    %mul3A_13 = arith.constant 640 : i32
    %mul3A_14 = arith.muli %arg1, %mul3A_13 : i32
    %add3A_15 = arith.constant 240 : i32
    %add3A_16 = arith.addi %mul3A_14, %add3A_15 : i32
    "tpu.region"() ({
      %run_scoped3A = tpu.sem_alloc : memref<!tpu.dma_semaphore, #tpu.memory_space<semaphore_mem>>
      %dma_start3A = arith.constant 0 : i32
      %dma_start3A_105 = tpu.memref_slice %arg11[%add3A_16, %dma_start3A] : memref<10240x128xf32, #tpu.memory_space<vmem_shared>> -> memref<80x128xf32, #tpu.memory_space<vmem_shared>>
      %dma_start3A_106 = arith.constant 0 : i32
      %dma_start3A_107 = tpu.memref_slice %arg11[%add3A_16, %dma_start3A_106] : memref<10240x128xf32, #tpu.memory_space<vmem_shared>> -> memref<80x128xf32, #tpu.memory_space<vmem_shared>>
      tpu.enqueue_dma source(%arg9 : memref<80x128xf32, #tpu.memory_space<vmem>>) target(%dma_start3A_107 : memref<80x128xf32, #tpu.memory_space<vmem_shared>>) target_semaphore(%run_scoped3A : memref<!tpu.dma_semaphore, #tpu.memory_space<semaphore_mem>>)
      %dma_wait3A = arith.constant 0 : i32
      %dma_wait3A_108 = tpu.memref_slice %arg11[%add3A_16, %dma_wait3A] : memref<10240x128xf32, #tpu.memory_space<vmem_shared>> -> memref<80x128xf32, #tpu.memory_space<vmem_shared>>
      %dma_wait3A_109 = arith.constant 0 : i32
      %dma_wait3A_110 = tpu.memref_slice %arg11[%add3A_16, %dma_wait3A_109] : memref<10240x128xf32, #tpu.memory_space<vmem_shared>> -> memref<80x128xf32, #tpu.memory_space<vmem_shared>>
      tpu.wait_dma2 semaphore(%run_scoped3A : memref<!tpu.dma_semaphore, #tpu.memory_space<semaphore_mem>>) src(%arg9 : memref<80x128xf32, #tpu.memory_space<vmem>>) dst(%dma_wait3A_110 : memref<80x128xf32, #tpu.memory_space<vmem_shared>>)
      tpu.yield
    }) : () -> ()
    %mul3A_17 = arith.constant 640 : i32
    %mul3A_18 = arith.muli %arg1, %mul3A_17 : i32
    %add3A_19 = arith.constant 320 : i32
    %add3A_20 = arith.addi %mul3A_18, %add3A_19 : i32
    "tpu.region"() ({
      %run_scoped3A = tpu.sem_alloc : memref<!tpu.dma_semaphore, #tpu.memory_space<semaphore_mem>>
      %dma_start3A = arith.constant 0 : i32
      %dma_start3A_105 = tpu.memref_slice %arg11[%add3A_20, %dma_start3A] : memref<10240x128xf32, #tpu.memory_space<vmem_shared>> -> memref<80x128xf32, #tpu.memory_space<vmem_shared>>
      %dma_start3A_106 = arith.constant 0 : i32
      %dma_start3A_107 = tpu.memref_slice %arg11[%add3A_20, %dma_start3A_106] : memref<10240x128xf32, #tpu.memory_space<vmem_shared>> -> memref<80x128xf32, #tpu.memory_space<vmem_shared>>
      tpu.enqueue_dma source(%arg9 : memref<80x128xf32, #tpu.memory_space<vmem>>) target(%dma_start3A_107 : memref<80x128xf32, #tpu.memory_space<vmem_shared>>) target_semaphore(%run_scoped3A : memref<!tpu.dma_semaphore, #tpu.memory_space<semaphore_mem>>)
      %dma_wait3A = arith.constant 0 : i32
      %dma_wait3A_108 = tpu.memref_slice %arg11[%add3A_20, %dma_wait3A] : memref<10240x128xf32, #tpu.memory_space<vmem_shared>> -> memref<80x128xf32, #tpu.memory_space<vmem_shared>>
      %dma_wait3A_109 = arith.constant 0 : i32
      %dma_wait3A_110 = tpu.memref_slice %arg11[%add3A_20, %dma_wait3A_109] : memref<10240x128xf32, #tpu.memory_space<vmem_shared>> -> memref<80x128xf32, #tpu.memory_space<vmem_shared>>
      tpu.wait_dma2 semaphore(%run_scoped3A : memref<!tpu.dma_semaphore, #tpu.memory_space<semaphore_mem>>) src(%arg9 : memref<80x128xf32, #tpu.memory_space<vmem>>) dst(%dma_wait3A_110 : memref<80x128xf32, #tpu.memory_space<vmem_shared>>)
      tpu.yield
    }) : () -> ()
    %mul3A_21 = arith.constant 640 : i32
    %mul3A_22 = arith.muli %arg1, %mul3A_21 : i32
    %add3A_23 = arith.constant 400 : i32
    %add3A_24 = arith.addi %mul3A_22, %add3A_23 : i32
    "tpu.region"() ({
      %run_scoped3A = tpu.sem_alloc : memref<!tpu.dma_semaphore, #tpu.memory_space<semaphore_mem>>
      %dma_start3A = arith.constant 0 : i32
      %dma_start3A_105 = tpu.memref_slice %arg11[%add3A_24, %dma_start3A] : memref<10240x128xf32, #tpu.memory_space<vmem_shared>> -> memref<80x128xf32, #tpu.memory_space<vmem_shared>>
      %dma_start3A_106 = arith.constant 0 : i32
      %dma_start3A_107 = tpu.memref_slice %arg11[%add3A_24, %dma_start3A_106] : memref<10240x128xf32, #tpu.memory_space<vmem_shared>> -> memref<80x128xf32, #tpu.memory_space<vmem_shared>>
      tpu.enqueue_dma source(%arg9 : memref<80x128xf32, #tpu.memory_space<vmem>>) target(%dma_start3A_107 : memref<80x128xf32, #tpu.memory_space<vmem_shared>>) target_semaphore(%run_scoped3A : memref<!tpu.dma_semaphore, #tpu.memory_space<semaphore_mem>>)
      %dma_wait3A = arith.constant 0 : i32
      %dma_wait3A_108 = tpu.memref_slice %arg11[%add3A_24, %dma_wait3A] : memref<10240x128xf32, #tpu.memory_space<vmem_shared>> -> memref<80x128xf32, #tpu.memory_space<vmem_shared>>
      %dma_wait3A_109 = arith.constant 0 : i32
      %dma_wait3A_110 = tpu.memref_slice %arg11[%add3A_24, %dma_wait3A_109] : memref<10240x128xf32, #tpu.memory_space<vmem_shared>> -> memref<80x128xf32, #tpu.memory_space<vmem_shared>>
      tpu.wait_dma2 semaphore(%run_scoped3A : memref<!tpu.dma_semaphore, #tpu.memory_space<semaphore_mem>>) src(%arg9 : memref<80x128xf32, #tpu.memory_space<vmem>>) dst(%dma_wait3A_110 : memref<80x128xf32, #tpu.memory_space<vmem_shared>>)
      tpu.yield
    }) : () -> ()
    %mul3A_25 = arith.constant 640 : i32
    %mul3A_26 = arith.muli %arg1, %mul3A_25 : i32
    %add3A_27 = arith.constant 480 : i32
    %add3A_28 = arith.addi %mul3A_26, %add3A_27 : i32
    "tpu.region"() ({
      %run_scoped3A = tpu.sem_alloc : memref<!tpu.dma_semaphore, #tpu.memory_space<semaphore_mem>>
      %dma_start3A = arith.constant 0 : i32
      %dma_start3A_105 = tpu.memref_slice %arg11[%add3A_28, %dma_start3A] : memref<10240x128xf32, #tpu.memory_space<vmem_shared>> -> memref<80x128xf32, #tpu.memory_space<vmem_shared>>
      %dma_start3A_106 = arith.constant 0 : i32
      %dma_start3A_107 = tpu.memref_slice %arg11[%add3A_28, %dma_start3A_106] : memref<10240x128xf32, #tpu.memory_space<vmem_shared>> -> memref<80x128xf32, #tpu.memory_space<vmem_shared>>
      tpu.enqueue_dma source(%arg9 : memref<80x128xf32, #tpu.memory_space<vmem>>) target(%dma_start3A_107 : memref<80x128xf32, #tpu.memory_space<vmem_shared>>) target_semaphore(%run_scoped3A : memref<!tpu.dma_semaphore, #tpu.memory_space<semaphore_mem>>)
      %dma_wait3A = arith.constant 0 : i32
      %dma_wait3A_108 = tpu.memref_slice %arg11[%add3A_28, %dma_wait3A] : memref<10240x128xf32, #tpu.memory_space<vmem_shared>> -> memref<80x128xf32, #tpu.memory_space<vmem_shared>>
      %dma_wait3A_109 = arith.constant 0 : i32
      %dma_wait3A_110 = tpu.memref_slice %arg11[%add3A_28, %dma_wait3A_109] : memref<10240x128xf32, #tpu.memory_space<vmem_shared>> -> memref<80x128xf32, #tpu.memory_space<vmem_shared>>
      tpu.wait_dma2 semaphore(%run_scoped3A : memref<!tpu.dma_semaphore, #tpu.memory_space<semaphore_mem>>) src(%arg9 : memref<80x128xf32, #tpu.memory_space<vmem>>) dst(%dma_wait3A_110 : memref<80x128xf32, #tpu.memory_space<vmem_shared>>)
      tpu.yield
    }) : () -> ()
    %mul3A_29 = arith.constant 640 : i32
    %mul3A_30 = arith.muli %arg1, %mul3A_29 : i32
    %add3A_31 = arith.constant 560 : i32
    %add3A_32 = arith.addi %mul3A_30, %add3A_31 : i32
    "tpu.region"() ({
      %run_scoped3A = tpu.sem_alloc : memref<!tpu.dma_semaphore, #tpu.memory_space<semaphore_mem>>
      %dma_start3A = arith.constant 0 : i32
      %dma_start3A_105 = tpu.memref_slice %arg11[%add3A_32, %dma_start3A] : memref<10240x128xf32, #tpu.memory_space<vmem_shared>> -> memref<80x128xf32, #tpu.memory_space<vmem_shared>>
      %dma_start3A_106 = arith.constant 0 : i32
      %dma_start3A_107 = tpu.memref_slice %arg11[%add3A_32, %dma_start3A_106] : memref<10240x128xf32, #tpu.memory_space<vmem_shared>> -> memref<80x128xf32, #tpu.memory_space<vmem_shared>>
      tpu.enqueue_dma source(%arg9 : memref<80x128xf32, #tpu.memory_space<vmem>>) target(%dma_start3A_107 : memref<80x128xf32, #tpu.memory_space<vmem_shared>>) target_semaphore(%run_scoped3A : memref<!tpu.dma_semaphore, #tpu.memory_space<semaphore_mem>>)
      %dma_wait3A = arith.constant 0 : i32
      %dma_wait3A_108 = tpu.memref_slice %arg11[%add3A_32, %dma_wait3A] : memref<10240x128xf32, #tpu.memory_space<vmem_shared>> -> memref<80x128xf32, #tpu.memory_space<vmem_shared>>
      %dma_wait3A_109 = arith.constant 0 : i32
      %dma_wait3A_110 = tpu.memref_slice %arg11[%add3A_32, %dma_wait3A_109] : memref<10240x128xf32, #tpu.memory_space<vmem_shared>> -> memref<80x128xf32, #tpu.memory_space<vmem_shared>>
      tpu.wait_dma2 semaphore(%run_scoped3A : memref<!tpu.dma_semaphore, #tpu.memory_space<semaphore_mem>>) src(%arg9 : memref<80x128xf32, #tpu.memory_space<vmem>>) dst(%dma_wait3A_110 : memref<80x128xf32, #tpu.memory_space<vmem_shared>>)
      tpu.yield
    }) : () -> ()
    %mul3A_33 = arith.constant 10240 : i32
    %mul3A_34 = arith.muli %add3A, %mul3A_33 : i32
    "tpu.region"() ({
      %run_scoped3A = tpu.sem_alloc : memref<!tpu.dma_semaphore, #tpu.memory_space<semaphore_mem>>
      %dma_start3A = tpu.memref_slice %arg3[%mul3A_34] : memref<327680xi32, #tpu.memory_space<hbm>> -> memref<10240xi32, #tpu.memory_space<hbm>>
      %dma_start3A_105 = tpu.memref_slice %arg3[%mul3A_34] : memref<327680xi32, #tpu.memory_space<hbm>> -> memref<10240xi32, #tpu.memory_space<hbm>>
      tpu.enqueue_dma source(%dma_start3A_105 : memref<10240xi32, #tpu.memory_space<hbm>>) target(%arg7 : memref<10240xi32, #tpu.memory_space<vmem>>) target_semaphore(%run_scoped3A : memref<!tpu.dma_semaphore, #tpu.memory_space<semaphore_mem>>)
      %dma_wait3A = tpu.memref_slice %arg3[%mul3A_34] : memref<327680xi32, #tpu.memory_space<hbm>> -> memref<10240xi32, #tpu.memory_space<hbm>>
      %dma_wait3A_106 = tpu.memref_slice %arg3[%mul3A_34] : memref<327680xi32, #tpu.memory_space<hbm>> -> memref<10240xi32, #tpu.memory_space<hbm>>
      tpu.wait_dma2 semaphore(%run_scoped3A : memref<!tpu.dma_semaphore, #tpu.memory_space<semaphore_mem>>) src(%dma_wait3A_106 : memref<10240xi32, #tpu.memory_space<hbm>>) dst(%arg7 : memref<10240xi32, #tpu.memory_space<vmem>>)
      tpu.yield
    }) : () -> ()
    "tpu.region"() ({
      %run_scoped3A = tpu.sem_alloc : memref<!tpu.dma_semaphore, #tpu.memory_space<semaphore_mem>>
      %dma_start3A = arith.constant 0 : i32
      %dma_start3A_105 = arith.constant 0 : i32
      %dma_start3A_106 = tpu.memref_slice %arg4[%add3A, %dma_start3A, %dma_start3A_105] : memref<32x128x80xi32, #tpu.memory_space<hbm>> -> memref<1x128x80xi32, #tpu.memory_space<hbm>>
      %dma_start3A_107 = tpu.memref_squeeze %dma_start3A_106 : memref<1x128x80xi32, #tpu.memory_space<hbm>> -> memref<128x80xi32, #tpu.memory_space<hbm>>
      %dma_start3A_108 = arith.constant 0 : i32
      %dma_start3A_109 = arith.constant 0 : i32
      %dma_start3A_110 = tpu.memref_slice %arg4[%add3A, %dma_start3A_108, %dma_start3A_109] : memref<32x128x80xi32, #tpu.memory_space<hbm>> -> memref<1x128x80xi32, #tpu.memory_space<hbm>>
      %dma_start3A_111 = tpu.memref_squeeze %dma_start3A_110 : memref<1x128x80xi32, #tpu.memory_space<hbm>> -> memref<128x80xi32, #tpu.memory_space<hbm>>
      tpu.enqueue_dma source(%dma_start3A_111 : memref<128x80xi32, #tpu.memory_space<hbm>>) target(%arg8 : memref<128x80xi32, #tpu.memory_space<vmem>>) target_semaphore(%run_scoped3A : memref<!tpu.dma_semaphore, #tpu.memory_space<semaphore_mem>>)
      %dma_wait3A = arith.constant 0 : i32
      %dma_wait3A_112 = arith.constant 0 : i32
      %dma_wait3A_113 = tpu.memref_slice %arg4[%add3A, %dma_wait3A, %dma_wait3A_112] : memref<32x128x80xi32, #tpu.memory_space<hbm>> -> memref<1x128x80xi32, #tpu.memory_space<hbm>>
      %dma_wait3A_114 = tpu.memref_squeeze %dma_wait3A_113 : memref<1x128x80xi32, #tpu.memory_space<hbm>> -> memref<128x80xi32, #tpu.memory_space<hbm>>
      %dma_wait3A_115 = arith.constant 0 : i32
      %dma_wait3A_116 = arith.constant 0 : i32
      %dma_wait3A_117 = tpu.memref_slice %arg4[%add3A, %dma_wait3A_115, %dma_wait3A_116] : memref<32x128x80xi32, #tpu.memory_space<hbm>> -> memref<1x128x80xi32, #tpu.memory_space<hbm>>
      %dma_wait3A_118 = tpu.memref_squeeze %dma_wait3A_117 : memref<1x128x80xi32, #tpu.memory_space<hbm>> -> memref<128x80xi32, #tpu.memory_space<hbm>>
      tpu.wait_dma2 semaphore(%run_scoped3A : memref<!tpu.dma_semaphore, #tpu.memory_space<semaphore_mem>>) src(%dma_wait3A_118 : memref<128x80xi32, #tpu.memory_space<hbm>>) dst(%arg8 : memref<128x80xi32, #tpu.memory_space<vmem>>)
      tpu.yield
    }) : () -> ()
    %barrier3A = arith.constant 0 : index
    tpu.barrier barrier_id(%barrier3A)
    %scan3A = arith.constant 0 : i32
    %scan3A_35 = arith.constant 0 : i32
    %scan3A_36 = arith.constant 125 : i32
    %scan3A_37 = arith.addi %scan3A_35, %scan3A_36 : i32
    %scan3A_38 = arith.constant 1 : i32
    scf.for %scan3A_105 = %scan3A_35 to %scan3A_37 step %scan3A_38  : i32 {
      %mul3A_106 = arith.constant 80 : i32
      %mul3A_107 = arith.muli %scan3A_105, %mul3A_106 : i32
      %dma_start3A = tpu.memref_slice %arg7[%mul3A_107] : memref<10240xi32, #tpu.memory_space<vmem>> -> memref<80xi32, #tpu.memory_space<vmem>>
      %dma_start3A_108 = arith.constant 0 : i32
      %dma_start3A_109 = arith.constant 0 : i32
      %dma_start3A_110 = tpu.memref_slice %arg2[%dma_start3A_108, %dma_start3A_109] : memref<10000x128xf32, #tpu.memory_space<hbm>> -> memref<10000x128xf32, #tpu.memory_space<hbm>>
      tpu.enqueue_indirect_dma source(%dma_start3A_110 : memref<10000x128xf32, #tpu.memory_space<hbm>>) target(%arg9 : memref<80x128xf32, #tpu.memory_space<vmem>>) offsets(%dma_start3A : memref<80xi32, #tpu.memory_space<vmem>>) semaphore(%arg12 : memref<!tpu.dma_semaphore, #tpu.memory_space<semaphore_mem>>)
      %dma_wait3A = tpu.memref_slice %arg7[%mul3A_107] : memref<10240xi32, #tpu.memory_space<vmem>> -> memref<80xi32, #tpu.memory_space<vmem>>
      %dma_wait3A_111 = arith.constant 0 : i32
      %dma_wait3A_112 = arith.constant 0 : i32
      %dma_wait3A_113 = tpu.memref_slice %arg2[%dma_wait3A_111, %dma_wait3A_112] : memref<10000x128xf32, #tpu.memory_space<hbm>> -> memref<10000x128xf32, #tpu.memory_space<hbm>>
      tpu.wait_indirect_dma semaphore(%arg12 : memref<!tpu.dma_semaphore, #tpu.memory_space<semaphore_mem>>) src(%dma_wait3A_113 : memref<10000x128xf32, #tpu.memory_space<hbm>>) dst(%arg9 : memref<80x128xf32, #tpu.memory_space<vmem>>)
      "tpu.region"() ({
        %run_scoped3A = tpu.sem_alloc : memref<!tpu.dma_semaphore, #tpu.memory_space<semaphore_mem>>
        %dma_start3A_114 = arith.constant 0 : i32
        %dma_start3A_115 = tpu.memref_slice %arg8[%scan3A_105, %dma_start3A_114] : memref<128x80xi32, #tpu.memory_space<vmem>> -> memref<1x80xi32, #tpu.memory_space<vmem>>
        %dma_start3A_116 = tpu.memref_squeeze %dma_start3A_115 : memref<1x80xi32, #tpu.memory_space<vmem>> -> memref<80xi32, #tpu.memory_space<vmem>>
        %dma_start3A_117 = arith.constant 0 : i32
        %dma_start3A_118 = arith.constant 0 : i32
        %dma_start3A_119 = tpu.memref_slice %arg11[%dma_start3A_117, %dma_start3A_118] : memref<10240x128xf32, #tpu.memory_space<vmem_shared>> -> memref<10240x128xf32, #tpu.memory_space<vmem_shared>>
        tpu.enqueue_indirect_dma source(%arg9 : memref<80x128xf32, #tpu.memory_space<vmem>>) target(%dma_start3A_119 : memref<10240x128xf32, #tpu.memory_space<vmem_shared>>) offsets(%dma_start3A_116 : memref<80xi32, #tpu.memory_space<vmem>>) semaphore(%run_scoped3A : memref<!tpu.dma_semaphore, #tpu.memory_space<semaphore_mem>>) {add = true}
        %dma_wait3A_120 = arith.constant 0 : i32
        %dma_wait3A_121 = tpu.memref_slice %arg8[%scan3A_105, %dma_wait3A_120] : memref<128x80xi32, #tpu.memory_space<vmem>> -> memref<1x80xi32, #tpu.memory_space<vmem>>
        %dma_wait3A_122 = tpu.memref_squeeze %dma_wait3A_121 : memref<1x80xi32, #tpu.memory_space<vmem>> -> memref<80xi32, #tpu.memory_space<vmem>>
        %dma_wait3A_123 = arith.constant 0 : i32
        %dma_wait3A_124 = arith.constant 0 : i32
        %dma_wait3A_125 = tpu.memref_slice %arg11[%dma_wait3A_123, %dma_wait3A_124] : memref<10240x128xf32, #tpu.memory_space<vmem_shared>> -> memref<10240x128xf32, #tpu.memory_space<vmem_shared>>
        tpu.wait_indirect_dma semaphore(%run_scoped3A : memref<!tpu.dma_semaphore, #tpu.memory_space<semaphore_mem>>) src(%arg9 : memref<80x128xf32, #tpu.memory_space<vmem>>) dst(%dma_wait3A_125 : memref<10240x128xf32, #tpu.memory_space<vmem_shared>>)
        tpu.yield
      }) : () -> ()
    }
    %scan3A_39 = arith.constant 125 : i32
    %barrier3A_40 = arith.constant 0 : index
    tpu.barrier barrier_id(%barrier3A_40)
    %mul3A_41 = arith.constant 640 : i32
    %mul3A_42 = arith.muli %arg1, %mul3A_41 : i32
    %add3A_43 = arith.constant 0 : i32
    %add3A_44 = arith.addi %mul3A_42, %add3A_43 : i32
    "tpu.region"() ({
      %run_scoped3A = tpu.sem_alloc : memref<!tpu.dma_semaphore, #tpu.memory_space<semaphore_mem>>
      %dma_start3A = arith.constant 0 : i32
      %dma_start3A_105 = tpu.memref_slice %arg11[%add3A_44, %dma_start3A] : memref<10240x128xf32, #tpu.memory_space<vmem_shared>> -> memref<80x128xf32, #tpu.memory_space<vmem_shared>>
      %dma_start3A_106 = arith.constant 0 : i32
      %dma_start3A_107 = tpu.memref_slice %arg11[%add3A_44, %dma_start3A_106] : memref<10240x128xf32, #tpu.memory_space<vmem_shared>> -> memref<80x128xf32, #tpu.memory_space<vmem_shared>>
      tpu.enqueue_dma source(%dma_start3A_107 : memref<80x128xf32, #tpu.memory_space<vmem_shared>>) target(%arg9 : memref<80x128xf32, #tpu.memory_space<vmem>>) target_semaphore(%run_scoped3A : memref<!tpu.dma_semaphore, #tpu.memory_space<semaphore_mem>>)
      %dma_wait3A = arith.constant 0 : i32
      %dma_wait3A_108 = tpu.memref_slice %arg11[%add3A_44, %dma_wait3A] : memref<10240x128xf32, #tpu.memory_space<vmem_shared>> -> memref<80x128xf32, #tpu.memory_space<vmem_shared>>
      %dma_wait3A_109 = arith.constant 0 : i32
      %dma_wait3A_110 = tpu.memref_slice %arg11[%add3A_44, %dma_wait3A_109] : memref<10240x128xf32, #tpu.memory_space<vmem_shared>> -> memref<80x128xf32, #tpu.memory_space<vmem_shared>>
      tpu.wait_dma2 semaphore(%run_scoped3A : memref<!tpu.dma_semaphore, #tpu.memory_space<semaphore_mem>>) src(%dma_wait3A_110 : memref<80x128xf32, #tpu.memory_space<vmem_shared>>) dst(%arg9 : memref<80x128xf32, #tpu.memory_space<vmem>>)
      tpu.yield
    }) : () -> ()
    %mul3A_45 = arith.constant 640 : i32
    %mul3A_46 = arith.muli %arg1, %mul3A_45 : i32
    %add3A_47 = arith.constant 0 : i32
    %add3A_48 = arith.addi %mul3A_46, %add3A_47 : i32
    "tpu.region"() ({
      %run_scoped3A = tpu.sem_alloc : memref<!tpu.dma_semaphore, #tpu.memory_space<semaphore_mem>>
      %dma_start3A = arith.constant 0 : i32
      %dma_start3A_105 = tpu.memref_slice %arg6[%arg0, %add3A_48, %dma_start3A] : memref<2x10240x128xf32, #tpu.memory_space<hbm>> -> memref<1x80x128xf32, #tpu.memory_space<hbm>>
      %dma_start3A_106 = tpu.memref_squeeze %dma_start3A_105 : memref<1x80x128xf32, #tpu.memory_space<hbm>> -> memref<80x128xf32, #tpu.memory_space<hbm>>
      %dma_start3A_107 = arith.constant 0 : i32
      %dma_start3A_108 = tpu.memref_slice %arg6[%arg0, %add3A_48, %dma_start3A_107] : memref<2x10240x128xf32, #tpu.memory_space<hbm>> -> memref<1x80x128xf32, #tpu.memory_space<hbm>>
      %dma_start3A_109 = tpu.memref_squeeze %dma_start3A_108 : memref<1x80x128xf32, #tpu.memory_space<hbm>> -> memref<80x128xf32, #tpu.memory_space<hbm>>
      tpu.enqueue_dma source(%arg9 : memref<80x128xf32, #tpu.memory_space<vmem>>) target(%dma_start3A_109 : memref<80x128xf32, #tpu.memory_space<hbm>>) target_semaphore(%run_scoped3A : memref<!tpu.dma_semaphore, #tpu.memory_space<semaphore_mem>>)
      %dma_wait3A = arith.constant 0 : i32
      %dma_wait3A_110 = tpu.memref_slice %arg6[%arg0, %add3A_48, %dma_wait3A] : memref<2x10240x128xf32, #tpu.memory_space<hbm>> -> memref<1x80x128xf32, #tpu.memory_space<hbm>>
      %dma_wait3A_111 = tpu.memref_squeeze %dma_wait3A_110 : memref<1x80x128xf32, #tpu.memory_space<hbm>> -> memref<80x128xf32, #tpu.memory_space<hbm>>
      %dma_wait3A_112 = arith.constant 0 : i32
      %dma_wait3A_113 = tpu.memref_slice %arg6[%arg0, %add3A_48, %dma_wait3A_112] : memref<2x10240x128xf32, #tpu.memory_space<hbm>> -> memref<1x80x128xf32, #tpu.memory_space<hbm>>
      %dma_wait3A_114 = tpu.memref_squeeze %dma_wait3A_113 : memref<1x80x128xf32, #tpu.memory_space<hbm>> -> memref<80x128xf32, #tpu.memory_space<hbm>>
      tpu.wait_dma2 semaphore(%run_scoped3A : memref<!tpu.dma_semaphore, #tpu.memory_space<semaphore_mem>>) src(%arg9 : memref<80x128xf32, #tpu.memory_space<vmem>>) dst(%dma_wait3A_114 : memref<80x128xf32, #tpu.memory_space<hbm>>)
      tpu.yield
    }) : () -> ()
    %mul3A_49 = arith.constant 640 : i32
    %mul3A_50 = arith.muli %arg1, %mul3A_49 : i32
    %add3A_51 = arith.constant 80 : i32
    %add3A_52 = arith.addi %mul3A_50, %add3A_51 : i32
    "tpu.region"() ({
      %run_scoped3A = tpu.sem_alloc : memref<!tpu.dma_semaphore, #tpu.memory_space<semaphore_mem>>
      %dma_start3A = arith.constant 0 : i32
      %dma_start3A_105 = tpu.memref_slice %arg11[%add3A_52, %dma_start3A] : memref<10240x128xf32, #tpu.memory_space<vmem_shared>> -> memref<80x128xf32, #tpu.memory_space<vmem_shared>>
      %dma_start3A_106 = arith.constant 0 : i32
      %dma_start3A_107 = tpu.memref_slice %arg11[%add3A_52, %dma_start3A_106] : memref<10240x128xf32, #tpu.memory_space<vmem_shared>> -> memref<80x128xf32, #tpu.memory_space<vmem_shared>>
      tpu.enqueue_dma source(%dma_start3A_107 : memref<80x128xf32, #tpu.memory_space<vmem_shared>>) target(%arg9 : memref<80x128xf32, #tpu.memory_space<vmem>>) target_semaphore(%run_scoped3A : memref<!tpu.dma_semaphore, #tpu.memory_space<semaphore_mem>>)
      %dma_wait3A = arith.constant 0 : i32
      %dma_wait3A_108 = tpu.memref_slice %arg11[%add3A_52, %dma_wait3A] : memref<10240x128xf32, #tpu.memory_space<vmem_shared>> -> memref<80x128xf32, #tpu.memory_space<vmem_shared>>
      %dma_wait3A_109 = arith.constant 0 : i32
      %dma_wait3A_110 = tpu.memref_slice %arg11[%add3A_52, %dma_wait3A_109] : memref<10240x128xf32, #tpu.memory_space<vmem_shared>> -> memref<80x128xf32, #tpu.memory_space<vmem_shared>>
      tpu.wait_dma2 semaphore(%run_scoped3A : memref<!tpu.dma_semaphore, #tpu.memory_space<semaphore_mem>>) src(%dma_wait3A_110 : memref<80x128xf32, #tpu.memory_space<vmem_shared>>) dst(%arg9 : memref<80x128xf32, #tpu.memory_space<vmem>>)
      tpu.yield
    }) : () -> ()
    %mul3A_53 = arith.constant 640 : i32
    %mul3A_54 = arith.muli %arg1, %mul3A_53 : i32
    %add3A_55 = arith.constant 80 : i32
    %add3A_56 = arith.addi %mul3A_54, %add3A_55 : i32
    "tpu.region"() ({
      %run_scoped3A = tpu.sem_alloc : memref<!tpu.dma_semaphore, #tpu.memory_space<semaphore_mem>>
      %dma_start3A = arith.constant 0 : i32
      %dma_start3A_105 = tpu.memref_slice %arg6[%arg0, %add3A_56, %dma_start3A] : memref<2x10240x128xf32, #tpu.memory_space<hbm>> -> memref<1x80x128xf32, #tpu.memory_space<hbm>>
      %dma_start3A_106 = tpu.memref_squeeze %dma_start3A_105 : memref<1x80x128xf32, #tpu.memory_space<hbm>> -> memref<80x128xf32, #tpu.memory_space<hbm>>
      %dma_start3A_107 = arith.constant 0 : i32
      %dma_start3A_108 = tpu.memref_slice %arg6[%arg0, %add3A_56, %dma_start3A_107] : memref<2x10240x128xf32, #tpu.memory_space<hbm>> -> memref<1x80x128xf32, #tpu.memory_space<hbm>>
      %dma_start3A_109 = tpu.memref_squeeze %dma_start3A_108 : memref<1x80x128xf32, #tpu.memory_space<hbm>> -> memref<80x128xf32, #tpu.memory_space<hbm>>
      tpu.enqueue_dma source(%arg9 : memref<80x128xf32, #tpu.memory_space<vmem>>) target(%dma_start3A_109 : memref<80x128xf32, #tpu.memory_space<hbm>>) target_semaphore(%run_scoped3A : memref<!tpu.dma_semaphore, #tpu.memory_space<semaphore_mem>>)
      %dma_wait3A = arith.constant 0 : i32
      %dma_wait3A_110 = tpu.memref_slice %arg6[%arg0, %add3A_56, %dma_wait3A] : memref<2x10240x128xf32, #tpu.memory_space<hbm>> -> memref<1x80x128xf32, #tpu.memory_space<hbm>>
      %dma_wait3A_111 = tpu.memref_squeeze %dma_wait3A_110 : memref<1x80x128xf32, #tpu.memory_space<hbm>> -> memref<80x128xf32, #tpu.memory_space<hbm>>
      %dma_wait3A_112 = arith.constant 0 : i32
      %dma_wait3A_113 = tpu.memref_slice %arg6[%arg0, %add3A_56, %dma_wait3A_112] : memref<2x10240x128xf32, #tpu.memory_space<hbm>> -> memref<1x80x128xf32, #tpu.memory_space<hbm>>
      %dma_wait3A_114 = tpu.memref_squeeze %dma_wait3A_113 : memref<1x80x128xf32, #tpu.memory_space<hbm>> -> memref<80x128xf32, #tpu.memory_space<hbm>>
      tpu.wait_dma2 semaphore(%run_scoped3A : memref<!tpu.dma_semaphore, #tpu.memory_space<semaphore_mem>>) src(%arg9 : memref<80x128xf32, #tpu.memory_space<vmem>>) dst(%dma_wait3A_114 : memref<80x128xf32, #tpu.memory_space<hbm>>)
      tpu.yield
    }) : () -> ()
    %mul3A_57 = arith.constant 640 : i32
    %mul3A_58 = arith.muli %arg1, %mul3A_57 : i32
    %add3A_59 = arith.constant 160 : i32
    %add3A_60 = arith.addi %mul3A_58, %add3A_59 : i32
    "tpu.region"() ({
      %run_scoped3A = tpu.sem_alloc : memref<!tpu.dma_semaphore, #tpu.memory_space<semaphore_mem>>
      %dma_start3A = arith.constant 0 : i32
      %dma_start3A_105 = tpu.memref_slice %arg11[%add3A_60, %dma_start3A] : memref<10240x128xf32, #tpu.memory_space<vmem_shared>> -> memref<80x128xf32, #tpu.memory_space<vmem_shared>>
      %dma_start3A_106 = arith.constant 0 : i32
      %dma_start3A_107 = tpu.memref_slice %arg11[%add3A_60, %dma_start3A_106] : memref<10240x128xf32, #tpu.memory_space<vmem_shared>> -> memref<80x128xf32, #tpu.memory_space<vmem_shared>>
      tpu.enqueue_dma source(%dma_start3A_107 : memref<80x128xf32, #tpu.memory_space<vmem_shared>>) target(%arg9 : memref<80x128xf32, #tpu.memory_space<vmem>>) target_semaphore(%run_scoped3A : memref<!tpu.dma_semaphore, #tpu.memory_space<semaphore_mem>>)
      %dma_wait3A = arith.constant 0 : i32
      %dma_wait3A_108 = tpu.memref_slice %arg11[%add3A_60, %dma_wait3A] : memref<10240x128xf32, #tpu.memory_space<vmem_shared>> -> memref<80x128xf32, #tpu.memory_space<vmem_shared>>
      %dma_wait3A_109 = arith.constant 0 : i32
      %dma_wait3A_110 = tpu.memref_slice %arg11[%add3A_60, %dma_wait3A_109] : memref<10240x128xf32, #tpu.memory_space<vmem_shared>> -> memref<80x128xf32, #tpu.memory_space<vmem_shared>>
      tpu.wait_dma2 semaphore(%run_scoped3A : memref<!tpu.dma_semaphore, #tpu.memory_space<semaphore_mem>>) src(%dma_wait3A_110 : memref<80x128xf32, #tpu.memory_space<vmem_shared>>) dst(%arg9 : memref<80x128xf32, #tpu.memory_space<vmem>>)
      tpu.yield
    }) : () -> ()
    %mul3A_61 = arith.constant 640 : i32
    %mul3A_62 = arith.muli %arg1, %mul3A_61 : i32
    %add3A_63 = arith.constant 160 : i32
    %add3A_64 = arith.addi %mul3A_62, %add3A_63 : i32
    "tpu.region"() ({
      %run_scoped3A = tpu.sem_alloc : memref<!tpu.dma_semaphore, #tpu.memory_space<semaphore_mem>>
      %dma_start3A = arith.constant 0 : i32
      %dma_start3A_105 = tpu.memref_slice %arg6[%arg0, %add3A_64, %dma_start3A] : memref<2x10240x128xf32, #tpu.memory_space<hbm>> -> memref<1x80x128xf32, #tpu.memory_space<hbm>>
      %dma_start3A_106 = tpu.memref_squeeze %dma_start3A_105 : memref<1x80x128xf32, #tpu.memory_space<hbm>> -> memref<80x128xf32, #tpu.memory_space<hbm>>
      %dma_start3A_107 = arith.constant 0 : i32
      %dma_start3A_108 = tpu.memref_slice %arg6[%arg0, %add3A_64, %dma_start3A_107] : memref<2x10240x128xf32, #tpu.memory_space<hbm>> -> memref<1x80x128xf32, #tpu.memory_space<hbm>>
      %dma_start3A_109 = tpu.memref_squeeze %dma_start3A_108 : memref<1x80x128xf32, #tpu.memory_space<hbm>> -> memref<80x128xf32, #tpu.memory_space<hbm>>
      tpu.enqueue_dma source(%arg9 : memref<80x128xf32, #tpu.memory_space<vmem>>) target(%dma_start3A_109 : memref<80x128xf32, #tpu.memory_space<hbm>>) target_semaphore(%run_scoped3A : memref<!tpu.dma_semaphore, #tpu.memory_space<semaphore_mem>>)
      %dma_wait3A = arith.constant 0 : i32
      %dma_wait3A_110 = tpu.memref_slice %arg6[%arg0, %add3A_64, %dma_wait3A] : memref<2x10240x128xf32, #tpu.memory_space<hbm>> -> memref<1x80x128xf32, #tpu.memory_space<hbm>>
      %dma_wait3A_111 = tpu.memref_squeeze %dma_wait3A_110 : memref<1x80x128xf32, #tpu.memory_space<hbm>> -> memref<80x128xf32, #tpu.memory_space<hbm>>
      %dma_wait3A_112 = arith.constant 0 : i32
      %dma_wait3A_113 = tpu.memref_slice %arg6[%arg0, %add3A_64, %dma_wait3A_112] : memref<2x10240x128xf32, #tpu.memory_space<hbm>> -> memref<1x80x128xf32, #tpu.memory_space<hbm>>
      %dma_wait3A_114 = tpu.memref_squeeze %dma_wait3A_113 : memref<1x80x128xf32, #tpu.memory_space<hbm>> -> memref<80x128xf32, #tpu.memory_space<hbm>>
      tpu.wait_dma2 semaphore(%run_scoped3A : memref<!tpu.dma_semaphore, #tpu.memory_space<semaphore_mem>>) src(%arg9 : memref<80x128xf32, #tpu.memory_space<vmem>>) dst(%dma_wait3A_114 : memref<80x128xf32, #tpu.memory_space<hbm>>)
      tpu.yield
    }) : () -> ()
    %mul3A_65 = arith.constant 640 : i32
    %mul3A_66 = arith.muli %arg1, %mul3A_65 : i32
    %add3A_67 = arith.constant 240 : i32
    %add3A_68 = arith.addi %mul3A_66, %add3A_67 : i32
    "tpu.region"() ({
      %run_scoped3A = tpu.sem_alloc : memref<!tpu.dma_semaphore, #tpu.memory_space<semaphore_mem>>
      %dma_start3A = arith.constant 0 : i32
      %dma_start3A_105 = tpu.memref_slice %arg11[%add3A_68, %dma_start3A] : memref<10240x128xf32, #tpu.memory_space<vmem_shared>> -> memref<80x128xf32, #tpu.memory_space<vmem_shared>>
      %dma_start3A_106 = arith.constant 0 : i32
      %dma_start3A_107 = tpu.memref_slice %arg11[%add3A_68, %dma_start3A_106] : memref<10240x128xf32, #tpu.memory_space<vmem_shared>> -> memref<80x128xf32, #tpu.memory_space<vmem_shared>>
      tpu.enqueue_dma source(%dma_start3A_107 : memref<80x128xf32, #tpu.memory_space<vmem_shared>>) target(%arg9 : memref<80x128xf32, #tpu.memory_space<vmem>>) target_semaphore(%run_scoped3A : memref<!tpu.dma_semaphore, #tpu.memory_space<semaphore_mem>>)
      %dma_wait3A = arith.constant 0 : i32
      %dma_wait3A_108 = tpu.memref_slice %arg11[%add3A_68, %dma_wait3A] : memref<10240x128xf32, #tpu.memory_space<vmem_shared>> -> memref<80x128xf32, #tpu.memory_space<vmem_shared>>
      %dma_wait3A_109 = arith.constant 0 : i32
      %dma_wait3A_110 = tpu.memref_slice %arg11[%add3A_68, %dma_wait3A_109] : memref<10240x128xf32, #tpu.memory_space<vmem_shared>> -> memref<80x128xf32, #tpu.memory_space<vmem_shared>>
      tpu.wait_dma2 semaphore(%run_scoped3A : memref<!tpu.dma_semaphore, #tpu.memory_space<semaphore_mem>>) src(%dma_wait3A_110 : memref<80x128xf32, #tpu.memory_space<vmem_shared>>) dst(%arg9 : memref<80x128xf32, #tpu.memory_space<vmem>>)
      tpu.yield
    }) : () -> ()
    %mul3A_69 = arith.constant 640 : i32
    %mul3A_70 = arith.muli %arg1, %mul3A_69 : i32
    %add3A_71 = arith.constant 240 : i32
    %add3A_72 = arith.addi %mul3A_70, %add3A_71 : i32
    "tpu.region"() ({
      %run_scoped3A = tpu.sem_alloc : memref<!tpu.dma_semaphore, #tpu.memory_space<semaphore_mem>>
      %dma_start3A = arith.constant 0 : i32
      %dma_start3A_105 = tpu.memref_slice %arg6[%arg0, %add3A_72, %dma_start3A] : memref<2x10240x128xf32, #tpu.memory_space<hbm>> -> memref<1x80x128xf32, #tpu.memory_space<hbm>>
      %dma_start3A_106 = tpu.memref_squeeze %dma_start3A_105 : memref<1x80x128xf32, #tpu.memory_space<hbm>> -> memref<80x128xf32, #tpu.memory_space<hbm>>
      %dma_start3A_107 = arith.constant 0 : i32
      %dma_start3A_108 = tpu.memref_slice %arg6[%arg0, %add3A_72, %dma_start3A_107] : memref<2x10240x128xf32, #tpu.memory_space<hbm>> -> memref<1x80x128xf32, #tpu.memory_space<hbm>>
      %dma_start3A_109 = tpu.memref_squeeze %dma_start3A_108 : memref<1x80x128xf32, #tpu.memory_space<hbm>> -> memref<80x128xf32, #tpu.memory_space<hbm>>
      tpu.enqueue_dma source(%arg9 : memref<80x128xf32, #tpu.memory_space<vmem>>) target(%dma_start3A_109 : memref<80x128xf32, #tpu.memory_space<hbm>>) target_semaphore(%run_scoped3A : memref<!tpu.dma_semaphore, #tpu.memory_space<semaphore_mem>>)
      %dma_wait3A = arith.constant 0 : i32
      %dma_wait3A_110 = tpu.memref_slice %arg6[%arg0, %add3A_72, %dma_wait3A] : memref<2x10240x128xf32, #tpu.memory_space<hbm>> -> memref<1x80x128xf32, #tpu.memory_space<hbm>>
      %dma_wait3A_111 = tpu.memref_squeeze %dma_wait3A_110 : memref<1x80x128xf32, #tpu.memory_space<hbm>> -> memref<80x128xf32, #tpu.memory_space<hbm>>
      %dma_wait3A_112 = arith.constant 0 : i32
      %dma_wait3A_113 = tpu.memref_slice %arg6[%arg0, %add3A_72, %dma_wait3A_112] : memref<2x10240x128xf32, #tpu.memory_space<hbm>> -> memref<1x80x128xf32, #tpu.memory_space<hbm>>
      %dma_wait3A_114 = tpu.memref_squeeze %dma_wait3A_113 : memref<1x80x128xf32, #tpu.memory_space<hbm>> -> memref<80x128xf32, #tpu.memory_space<hbm>>
      tpu.wait_dma2 semaphore(%run_scoped3A : memref<!tpu.dma_semaphore, #tpu.memory_space<semaphore_mem>>) src(%arg9 : memref<80x128xf32, #tpu.memory_space<vmem>>) dst(%dma_wait3A_114 : memref<80x128xf32, #tpu.memory_space<hbm>>)
      tpu.yield
    }) : () -> ()
    %mul3A_73 = arith.constant 640 : i32
    %mul3A_74 = arith.muli %arg1, %mul3A_73 : i32
    %add3A_75 = arith.constant 320 : i32
    %add3A_76 = arith.addi %mul3A_74, %add3A_75 : i32
    "tpu.region"() ({
      %run_scoped3A = tpu.sem_alloc : memref<!tpu.dma_semaphore, #tpu.memory_space<semaphore_mem>>
      %dma_start3A = arith.constant 0 : i32
      %dma_start3A_105 = tpu.memref_slice %arg11[%add3A_76, %dma_start3A] : memref<10240x128xf32, #tpu.memory_space<vmem_shared>> -> memref<80x128xf32, #tpu.memory_space<vmem_shared>>
      %dma_start3A_106 = arith.constant 0 : i32
      %dma_start3A_107 = tpu.memref_slice %arg11[%add3A_76, %dma_start3A_106] : memref<10240x128xf32, #tpu.memory_space<vmem_shared>> -> memref<80x128xf32, #tpu.memory_space<vmem_shared>>
      tpu.enqueue_dma source(%dma_start3A_107 : memref<80x128xf32, #tpu.memory_space<vmem_shared>>) target(%arg9 : memref<80x128xf32, #tpu.memory_space<vmem>>) target_semaphore(%run_scoped3A : memref<!tpu.dma_semaphore, #tpu.memory_space<semaphore_mem>>)
      %dma_wait3A = arith.constant 0 : i32
      %dma_wait3A_108 = tpu.memref_slice %arg11[%add3A_76, %dma_wait3A] : memref<10240x128xf32, #tpu.memory_space<vmem_shared>> -> memref<80x128xf32, #tpu.memory_space<vmem_shared>>
      %dma_wait3A_109 = arith.constant 0 : i32
      %dma_wait3A_110 = tpu.memref_slice %arg11[%add3A_76, %dma_wait3A_109] : memref<10240x128xf32, #tpu.memory_space<vmem_shared>> -> memref<80x128xf32, #tpu.memory_space<vmem_shared>>
      tpu.wait_dma2 semaphore(%run_scoped3A : memref<!tpu.dma_semaphore, #tpu.memory_space<semaphore_mem>>) src(%dma_wait3A_110 : memref<80x128xf32, #tpu.memory_space<vmem_shared>>) dst(%arg9 : memref<80x128xf32, #tpu.memory_space<vmem>>)
      tpu.yield
    }) : () -> ()
    %mul3A_77 = arith.constant 640 : i32
    %mul3A_78 = arith.muli %arg1, %mul3A_77 : i32
    %add3A_79 = arith.constant 320 : i32
    %add3A_80 = arith.addi %mul3A_78, %add3A_79 : i32
    "tpu.region"() ({
      %run_scoped3A = tpu.sem_alloc : memref<!tpu.dma_semaphore, #tpu.memory_space<semaphore_mem>>
      %dma_start3A = arith.constant 0 : i32
      %dma_start3A_105 = tpu.memref_slice %arg6[%arg0, %add3A_80, %dma_start3A] : memref<2x10240x128xf32, #tpu.memory_space<hbm>> -> memref<1x80x128xf32, #tpu.memory_space<hbm>>
      %dma_start3A_106 = tpu.memref_squeeze %dma_start3A_105 : memref<1x80x128xf32, #tpu.memory_space<hbm>> -> memref<80x128xf32, #tpu.memory_space<hbm>>
      %dma_start3A_107 = arith.constant 0 : i32
      %dma_start3A_108 = tpu.memref_slice %arg6[%arg0, %add3A_80, %dma_start3A_107] : memref<2x10240x128xf32, #tpu.memory_space<hbm>> -> memref<1x80x128xf32, #tpu.memory_space<hbm>>
      %dma_start3A_109 = tpu.memref_squeeze %dma_start3A_108 : memref<1x80x128xf32, #tpu.memory_space<hbm>> -> memref<80x128xf32, #tpu.memory_space<hbm>>
      tpu.enqueue_dma source(%arg9 : memref<80x128xf32, #tpu.memory_space<vmem>>) target(%dma_start3A_109 : memref<80x128xf32, #tpu.memory_space<hbm>>) target_semaphore(%run_scoped3A : memref<!tpu.dma_semaphore, #tpu.memory_space<semaphore_mem>>)
      %dma_wait3A = arith.constant 0 : i32
      %dma_wait3A_110 = tpu.memref_slice %arg6[%arg0, %add3A_80, %dma_wait3A] : memref<2x10240x128xf32, #tpu.memory_space<hbm>> -> memref<1x80x128xf32, #tpu.memory_space<hbm>>
      %dma_wait3A_111 = tpu.memref_squeeze %dma_wait3A_110 : memref<1x80x128xf32, #tpu.memory_space<hbm>> -> memref<80x128xf32, #tpu.memory_space<hbm>>
      %dma_wait3A_112 = arith.constant 0 : i32
      %dma_wait3A_113 = tpu.memref_slice %arg6[%arg0, %add3A_80, %dma_wait3A_112] : memref<2x10240x128xf32, #tpu.memory_space<hbm>> -> memref<1x80x128xf32, #tpu.memory_space<hbm>>
      %dma_wait3A_114 = tpu.memref_squeeze %dma_wait3A_113 : memref<1x80x128xf32, #tpu.memory_space<hbm>> -> memref<80x128xf32, #tpu.memory_space<hbm>>
      tpu.wait_dma2 semaphore(%run_scoped3A : memref<!tpu.dma_semaphore, #tpu.memory_space<semaphore_mem>>) src(%arg9 : memref<80x128xf32, #tpu.memory_space<vmem>>) dst(%dma_wait3A_114 : memref<80x128xf32, #tpu.memory_space<hbm>>)
      tpu.yield
    }) : () -> ()
    %mul3A_81 = arith.constant 640 : i32
    %mul3A_82 = arith.muli %arg1, %mul3A_81 : i32
    %add3A_83 = arith.constant 400 : i32
    %add3A_84 = arith.addi %mul3A_82, %add3A_83 : i32
    "tpu.region"() ({
      %run_scoped3A = tpu.sem_alloc : memref<!tpu.dma_semaphore, #tpu.memory_space<semaphore_mem>>
      %dma_start3A = arith.constant 0 : i32
      %dma_start3A_105 = tpu.memref_slice %arg11[%add3A_84, %dma_start3A] : memref<10240x128xf32, #tpu.memory_space<vmem_shared>> -> memref<80x128xf32, #tpu.memory_space<vmem_shared>>
      %dma_start3A_106 = arith.constant 0 : i32
      %dma_start3A_107 = tpu.memref_slice %arg11[%add3A_84, %dma_start3A_106] : memref<10240x128xf32, #tpu.memory_space<vmem_shared>> -> memref<80x128xf32, #tpu.memory_space<vmem_shared>>
      tpu.enqueue_dma source(%dma_start3A_107 : memref<80x128xf32, #tpu.memory_space<vmem_shared>>) target(%arg9 : memref<80x128xf32, #tpu.memory_space<vmem>>) target_semaphore(%run_scoped3A : memref<!tpu.dma_semaphore, #tpu.memory_space<semaphore_mem>>)
      %dma_wait3A = arith.constant 0 : i32
      %dma_wait3A_108 = tpu.memref_slice %arg11[%add3A_84, %dma_wait3A] : memref<10240x128xf32, #tpu.memory_space<vmem_shared>> -> memref<80x128xf32, #tpu.memory_space<vmem_shared>>
      %dma_wait3A_109 = arith.constant 0 : i32
      %dma_wait3A_110 = tpu.memref_slice %arg11[%add3A_84, %dma_wait3A_109] : memref<10240x128xf32, #tpu.memory_space<vmem_shared>> -> memref<80x128xf32, #tpu.memory_space<vmem_shared>>
      tpu.wait_dma2 semaphore(%run_scoped3A : memref<!tpu.dma_semaphore, #tpu.memory_space<semaphore_mem>>) src(%dma_wait3A_110 : memref<80x128xf32, #tpu.memory_space<vmem_shared>>) dst(%arg9 : memref<80x128xf32, #tpu.memory_space<vmem>>)
      tpu.yield
    }) : () -> ()
    %mul3A_85 = arith.constant 640 : i32
    %mul3A_86 = arith.muli %arg1, %mul3A_85 : i32
    %add3A_87 = arith.constant 400 : i32
    %add3A_88 = arith.addi %mul3A_86, %add3A_87 : i32
    "tpu.region"() ({
      %run_scoped3A = tpu.sem_alloc : memref<!tpu.dma_semaphore, #tpu.memory_space<semaphore_mem>>
      %dma_start3A = arith.constant 0 : i32
      %dma_start3A_105 = tpu.memref_slice %arg6[%arg0, %add3A_88, %dma_start3A] : memref<2x10240x128xf32, #tpu.memory_space<hbm>> -> memref<1x80x128xf32, #tpu.memory_space<hbm>>
      %dma_start3A_106 = tpu.memref_squeeze %dma_start3A_105 : memref<1x80x128xf32, #tpu.memory_space<hbm>> -> memref<80x128xf32, #tpu.memory_space<hbm>>
      %dma_start3A_107 = arith.constant 0 : i32
      %dma_start3A_108 = tpu.memref_slice %arg6[%arg0, %add3A_88, %dma_start3A_107] : memref<2x10240x128xf32, #tpu.memory_space<hbm>> -> memref<1x80x128xf32, #tpu.memory_space<hbm>>
      %dma_start3A_109 = tpu.memref_squeeze %dma_start3A_108 : memref<1x80x128xf32, #tpu.memory_space<hbm>> -> memref<80x128xf32, #tpu.memory_space<hbm>>
      tpu.enqueue_dma source(%arg9 : memref<80x128xf32, #tpu.memory_space<vmem>>) target(%dma_start3A_109 : memref<80x128xf32, #tpu.memory_space<hbm>>) target_semaphore(%run_scoped3A : memref<!tpu.dma_semaphore, #tpu.memory_space<semaphore_mem>>)
      %dma_wait3A = arith.constant 0 : i32
      %dma_wait3A_110 = tpu.memref_slice %arg6[%arg0, %add3A_88, %dma_wait3A] : memref<2x10240x128xf32, #tpu.memory_space<hbm>> -> memref<1x80x128xf32, #tpu.memory_space<hbm>>
      %dma_wait3A_111 = tpu.memref_squeeze %dma_wait3A_110 : memref<1x80x128xf32, #tpu.memory_space<hbm>> -> memref<80x128xf32, #tpu.memory_space<hbm>>
      %dma_wait3A_112 = arith.constant 0 : i32
      %dma_wait3A_113 = tpu.memref_slice %arg6[%arg0, %add3A_88, %dma_wait3A_112] : memref<2x10240x128xf32, #tpu.memory_space<hbm>> -> memref<1x80x128xf32, #tpu.memory_space<hbm>>
      %dma_wait3A_114 = tpu.memref_squeeze %dma_wait3A_113 : memref<1x80x128xf32, #tpu.memory_space<hbm>> -> memref<80x128xf32, #tpu.memory_space<hbm>>
      tpu.wait_dma2 semaphore(%run_scoped3A : memref<!tpu.dma_semaphore, #tpu.memory_space<semaphore_mem>>) src(%arg9 : memref<80x128xf32, #tpu.memory_space<vmem>>) dst(%dma_wait3A_114 : memref<80x128xf32, #tpu.memory_space<hbm>>)
      tpu.yield
    }) : () -> ()
    %mul3A_89 = arith.constant 640 : i32
    %mul3A_90 = arith.muli %arg1, %mul3A_89 : i32
    %add3A_91 = arith.constant 480 : i32
    %add3A_92 = arith.addi %mul3A_90, %add3A_91 : i32
    "tpu.region"() ({
      %run_scoped3A = tpu.sem_alloc : memref<!tpu.dma_semaphore, #tpu.memory_space<semaphore_mem>>
      %dma_start3A = arith.constant 0 : i32
      %dma_start3A_105 = tpu.memref_slice %arg11[%add3A_92, %dma_start3A] : memref<10240x128xf32, #tpu.memory_space<vmem_shared>> -> memref<80x128xf32, #tpu.memory_space<vmem_shared>>
      %dma_start3A_106 = arith.constant 0 : i32
      %dma_start3A_107 = tpu.memref_slice %arg11[%add3A_92, %dma_start3A_106] : memref<10240x128xf32, #tpu.memory_space<vmem_shared>> -> memref<80x128xf32, #tpu.memory_space<vmem_shared>>
      tpu.enqueue_dma source(%dma_start3A_107 : memref<80x128xf32, #tpu.memory_space<vmem_shared>>) target(%arg9 : memref<80x128xf32, #tpu.memory_space<vmem>>) target_semaphore(%run_scoped3A : memref<!tpu.dma_semaphore, #tpu.memory_space<semaphore_mem>>)
      %dma_wait3A = arith.constant 0 : i32
      %dma_wait3A_108 = tpu.memref_slice %arg11[%add3A_92, %dma_wait3A] : memref<10240x128xf32, #tpu.memory_space<vmem_shared>> -> memref<80x128xf32, #tpu.memory_space<vmem_shared>>
      %dma_wait3A_109 = arith.constant 0 : i32
      %dma_wait3A_110 = tpu.memref_slice %arg11[%add3A_92, %dma_wait3A_109] : memref<10240x128xf32, #tpu.memory_space<vmem_shared>> -> memref<80x128xf32, #tpu.memory_space<vmem_shared>>
      tpu.wait_dma2 semaphore(%run_scoped3A : memref<!tpu.dma_semaphore, #tpu.memory_space<semaphore_mem>>) src(%dma_wait3A_110 : memref<80x128xf32, #tpu.memory_space<vmem_shared>>) dst(%arg9 : memref<80x128xf32, #tpu.memory_space<vmem>>)
      tpu.yield
    }) : () -> ()
    %mul3A_93 = arith.constant 640 : i32
    %mul3A_94 = arith.muli %arg1, %mul3A_93 : i32
    %add3A_95 = arith.constant 480 : i32
    %add3A_96 = arith.addi %mul3A_94, %add3A_95 : i32
    "tpu.region"() ({
      %run_scoped3A = tpu.sem_alloc : memref<!tpu.dma_semaphore, #tpu.memory_space<semaphore_mem>>
      %dma_start3A = arith.constant 0 : i32
      %dma_start3A_105 = tpu.memref_slice %arg6[%arg0, %add3A_96, %dma_start3A] : memref<2x10240x128xf32, #tpu.memory_space<hbm>> -> memref<1x80x128xf32, #tpu.memory_space<hbm>>
      %dma_start3A_106 = tpu.memref_squeeze %dma_start3A_105 : memref<1x80x128xf32, #tpu.memory_space<hbm>> -> memref<80x128xf32, #tpu.memory_space<hbm>>
      %dma_start3A_107 = arith.constant 0 : i32
      %dma_start3A_108 = tpu.memref_slice %arg6[%arg0, %add3A_96, %dma_start3A_107] : memref<2x10240x128xf32, #tpu.memory_space<hbm>> -> memref<1x80x128xf32, #tpu.memory_space<hbm>>
      %dma_start3A_109 = tpu.memref_squeeze %dma_start3A_108 : memref<1x80x128xf32, #tpu.memory_space<hbm>> -> memref<80x128xf32, #tpu.memory_space<hbm>>
      tpu.enqueue_dma source(%arg9 : memref<80x128xf32, #tpu.memory_space<vmem>>) target(%dma_start3A_109 : memref<80x128xf32, #tpu.memory_space<hbm>>) target_semaphore(%run_scoped3A : memref<!tpu.dma_semaphore, #tpu.memory_space<semaphore_mem>>)
      %dma_wait3A = arith.constant 0 : i32
      %dma_wait3A_110 = tpu.memref_slice %arg6[%arg0, %add3A_96, %dma_wait3A] : memref<2x10240x128xf32, #tpu.memory_space<hbm>> -> memref<1x80x128xf32, #tpu.memory_space<hbm>>
      %dma_wait3A_111 = tpu.memref_squeeze %dma_wait3A_110 : memref<1x80x128xf32, #tpu.memory_space<hbm>> -> memref<80x128xf32, #tpu.memory_space<hbm>>
      %dma_wait3A_112 = arith.constant 0 : i32
      %dma_wait3A_113 = tpu.memref_slice %arg6[%arg0, %add3A_96, %dma_wait3A_112] : memref<2x10240x128xf32, #tpu.memory_space<hbm>> -> memref<1x80x128xf32, #tpu.memory_space<hbm>>
      %dma_wait3A_114 = tpu.memref_squeeze %dma_wait3A_113 : memref<1x80x128xf32, #tpu.memory_space<hbm>> -> memref<80x128xf32, #tpu.memory_space<hbm>>
      tpu.wait_dma2 semaphore(%run_scoped3A : memref<!tpu.dma_semaphore, #tpu.memory_space<semaphore_mem>>) src(%arg9 : memref<80x128xf32, #tpu.memory_space<vmem>>) dst(%dma_wait3A_114 : memref<80x128xf32, #tpu.memory_space<hbm>>)
      tpu.yield
    }) : () -> ()
    %mul3A_97 = arith.constant 640 : i32
    %mul3A_98 = arith.muli %arg1, %mul3A_97 : i32
    %add3A_99 = arith.constant 560 : i32
    %add3A_100 = arith.addi %mul3A_98, %add3A_99 : i32
    "tpu.region"() ({
      %run_scoped3A = tpu.sem_alloc : memref<!tpu.dma_semaphore, #tpu.memory_space<semaphore_mem>>
      %dma_start3A = arith.constant 0 : i32
      %dma_start3A_105 = tpu.memref_slice %arg11[%add3A_100, %dma_start3A] : memref<10240x128xf32, #tpu.memory_space<vmem_shared>> -> memref<80x128xf32, #tpu.memory_space<vmem_shared>>
      %dma_start3A_106 = arith.constant 0 : i32
      %dma_start3A_107 = tpu.memref_slice %arg11[%add3A_100, %dma_start3A_106] : memref<10240x128xf32, #tpu.memory_space<vmem_shared>> -> memref<80x128xf32, #tpu.memory_space<vmem_shared>>
      tpu.enqueue_dma source(%dma_start3A_107 : memref<80x128xf32, #tpu.memory_space<vmem_shared>>) target(%arg9 : memref<80x128xf32, #tpu.memory_space<vmem>>) target_semaphore(%run_scoped3A : memref<!tpu.dma_semaphore, #tpu.memory_space<semaphore_mem>>)
      %dma_wait3A = arith.constant 0 : i32
      %dma_wait3A_108 = tpu.memref_slice %arg11[%add3A_100, %dma_wait3A] : memref<10240x128xf32, #tpu.memory_space<vmem_shared>> -> memref<80x128xf32, #tpu.memory_space<vmem_shared>>
      %dma_wait3A_109 = arith.constant 0 : i32
      %dma_wait3A_110 = tpu.memref_slice %arg11[%add3A_100, %dma_wait3A_109] : memref<10240x128xf32, #tpu.memory_space<vmem_shared>> -> memref<80x128xf32, #tpu.memory_space<vmem_shared>>
      tpu.wait_dma2 semaphore(%run_scoped3A : memref<!tpu.dma_semaphore, #tpu.memory_space<semaphore_mem>>) src(%dma_wait3A_110 : memref<80x128xf32, #tpu.memory_space<vmem_shared>>) dst(%arg9 : memref<80x128xf32, #tpu.memory_space<vmem>>)
      tpu.yield
    }) : () -> ()
    %mul3A_101 = arith.constant 640 : i32
    %mul3A_102 = arith.muli %arg1, %mul3A_101 : i32
    %add3A_103 = arith.constant 560 : i32
    %add3A_104 = arith.addi %mul3A_102, %add3A_103 : i32
    "tpu.region"() ({
      %run_scoped3A = tpu.sem_alloc : memref<!tpu.dma_semaphore, #tpu.memory_space<semaphore_mem>>
      %dma_start3A = arith.constant 0 : i32
      %dma_start3A_105 = tpu.memref_slice %arg6[%arg0, %add3A_104, %dma_start3A] : memref<2x10240x128xf32, #tpu.memory_space<hbm>> -> memref<1x80x128xf32, #tpu.memory_space<hbm>>
      %dma_start3A_106 = tpu.memref_squeeze %dma_start3A_105 : memref<1x80x128xf32, #tpu.memory_space<hbm>> -> memref<80x128xf32, #tpu.memory_space<hbm>>
      %dma_start3A_107 = arith.constant 0 : i32
      %dma_start3A_108 = tpu.memref_slice %arg6[%arg0, %add3A_104, %dma_start3A_107] : memref<2x10240x128xf32, #tpu.memory_space<hbm>> -> memref<1x80x128xf32, #tpu.memory_space<hbm>>
      %dma_start3A_109 = tpu.memref_squeeze %dma_start3A_108 : memref<1x80x128xf32, #tpu.memory_space<hbm>> -> memref<80x128xf32, #tpu.memory_space<hbm>>
      tpu.enqueue_dma source(%arg9 : memref<80x128xf32, #tpu.memory_space<vmem>>) target(%dma_start3A_109 : memref<80x128xf32, #tpu.memory_space<hbm>>) target_semaphore(%run_scoped3A : memref<!tpu.dma_semaphore, #tpu.memory_space<semaphore_mem>>)
      %dma_wait3A = arith.constant 0 : i32
      %dma_wait3A_110 = tpu.memref_slice %arg6[%arg0, %add3A_104, %dma_wait3A] : memref<2x10240x128xf32, #tpu.memory_space<hbm>> -> memref<1x80x128xf32, #tpu.memory_space<hbm>>
      %dma_wait3A_111 = tpu.memref_squeeze %dma_wait3A_110 : memref<1x80x128xf32, #tpu.memory_space<hbm>> -> memref<80x128xf32, #tpu.memory_space<hbm>>
      %dma_wait3A_112 = arith.constant 0 : i32
      %dma_wait3A_113 = tpu.memref_slice %arg6[%arg0, %add3A_104, %dma_wait3A_112] : memref<2x10240x128xf32, #tpu.memory_space<hbm>> -> memref<1x80x128xf32, #tpu.memory_space<hbm>>
      %dma_wait3A_114 = tpu.memref_squeeze %dma_wait3A_113 : memref<1x80x128xf32, #tpu.memory_space<hbm>> -> memref<80x128xf32, #tpu.memory_space<hbm>>
      tpu.wait_dma2 semaphore(%run_scoped3A : memref<!tpu.dma_semaphore, #tpu.memory_space<semaphore_mem>>) src(%arg9 : memref<80x128xf32, #tpu.memory_space<vmem>>) dst(%dma_wait3A_114 : memref<80x128xf32, #tpu.memory_space<hbm>>)
      tpu.yield
    }) : () -> ()
    return
  }
}

#map = affine_map<(d0, d1) -> (0, 0, 0)>
#map1 = affine_map<(d0, d1) -> (0, 0)>
module attributes {stable_mosaic.version = 14 : i64} {
  func.func @_deg(%arg0: i32, %arg1: i32, %arg2: memref<32x125x80xi32, #tpu.memory_space<hbm>>, %arg3: memref<80x128xf32, #tpu.memory_space<hbm>>, %arg4: memref<80x128xf32, #tpu.memory_space<hbm>>, %arg5: memref<2x10240x128xf32, #tpu.memory_space<hbm>>, %arg6: memref<125x80xi32, #tpu.memory_space<vmem>>, %arg7: memref<80x128xf32, #tpu.memory_space<vmem>>, %arg8: memref<10240x128xf32, #tpu.memory_space<vmem_shared>>) attributes {dimension_semantics = [#tpu.dimension_semantics<core_parallel>, #tpu.dimension_semantics<subcore_parallel>], iteration_bounds = array<i64: 2, 16>, scalar_prefetch = 0 : i64, scratch_operands = 3 : i64, tpu.core_type = #tpu.core_type<sc_vector_subcore>, window_params = [{transform_indices = #map}, {transform_indices = #map1}, {transform_indices = #map1}, {transform_indices = #map}]} {
    %mul3A = arith.constant 2 : i32
    %mul3A_0 = arith.muli %arg1, %mul3A : i32
    %add3A = arith.addi %mul3A_0, %arg0 : i32
    "tpu.region"() ({
      %run_scoped3A = tpu.sem_alloc : memref<!tpu.dma_semaphore, #tpu.memory_space<semaphore_mem>>
      tpu.enqueue_dma source(%arg3 : memref<80x128xf32, #tpu.memory_space<hbm>>) target(%arg7 : memref<80x128xf32, #tpu.memory_space<vmem>>) target_semaphore(%run_scoped3A : memref<!tpu.dma_semaphore, #tpu.memory_space<semaphore_mem>>)
      tpu.wait_dma2 semaphore(%run_scoped3A : memref<!tpu.dma_semaphore, #tpu.memory_space<semaphore_mem>>) src(%arg3 : memref<80x128xf32, #tpu.memory_space<hbm>>) dst(%arg7 : memref<80x128xf32, #tpu.memory_space<vmem>>)
      tpu.yield
    }) : () -> ()
    %mul3A_1 = arith.constant 640 : i32
    %mul3A_2 = arith.muli %arg1, %mul3A_1 : i32
    %add3A_3 = arith.constant 0 : i32
    %add3A_4 = arith.addi %mul3A_2, %add3A_3 : i32
    "tpu.region"() ({
      %run_scoped3A = tpu.sem_alloc : memref<!tpu.dma_semaphore, #tpu.memory_space<semaphore_mem>>
      %dma_start3A = arith.constant 0 : i32
      %dma_start3A_103 = tpu.memref_slice %arg8[%add3A_4, %dma_start3A] : memref<10240x128xf32, #tpu.memory_space<vmem_shared>> -> memref<80x128xf32, #tpu.memory_space<vmem_shared>>
      %dma_start3A_104 = arith.constant 0 : i32
      %dma_start3A_105 = tpu.memref_slice %arg8[%add3A_4, %dma_start3A_104] : memref<10240x128xf32, #tpu.memory_space<vmem_shared>> -> memref<80x128xf32, #tpu.memory_space<vmem_shared>>
      tpu.enqueue_dma source(%arg7 : memref<80x128xf32, #tpu.memory_space<vmem>>) target(%dma_start3A_105 : memref<80x128xf32, #tpu.memory_space<vmem_shared>>) target_semaphore(%run_scoped3A : memref<!tpu.dma_semaphore, #tpu.memory_space<semaphore_mem>>)
      %dma_wait3A = arith.constant 0 : i32
      %dma_wait3A_106 = tpu.memref_slice %arg8[%add3A_4, %dma_wait3A] : memref<10240x128xf32, #tpu.memory_space<vmem_shared>> -> memref<80x128xf32, #tpu.memory_space<vmem_shared>>
      %dma_wait3A_107 = arith.constant 0 : i32
      %dma_wait3A_108 = tpu.memref_slice %arg8[%add3A_4, %dma_wait3A_107] : memref<10240x128xf32, #tpu.memory_space<vmem_shared>> -> memref<80x128xf32, #tpu.memory_space<vmem_shared>>
      tpu.wait_dma2 semaphore(%run_scoped3A : memref<!tpu.dma_semaphore, #tpu.memory_space<semaphore_mem>>) src(%arg7 : memref<80x128xf32, #tpu.memory_space<vmem>>) dst(%dma_wait3A_108 : memref<80x128xf32, #tpu.memory_space<vmem_shared>>)
      tpu.yield
    }) : () -> ()
    %mul3A_5 = arith.constant 640 : i32
    %mul3A_6 = arith.muli %arg1, %mul3A_5 : i32
    %add3A_7 = arith.constant 80 : i32
    %add3A_8 = arith.addi %mul3A_6, %add3A_7 : i32
    "tpu.region"() ({
      %run_scoped3A = tpu.sem_alloc : memref<!tpu.dma_semaphore, #tpu.memory_space<semaphore_mem>>
      %dma_start3A = arith.constant 0 : i32
      %dma_start3A_103 = tpu.memref_slice %arg8[%add3A_8, %dma_start3A] : memref<10240x128xf32, #tpu.memory_space<vmem_shared>> -> memref<80x128xf32, #tpu.memory_space<vmem_shared>>
      %dma_start3A_104 = arith.constant 0 : i32
      %dma_start3A_105 = tpu.memref_slice %arg8[%add3A_8, %dma_start3A_104] : memref<10240x128xf32, #tpu.memory_space<vmem_shared>> -> memref<80x128xf32, #tpu.memory_space<vmem_shared>>
      tpu.enqueue_dma source(%arg7 : memref<80x128xf32, #tpu.memory_space<vmem>>) target(%dma_start3A_105 : memref<80x128xf32, #tpu.memory_space<vmem_shared>>) target_semaphore(%run_scoped3A : memref<!tpu.dma_semaphore, #tpu.memory_space<semaphore_mem>>)
      %dma_wait3A = arith.constant 0 : i32
      %dma_wait3A_106 = tpu.memref_slice %arg8[%add3A_8, %dma_wait3A] : memref<10240x128xf32, #tpu.memory_space<vmem_shared>> -> memref<80x128xf32, #tpu.memory_space<vmem_shared>>
      %dma_wait3A_107 = arith.constant 0 : i32
      %dma_wait3A_108 = tpu.memref_slice %arg8[%add3A_8, %dma_wait3A_107] : memref<10240x128xf32, #tpu.memory_space<vmem_shared>> -> memref<80x128xf32, #tpu.memory_space<vmem_shared>>
      tpu.wait_dma2 semaphore(%run_scoped3A : memref<!tpu.dma_semaphore, #tpu.memory_space<semaphore_mem>>) src(%arg7 : memref<80x128xf32, #tpu.memory_space<vmem>>) dst(%dma_wait3A_108 : memref<80x128xf32, #tpu.memory_space<vmem_shared>>)
      tpu.yield
    }) : () -> ()
    %mul3A_9 = arith.constant 640 : i32
    %mul3A_10 = arith.muli %arg1, %mul3A_9 : i32
    %add3A_11 = arith.constant 160 : i32
    %add3A_12 = arith.addi %mul3A_10, %add3A_11 : i32
    "tpu.region"() ({
      %run_scoped3A = tpu.sem_alloc : memref<!tpu.dma_semaphore, #tpu.memory_space<semaphore_mem>>
      %dma_start3A = arith.constant 0 : i32
      %dma_start3A_103 = tpu.memref_slice %arg8[%add3A_12, %dma_start3A] : memref<10240x128xf32, #tpu.memory_space<vmem_shared>> -> memref<80x128xf32, #tpu.memory_space<vmem_shared>>
      %dma_start3A_104 = arith.constant 0 : i32
      %dma_start3A_105 = tpu.memref_slice %arg8[%add3A_12, %dma_start3A_104] : memref<10240x128xf32, #tpu.memory_space<vmem_shared>> -> memref<80x128xf32, #tpu.memory_space<vmem_shared>>
      tpu.enqueue_dma source(%arg7 : memref<80x128xf32, #tpu.memory_space<vmem>>) target(%dma_start3A_105 : memref<80x128xf32, #tpu.memory_space<vmem_shared>>) target_semaphore(%run_scoped3A : memref<!tpu.dma_semaphore, #tpu.memory_space<semaphore_mem>>)
      %dma_wait3A = arith.constant 0 : i32
      %dma_wait3A_106 = tpu.memref_slice %arg8[%add3A_12, %dma_wait3A] : memref<10240x128xf32, #tpu.memory_space<vmem_shared>> -> memref<80x128xf32, #tpu.memory_space<vmem_shared>>
      %dma_wait3A_107 = arith.constant 0 : i32
      %dma_wait3A_108 = tpu.memref_slice %arg8[%add3A_12, %dma_wait3A_107] : memref<10240x128xf32, #tpu.memory_space<vmem_shared>> -> memref<80x128xf32, #tpu.memory_space<vmem_shared>>
      tpu.wait_dma2 semaphore(%run_scoped3A : memref<!tpu.dma_semaphore, #tpu.memory_space<semaphore_mem>>) src(%arg7 : memref<80x128xf32, #tpu.memory_space<vmem>>) dst(%dma_wait3A_108 : memref<80x128xf32, #tpu.memory_space<vmem_shared>>)
      tpu.yield
    }) : () -> ()
    %mul3A_13 = arith.constant 640 : i32
    %mul3A_14 = arith.muli %arg1, %mul3A_13 : i32
    %add3A_15 = arith.constant 240 : i32
    %add3A_16 = arith.addi %mul3A_14, %add3A_15 : i32
    "tpu.region"() ({
      %run_scoped3A = tpu.sem_alloc : memref<!tpu.dma_semaphore, #tpu.memory_space<semaphore_mem>>
      %dma_start3A = arith.constant 0 : i32
      %dma_start3A_103 = tpu.memref_slice %arg8[%add3A_16, %dma_start3A] : memref<10240x128xf32, #tpu.memory_space<vmem_shared>> -> memref<80x128xf32, #tpu.memory_space<vmem_shared>>
      %dma_start3A_104 = arith.constant 0 : i32
      %dma_start3A_105 = tpu.memref_slice %arg8[%add3A_16, %dma_start3A_104] : memref<10240x128xf32, #tpu.memory_space<vmem_shared>> -> memref<80x128xf32, #tpu.memory_space<vmem_shared>>
      tpu.enqueue_dma source(%arg7 : memref<80x128xf32, #tpu.memory_space<vmem>>) target(%dma_start3A_105 : memref<80x128xf32, #tpu.memory_space<vmem_shared>>) target_semaphore(%run_scoped3A : memref<!tpu.dma_semaphore, #tpu.memory_space<semaphore_mem>>)
      %dma_wait3A = arith.constant 0 : i32
      %dma_wait3A_106 = tpu.memref_slice %arg8[%add3A_16, %dma_wait3A] : memref<10240x128xf32, #tpu.memory_space<vmem_shared>> -> memref<80x128xf32, #tpu.memory_space<vmem_shared>>
      %dma_wait3A_107 = arith.constant 0 : i32
      %dma_wait3A_108 = tpu.memref_slice %arg8[%add3A_16, %dma_wait3A_107] : memref<10240x128xf32, #tpu.memory_space<vmem_shared>> -> memref<80x128xf32, #tpu.memory_space<vmem_shared>>
      tpu.wait_dma2 semaphore(%run_scoped3A : memref<!tpu.dma_semaphore, #tpu.memory_space<semaphore_mem>>) src(%arg7 : memref<80x128xf32, #tpu.memory_space<vmem>>) dst(%dma_wait3A_108 : memref<80x128xf32, #tpu.memory_space<vmem_shared>>)
      tpu.yield
    }) : () -> ()
    %mul3A_17 = arith.constant 640 : i32
    %mul3A_18 = arith.muli %arg1, %mul3A_17 : i32
    %add3A_19 = arith.constant 320 : i32
    %add3A_20 = arith.addi %mul3A_18, %add3A_19 : i32
    "tpu.region"() ({
      %run_scoped3A = tpu.sem_alloc : memref<!tpu.dma_semaphore, #tpu.memory_space<semaphore_mem>>
      %dma_start3A = arith.constant 0 : i32
      %dma_start3A_103 = tpu.memref_slice %arg8[%add3A_20, %dma_start3A] : memref<10240x128xf32, #tpu.memory_space<vmem_shared>> -> memref<80x128xf32, #tpu.memory_space<vmem_shared>>
      %dma_start3A_104 = arith.constant 0 : i32
      %dma_start3A_105 = tpu.memref_slice %arg8[%add3A_20, %dma_start3A_104] : memref<10240x128xf32, #tpu.memory_space<vmem_shared>> -> memref<80x128xf32, #tpu.memory_space<vmem_shared>>
      tpu.enqueue_dma source(%arg7 : memref<80x128xf32, #tpu.memory_space<vmem>>) target(%dma_start3A_105 : memref<80x128xf32, #tpu.memory_space<vmem_shared>>) target_semaphore(%run_scoped3A : memref<!tpu.dma_semaphore, #tpu.memory_space<semaphore_mem>>)
      %dma_wait3A = arith.constant 0 : i32
      %dma_wait3A_106 = tpu.memref_slice %arg8[%add3A_20, %dma_wait3A] : memref<10240x128xf32, #tpu.memory_space<vmem_shared>> -> memref<80x128xf32, #tpu.memory_space<vmem_shared>>
      %dma_wait3A_107 = arith.constant 0 : i32
      %dma_wait3A_108 = tpu.memref_slice %arg8[%add3A_20, %dma_wait3A_107] : memref<10240x128xf32, #tpu.memory_space<vmem_shared>> -> memref<80x128xf32, #tpu.memory_space<vmem_shared>>
      tpu.wait_dma2 semaphore(%run_scoped3A : memref<!tpu.dma_semaphore, #tpu.memory_space<semaphore_mem>>) src(%arg7 : memref<80x128xf32, #tpu.memory_space<vmem>>) dst(%dma_wait3A_108 : memref<80x128xf32, #tpu.memory_space<vmem_shared>>)
      tpu.yield
    }) : () -> ()
    %mul3A_21 = arith.constant 640 : i32
    %mul3A_22 = arith.muli %arg1, %mul3A_21 : i32
    %add3A_23 = arith.constant 400 : i32
    %add3A_24 = arith.addi %mul3A_22, %add3A_23 : i32
    "tpu.region"() ({
      %run_scoped3A = tpu.sem_alloc : memref<!tpu.dma_semaphore, #tpu.memory_space<semaphore_mem>>
      %dma_start3A = arith.constant 0 : i32
      %dma_start3A_103 = tpu.memref_slice %arg8[%add3A_24, %dma_start3A] : memref<10240x128xf32, #tpu.memory_space<vmem_shared>> -> memref<80x128xf32, #tpu.memory_space<vmem_shared>>
      %dma_start3A_104 = arith.constant 0 : i32
      %dma_start3A_105 = tpu.memref_slice %arg8[%add3A_24, %dma_start3A_104] : memref<10240x128xf32, #tpu.memory_space<vmem_shared>> -> memref<80x128xf32, #tpu.memory_space<vmem_shared>>
      tpu.enqueue_dma source(%arg7 : memref<80x128xf32, #tpu.memory_space<vmem>>) target(%dma_start3A_105 : memref<80x128xf32, #tpu.memory_space<vmem_shared>>) target_semaphore(%run_scoped3A : memref<!tpu.dma_semaphore, #tpu.memory_space<semaphore_mem>>)
      %dma_wait3A = arith.constant 0 : i32
      %dma_wait3A_106 = tpu.memref_slice %arg8[%add3A_24, %dma_wait3A] : memref<10240x128xf32, #tpu.memory_space<vmem_shared>> -> memref<80x128xf32, #tpu.memory_space<vmem_shared>>
      %dma_wait3A_107 = arith.constant 0 : i32
      %dma_wait3A_108 = tpu.memref_slice %arg8[%add3A_24, %dma_wait3A_107] : memref<10240x128xf32, #tpu.memory_space<vmem_shared>> -> memref<80x128xf32, #tpu.memory_space<vmem_shared>>
      tpu.wait_dma2 semaphore(%run_scoped3A : memref<!tpu.dma_semaphore, #tpu.memory_space<semaphore_mem>>) src(%arg7 : memref<80x128xf32, #tpu.memory_space<vmem>>) dst(%dma_wait3A_108 : memref<80x128xf32, #tpu.memory_space<vmem_shared>>)
      tpu.yield
    }) : () -> ()
    %mul3A_25 = arith.constant 640 : i32
    %mul3A_26 = arith.muli %arg1, %mul3A_25 : i32
    %add3A_27 = arith.constant 480 : i32
    %add3A_28 = arith.addi %mul3A_26, %add3A_27 : i32
    "tpu.region"() ({
      %run_scoped3A = tpu.sem_alloc : memref<!tpu.dma_semaphore, #tpu.memory_space<semaphore_mem>>
      %dma_start3A = arith.constant 0 : i32
      %dma_start3A_103 = tpu.memref_slice %arg8[%add3A_28, %dma_start3A] : memref<10240x128xf32, #tpu.memory_space<vmem_shared>> -> memref<80x128xf32, #tpu.memory_space<vmem_shared>>
      %dma_start3A_104 = arith.constant 0 : i32
      %dma_start3A_105 = tpu.memref_slice %arg8[%add3A_28, %dma_start3A_104] : memref<10240x128xf32, #tpu.memory_space<vmem_shared>> -> memref<80x128xf32, #tpu.memory_space<vmem_shared>>
      tpu.enqueue_dma source(%arg7 : memref<80x128xf32, #tpu.memory_space<vmem>>) target(%dma_start3A_105 : memref<80x128xf32, #tpu.memory_space<vmem_shared>>) target_semaphore(%run_scoped3A : memref<!tpu.dma_semaphore, #tpu.memory_space<semaphore_mem>>)
      %dma_wait3A = arith.constant 0 : i32
      %dma_wait3A_106 = tpu.memref_slice %arg8[%add3A_28, %dma_wait3A] : memref<10240x128xf32, #tpu.memory_space<vmem_shared>> -> memref<80x128xf32, #tpu.memory_space<vmem_shared>>
      %dma_wait3A_107 = arith.constant 0 : i32
      %dma_wait3A_108 = tpu.memref_slice %arg8[%add3A_28, %dma_wait3A_107] : memref<10240x128xf32, #tpu.memory_space<vmem_shared>> -> memref<80x128xf32, #tpu.memory_space<vmem_shared>>
      tpu.wait_dma2 semaphore(%run_scoped3A : memref<!tpu.dma_semaphore, #tpu.memory_space<semaphore_mem>>) src(%arg7 : memref<80x128xf32, #tpu.memory_space<vmem>>) dst(%dma_wait3A_108 : memref<80x128xf32, #tpu.memory_space<vmem_shared>>)
      tpu.yield
    }) : () -> ()
    %mul3A_29 = arith.constant 640 : i32
    %mul3A_30 = arith.muli %arg1, %mul3A_29 : i32
    %add3A_31 = arith.constant 560 : i32
    %add3A_32 = arith.addi %mul3A_30, %add3A_31 : i32
    "tpu.region"() ({
      %run_scoped3A = tpu.sem_alloc : memref<!tpu.dma_semaphore, #tpu.memory_space<semaphore_mem>>
      %dma_start3A = arith.constant 0 : i32
      %dma_start3A_103 = tpu.memref_slice %arg8[%add3A_32, %dma_start3A] : memref<10240x128xf32, #tpu.memory_space<vmem_shared>> -> memref<80x128xf32, #tpu.memory_space<vmem_shared>>
      %dma_start3A_104 = arith.constant 0 : i32
      %dma_start3A_105 = tpu.memref_slice %arg8[%add3A_32, %dma_start3A_104] : memref<10240x128xf32, #tpu.memory_space<vmem_shared>> -> memref<80x128xf32, #tpu.memory_space<vmem_shared>>
      tpu.enqueue_dma source(%arg7 : memref<80x128xf32, #tpu.memory_space<vmem>>) target(%dma_start3A_105 : memref<80x128xf32, #tpu.memory_space<vmem_shared>>) target_semaphore(%run_scoped3A : memref<!tpu.dma_semaphore, #tpu.memory_space<semaphore_mem>>)
      %dma_wait3A = arith.constant 0 : i32
      %dma_wait3A_106 = tpu.memref_slice %arg8[%add3A_32, %dma_wait3A] : memref<10240x128xf32, #tpu.memory_space<vmem_shared>> -> memref<80x128xf32, #tpu.memory_space<vmem_shared>>
      %dma_wait3A_107 = arith.constant 0 : i32
      %dma_wait3A_108 = tpu.memref_slice %arg8[%add3A_32, %dma_wait3A_107] : memref<10240x128xf32, #tpu.memory_space<vmem_shared>> -> memref<80x128xf32, #tpu.memory_space<vmem_shared>>
      tpu.wait_dma2 semaphore(%run_scoped3A : memref<!tpu.dma_semaphore, #tpu.memory_space<semaphore_mem>>) src(%arg7 : memref<80x128xf32, #tpu.memory_space<vmem>>) dst(%dma_wait3A_108 : memref<80x128xf32, #tpu.memory_space<vmem_shared>>)
      tpu.yield
    }) : () -> ()
    "tpu.region"() ({
      %run_scoped3A = tpu.sem_alloc : memref<!tpu.dma_semaphore, #tpu.memory_space<semaphore_mem>>
      %dma_start3A = arith.constant 0 : i32
      %dma_start3A_103 = arith.constant 0 : i32
      %dma_start3A_104 = tpu.memref_slice %arg2[%add3A, %dma_start3A, %dma_start3A_103] : memref<32x125x80xi32, #tpu.memory_space<hbm>> -> memref<1x125x80xi32, #tpu.memory_space<hbm>>
      %dma_start3A_105 = tpu.memref_squeeze %dma_start3A_104 : memref<1x125x80xi32, #tpu.memory_space<hbm>> -> memref<125x80xi32, #tpu.memory_space<hbm>>
      %dma_start3A_106 = arith.constant 0 : i32
      %dma_start3A_107 = arith.constant 0 : i32
      %dma_start3A_108 = tpu.memref_slice %arg2[%add3A, %dma_start3A_106, %dma_start3A_107] : memref<32x125x80xi32, #tpu.memory_space<hbm>> -> memref<1x125x80xi32, #tpu.memory_space<hbm>>
      %dma_start3A_109 = tpu.memref_squeeze %dma_start3A_108 : memref<1x125x80xi32, #tpu.memory_space<hbm>> -> memref<125x80xi32, #tpu.memory_space<hbm>>
      tpu.enqueue_dma source(%dma_start3A_109 : memref<125x80xi32, #tpu.memory_space<hbm>>) target(%arg6 : memref<125x80xi32, #tpu.memory_space<vmem>>) target_semaphore(%run_scoped3A : memref<!tpu.dma_semaphore, #tpu.memory_space<semaphore_mem>>)
      %dma_wait3A = arith.constant 0 : i32
      %dma_wait3A_110 = arith.constant 0 : i32
      %dma_wait3A_111 = tpu.memref_slice %arg2[%add3A, %dma_wait3A, %dma_wait3A_110] : memref<32x125x80xi32, #tpu.memory_space<hbm>> -> memref<1x125x80xi32, #tpu.memory_space<hbm>>
      %dma_wait3A_112 = tpu.memref_squeeze %dma_wait3A_111 : memref<1x125x80xi32, #tpu.memory_space<hbm>> -> memref<125x80xi32, #tpu.memory_space<hbm>>
      %dma_wait3A_113 = arith.constant 0 : i32
      %dma_wait3A_114 = arith.constant 0 : i32
      %dma_wait3A_115 = tpu.memref_slice %arg2[%add3A, %dma_wait3A_113, %dma_wait3A_114] : memref<32x125x80xi32, #tpu.memory_space<hbm>> -> memref<1x125x80xi32, #tpu.memory_space<hbm>>
      %dma_wait3A_116 = tpu.memref_squeeze %dma_wait3A_115 : memref<1x125x80xi32, #tpu.memory_space<hbm>> -> memref<125x80xi32, #tpu.memory_space<hbm>>
      tpu.wait_dma2 semaphore(%run_scoped3A : memref<!tpu.dma_semaphore, #tpu.memory_space<semaphore_mem>>) src(%dma_wait3A_116 : memref<125x80xi32, #tpu.memory_space<hbm>>) dst(%arg6 : memref<125x80xi32, #tpu.memory_space<vmem>>)
      tpu.yield
    }) : () -> ()
    "tpu.region"() ({
      %run_scoped3A = tpu.sem_alloc : memref<!tpu.dma_semaphore, #tpu.memory_space<semaphore_mem>>
      tpu.enqueue_dma source(%arg4 : memref<80x128xf32, #tpu.memory_space<hbm>>) target(%arg7 : memref<80x128xf32, #tpu.memory_space<vmem>>) target_semaphore(%run_scoped3A : memref<!tpu.dma_semaphore, #tpu.memory_space<semaphore_mem>>)
      tpu.wait_dma2 semaphore(%run_scoped3A : memref<!tpu.dma_semaphore, #tpu.memory_space<semaphore_mem>>) src(%arg4 : memref<80x128xf32, #tpu.memory_space<hbm>>) dst(%arg7 : memref<80x128xf32, #tpu.memory_space<vmem>>)
      tpu.yield
    }) : () -> ()
    %barrier3A = arith.constant 0 : index
    tpu.barrier barrier_id(%barrier3A)
    %scan3A = arith.constant 0 : i32
    %scan3A_33 = arith.constant 0 : i32
    %scan3A_34 = arith.constant 125 : i32
    %scan3A_35 = arith.addi %scan3A_33, %scan3A_34 : i32
    %scan3A_36 = arith.constant 1 : i32
    scf.for %scan3A_103 = %scan3A_33 to %scan3A_35 step %scan3A_36  : i32 {
      "tpu.region"() ({
        %run_scoped3A = tpu.sem_alloc : memref<!tpu.dma_semaphore, #tpu.memory_space<semaphore_mem>>
        %dma_start3A = arith.constant 0 : i32
        %dma_start3A_104 = tpu.memref_slice %arg6[%scan3A_103, %dma_start3A] : memref<125x80xi32, #tpu.memory_space<vmem>> -> memref<1x80xi32, #tpu.memory_space<vmem>>
        %dma_start3A_105 = tpu.memref_squeeze %dma_start3A_104 : memref<1x80xi32, #tpu.memory_space<vmem>> -> memref<80xi32, #tpu.memory_space<vmem>>
        %dma_start3A_106 = arith.constant 0 : i32
        %dma_start3A_107 = arith.constant 0 : i32
        %dma_start3A_108 = tpu.memref_slice %arg8[%dma_start3A_106, %dma_start3A_107] : memref<10240x128xf32, #tpu.memory_space<vmem_shared>> -> memref<10240x128xf32, #tpu.memory_space<vmem_shared>>
        tpu.enqueue_indirect_dma source(%arg7 : memref<80x128xf32, #tpu.memory_space<vmem>>) target(%dma_start3A_108 : memref<10240x128xf32, #tpu.memory_space<vmem_shared>>) offsets(%dma_start3A_105 : memref<80xi32, #tpu.memory_space<vmem>>) semaphore(%run_scoped3A : memref<!tpu.dma_semaphore, #tpu.memory_space<semaphore_mem>>) {add = true}
        %dma_wait3A = arith.constant 0 : i32
        %dma_wait3A_109 = tpu.memref_slice %arg6[%scan3A_103, %dma_wait3A] : memref<125x80xi32, #tpu.memory_space<vmem>> -> memref<1x80xi32, #tpu.memory_space<vmem>>
        %dma_wait3A_110 = tpu.memref_squeeze %dma_wait3A_109 : memref<1x80xi32, #tpu.memory_space<vmem>> -> memref<80xi32, #tpu.memory_space<vmem>>
        %dma_wait3A_111 = arith.constant 0 : i32
        %dma_wait3A_112 = arith.constant 0 : i32
        %dma_wait3A_113 = tpu.memref_slice %arg8[%dma_wait3A_111, %dma_wait3A_112] : memref<10240x128xf32, #tpu.memory_space<vmem_shared>> -> memref<10240x128xf32, #tpu.memory_space<vmem_shared>>
        tpu.wait_indirect_dma semaphore(%run_scoped3A : memref<!tpu.dma_semaphore, #tpu.memory_space<semaphore_mem>>) src(%arg7 : memref<80x128xf32, #tpu.memory_space<vmem>>) dst(%dma_wait3A_113 : memref<10240x128xf32, #tpu.memory_space<vmem_shared>>)
        tpu.yield
      }) : () -> ()
    }
    %scan3A_37 = arith.constant 125 : i32
    %barrier3A_38 = arith.constant 0 : index
    tpu.barrier barrier_id(%barrier3A_38)
    %mul3A_39 = arith.constant 640 : i32
    %mul3A_40 = arith.muli %arg1, %mul3A_39 : i32
    %add3A_41 = arith.constant 0 : i32
    %add3A_42 = arith.addi %mul3A_40, %add3A_41 : i32
    "tpu.region"() ({
      %run_scoped3A = tpu.sem_alloc : memref<!tpu.dma_semaphore, #tpu.memory_space<semaphore_mem>>
      %dma_start3A = arith.constant 0 : i32
      %dma_start3A_103 = tpu.memref_slice %arg8[%add3A_42, %dma_start3A] : memref<10240x128xf32, #tpu.memory_space<vmem_shared>> -> memref<80x128xf32, #tpu.memory_space<vmem_shared>>
      %dma_start3A_104 = arith.constant 0 : i32
      %dma_start3A_105 = tpu.memref_slice %arg8[%add3A_42, %dma_start3A_104] : memref<10240x128xf32, #tpu.memory_space<vmem_shared>> -> memref<80x128xf32, #tpu.memory_space<vmem_shared>>
      tpu.enqueue_dma source(%dma_start3A_105 : memref<80x128xf32, #tpu.memory_space<vmem_shared>>) target(%arg7 : memref<80x128xf32, #tpu.memory_space<vmem>>) target_semaphore(%run_scoped3A : memref<!tpu.dma_semaphore, #tpu.memory_space<semaphore_mem>>)
      %dma_wait3A = arith.constant 0 : i32
      %dma_wait3A_106 = tpu.memref_slice %arg8[%add3A_42, %dma_wait3A] : memref<10240x128xf32, #tpu.memory_space<vmem_shared>> -> memref<80x128xf32, #tpu.memory_space<vmem_shared>>
      %dma_wait3A_107 = arith.constant 0 : i32
      %dma_wait3A_108 = tpu.memref_slice %arg8[%add3A_42, %dma_wait3A_107] : memref<10240x128xf32, #tpu.memory_space<vmem_shared>> -> memref<80x128xf32, #tpu.memory_space<vmem_shared>>
      tpu.wait_dma2 semaphore(%run_scoped3A : memref<!tpu.dma_semaphore, #tpu.memory_space<semaphore_mem>>) src(%dma_wait3A_108 : memref<80x128xf32, #tpu.memory_space<vmem_shared>>) dst(%arg7 : memref<80x128xf32, #tpu.memory_space<vmem>>)
      tpu.yield
    }) : () -> ()
    %mul3A_43 = arith.constant 640 : i32
    %mul3A_44 = arith.muli %arg1, %mul3A_43 : i32
    %add3A_45 = arith.constant 0 : i32
    %add3A_46 = arith.addi %mul3A_44, %add3A_45 : i32
    "tpu.region"() ({
      %run_scoped3A = tpu.sem_alloc : memref<!tpu.dma_semaphore, #tpu.memory_space<semaphore_mem>>
      %dma_start3A = arith.constant 0 : i32
      %dma_start3A_103 = tpu.memref_slice %arg5[%arg0, %add3A_46, %dma_start3A] : memref<2x10240x128xf32, #tpu.memory_space<hbm>> -> memref<1x80x128xf32, #tpu.memory_space<hbm>>
      %dma_start3A_104 = tpu.memref_squeeze %dma_start3A_103 : memref<1x80x128xf32, #tpu.memory_space<hbm>> -> memref<80x128xf32, #tpu.memory_space<hbm>>
      %dma_start3A_105 = arith.constant 0 : i32
      %dma_start3A_106 = tpu.memref_slice %arg5[%arg0, %add3A_46, %dma_start3A_105] : memref<2x10240x128xf32, #tpu.memory_space<hbm>> -> memref<1x80x128xf32, #tpu.memory_space<hbm>>
      %dma_start3A_107 = tpu.memref_squeeze %dma_start3A_106 : memref<1x80x128xf32, #tpu.memory_space<hbm>> -> memref<80x128xf32, #tpu.memory_space<hbm>>
      tpu.enqueue_dma source(%arg7 : memref<80x128xf32, #tpu.memory_space<vmem>>) target(%dma_start3A_107 : memref<80x128xf32, #tpu.memory_space<hbm>>) target_semaphore(%run_scoped3A : memref<!tpu.dma_semaphore, #tpu.memory_space<semaphore_mem>>)
      %dma_wait3A = arith.constant 0 : i32
      %dma_wait3A_108 = tpu.memref_slice %arg5[%arg0, %add3A_46, %dma_wait3A] : memref<2x10240x128xf32, #tpu.memory_space<hbm>> -> memref<1x80x128xf32, #tpu.memory_space<hbm>>
      %dma_wait3A_109 = tpu.memref_squeeze %dma_wait3A_108 : memref<1x80x128xf32, #tpu.memory_space<hbm>> -> memref<80x128xf32, #tpu.memory_space<hbm>>
      %dma_wait3A_110 = arith.constant 0 : i32
      %dma_wait3A_111 = tpu.memref_slice %arg5[%arg0, %add3A_46, %dma_wait3A_110] : memref<2x10240x128xf32, #tpu.memory_space<hbm>> -> memref<1x80x128xf32, #tpu.memory_space<hbm>>
      %dma_wait3A_112 = tpu.memref_squeeze %dma_wait3A_111 : memref<1x80x128xf32, #tpu.memory_space<hbm>> -> memref<80x128xf32, #tpu.memory_space<hbm>>
      tpu.wait_dma2 semaphore(%run_scoped3A : memref<!tpu.dma_semaphore, #tpu.memory_space<semaphore_mem>>) src(%arg7 : memref<80x128xf32, #tpu.memory_space<vmem>>) dst(%dma_wait3A_112 : memref<80x128xf32, #tpu.memory_space<hbm>>)
      tpu.yield
    }) : () -> ()
    %mul3A_47 = arith.constant 640 : i32
    %mul3A_48 = arith.muli %arg1, %mul3A_47 : i32
    %add3A_49 = arith.constant 80 : i32
    %add3A_50 = arith.addi %mul3A_48, %add3A_49 : i32
    "tpu.region"() ({
      %run_scoped3A = tpu.sem_alloc : memref<!tpu.dma_semaphore, #tpu.memory_space<semaphore_mem>>
      %dma_start3A = arith.constant 0 : i32
      %dma_start3A_103 = tpu.memref_slice %arg8[%add3A_50, %dma_start3A] : memref<10240x128xf32, #tpu.memory_space<vmem_shared>> -> memref<80x128xf32, #tpu.memory_space<vmem_shared>>
      %dma_start3A_104 = arith.constant 0 : i32
      %dma_start3A_105 = tpu.memref_slice %arg8[%add3A_50, %dma_start3A_104] : memref<10240x128xf32, #tpu.memory_space<vmem_shared>> -> memref<80x128xf32, #tpu.memory_space<vmem_shared>>
      tpu.enqueue_dma source(%dma_start3A_105 : memref<80x128xf32, #tpu.memory_space<vmem_shared>>) target(%arg7 : memref<80x128xf32, #tpu.memory_space<vmem>>) target_semaphore(%run_scoped3A : memref<!tpu.dma_semaphore, #tpu.memory_space<semaphore_mem>>)
      %dma_wait3A = arith.constant 0 : i32
      %dma_wait3A_106 = tpu.memref_slice %arg8[%add3A_50, %dma_wait3A] : memref<10240x128xf32, #tpu.memory_space<vmem_shared>> -> memref<80x128xf32, #tpu.memory_space<vmem_shared>>
      %dma_wait3A_107 = arith.constant 0 : i32
      %dma_wait3A_108 = tpu.memref_slice %arg8[%add3A_50, %dma_wait3A_107] : memref<10240x128xf32, #tpu.memory_space<vmem_shared>> -> memref<80x128xf32, #tpu.memory_space<vmem_shared>>
      tpu.wait_dma2 semaphore(%run_scoped3A : memref<!tpu.dma_semaphore, #tpu.memory_space<semaphore_mem>>) src(%dma_wait3A_108 : memref<80x128xf32, #tpu.memory_space<vmem_shared>>) dst(%arg7 : memref<80x128xf32, #tpu.memory_space<vmem>>)
      tpu.yield
    }) : () -> ()
    %mul3A_51 = arith.constant 640 : i32
    %mul3A_52 = arith.muli %arg1, %mul3A_51 : i32
    %add3A_53 = arith.constant 80 : i32
    %add3A_54 = arith.addi %mul3A_52, %add3A_53 : i32
    "tpu.region"() ({
      %run_scoped3A = tpu.sem_alloc : memref<!tpu.dma_semaphore, #tpu.memory_space<semaphore_mem>>
      %dma_start3A = arith.constant 0 : i32
      %dma_start3A_103 = tpu.memref_slice %arg5[%arg0, %add3A_54, %dma_start3A] : memref<2x10240x128xf32, #tpu.memory_space<hbm>> -> memref<1x80x128xf32, #tpu.memory_space<hbm>>
      %dma_start3A_104 = tpu.memref_squeeze %dma_start3A_103 : memref<1x80x128xf32, #tpu.memory_space<hbm>> -> memref<80x128xf32, #tpu.memory_space<hbm>>
      %dma_start3A_105 = arith.constant 0 : i32
      %dma_start3A_106 = tpu.memref_slice %arg5[%arg0, %add3A_54, %dma_start3A_105] : memref<2x10240x128xf32, #tpu.memory_space<hbm>> -> memref<1x80x128xf32, #tpu.memory_space<hbm>>
      %dma_start3A_107 = tpu.memref_squeeze %dma_start3A_106 : memref<1x80x128xf32, #tpu.memory_space<hbm>> -> memref<80x128xf32, #tpu.memory_space<hbm>>
      tpu.enqueue_dma source(%arg7 : memref<80x128xf32, #tpu.memory_space<vmem>>) target(%dma_start3A_107 : memref<80x128xf32, #tpu.memory_space<hbm>>) target_semaphore(%run_scoped3A : memref<!tpu.dma_semaphore, #tpu.memory_space<semaphore_mem>>)
      %dma_wait3A = arith.constant 0 : i32
      %dma_wait3A_108 = tpu.memref_slice %arg5[%arg0, %add3A_54, %dma_wait3A] : memref<2x10240x128xf32, #tpu.memory_space<hbm>> -> memref<1x80x128xf32, #tpu.memory_space<hbm>>
      %dma_wait3A_109 = tpu.memref_squeeze %dma_wait3A_108 : memref<1x80x128xf32, #tpu.memory_space<hbm>> -> memref<80x128xf32, #tpu.memory_space<hbm>>
      %dma_wait3A_110 = arith.constant 0 : i32
      %dma_wait3A_111 = tpu.memref_slice %arg5[%arg0, %add3A_54, %dma_wait3A_110] : memref<2x10240x128xf32, #tpu.memory_space<hbm>> -> memref<1x80x128xf32, #tpu.memory_space<hbm>>
      %dma_wait3A_112 = tpu.memref_squeeze %dma_wait3A_111 : memref<1x80x128xf32, #tpu.memory_space<hbm>> -> memref<80x128xf32, #tpu.memory_space<hbm>>
      tpu.wait_dma2 semaphore(%run_scoped3A : memref<!tpu.dma_semaphore, #tpu.memory_space<semaphore_mem>>) src(%arg7 : memref<80x128xf32, #tpu.memory_space<vmem>>) dst(%dma_wait3A_112 : memref<80x128xf32, #tpu.memory_space<hbm>>)
      tpu.yield
    }) : () -> ()
    %mul3A_55 = arith.constant 640 : i32
    %mul3A_56 = arith.muli %arg1, %mul3A_55 : i32
    %add3A_57 = arith.constant 160 : i32
    %add3A_58 = arith.addi %mul3A_56, %add3A_57 : i32
    "tpu.region"() ({
      %run_scoped3A = tpu.sem_alloc : memref<!tpu.dma_semaphore, #tpu.memory_space<semaphore_mem>>
      %dma_start3A = arith.constant 0 : i32
      %dma_start3A_103 = tpu.memref_slice %arg8[%add3A_58, %dma_start3A] : memref<10240x128xf32, #tpu.memory_space<vmem_shared>> -> memref<80x128xf32, #tpu.memory_space<vmem_shared>>
      %dma_start3A_104 = arith.constant 0 : i32
      %dma_start3A_105 = tpu.memref_slice %arg8[%add3A_58, %dma_start3A_104] : memref<10240x128xf32, #tpu.memory_space<vmem_shared>> -> memref<80x128xf32, #tpu.memory_space<vmem_shared>>
      tpu.enqueue_dma source(%dma_start3A_105 : memref<80x128xf32, #tpu.memory_space<vmem_shared>>) target(%arg7 : memref<80x128xf32, #tpu.memory_space<vmem>>) target_semaphore(%run_scoped3A : memref<!tpu.dma_semaphore, #tpu.memory_space<semaphore_mem>>)
      %dma_wait3A = arith.constant 0 : i32
      %dma_wait3A_106 = tpu.memref_slice %arg8[%add3A_58, %dma_wait3A] : memref<10240x128xf32, #tpu.memory_space<vmem_shared>> -> memref<80x128xf32, #tpu.memory_space<vmem_shared>>
      %dma_wait3A_107 = arith.constant 0 : i32
      %dma_wait3A_108 = tpu.memref_slice %arg8[%add3A_58, %dma_wait3A_107] : memref<10240x128xf32, #tpu.memory_space<vmem_shared>> -> memref<80x128xf32, #tpu.memory_space<vmem_shared>>
      tpu.wait_dma2 semaphore(%run_scoped3A : memref<!tpu.dma_semaphore, #tpu.memory_space<semaphore_mem>>) src(%dma_wait3A_108 : memref<80x128xf32, #tpu.memory_space<vmem_shared>>) dst(%arg7 : memref<80x128xf32, #tpu.memory_space<vmem>>)
      tpu.yield
    }) : () -> ()
    %mul3A_59 = arith.constant 640 : i32
    %mul3A_60 = arith.muli %arg1, %mul3A_59 : i32
    %add3A_61 = arith.constant 160 : i32
    %add3A_62 = arith.addi %mul3A_60, %add3A_61 : i32
    "tpu.region"() ({
      %run_scoped3A = tpu.sem_alloc : memref<!tpu.dma_semaphore, #tpu.memory_space<semaphore_mem>>
      %dma_start3A = arith.constant 0 : i32
      %dma_start3A_103 = tpu.memref_slice %arg5[%arg0, %add3A_62, %dma_start3A] : memref<2x10240x128xf32, #tpu.memory_space<hbm>> -> memref<1x80x128xf32, #tpu.memory_space<hbm>>
      %dma_start3A_104 = tpu.memref_squeeze %dma_start3A_103 : memref<1x80x128xf32, #tpu.memory_space<hbm>> -> memref<80x128xf32, #tpu.memory_space<hbm>>
      %dma_start3A_105 = arith.constant 0 : i32
      %dma_start3A_106 = tpu.memref_slice %arg5[%arg0, %add3A_62, %dma_start3A_105] : memref<2x10240x128xf32, #tpu.memory_space<hbm>> -> memref<1x80x128xf32, #tpu.memory_space<hbm>>
      %dma_start3A_107 = tpu.memref_squeeze %dma_start3A_106 : memref<1x80x128xf32, #tpu.memory_space<hbm>> -> memref<80x128xf32, #tpu.memory_space<hbm>>
      tpu.enqueue_dma source(%arg7 : memref<80x128xf32, #tpu.memory_space<vmem>>) target(%dma_start3A_107 : memref<80x128xf32, #tpu.memory_space<hbm>>) target_semaphore(%run_scoped3A : memref<!tpu.dma_semaphore, #tpu.memory_space<semaphore_mem>>)
      %dma_wait3A = arith.constant 0 : i32
      %dma_wait3A_108 = tpu.memref_slice %arg5[%arg0, %add3A_62, %dma_wait3A] : memref<2x10240x128xf32, #tpu.memory_space<hbm>> -> memref<1x80x128xf32, #tpu.memory_space<hbm>>
      %dma_wait3A_109 = tpu.memref_squeeze %dma_wait3A_108 : memref<1x80x128xf32, #tpu.memory_space<hbm>> -> memref<80x128xf32, #tpu.memory_space<hbm>>
      %dma_wait3A_110 = arith.constant 0 : i32
      %dma_wait3A_111 = tpu.memref_slice %arg5[%arg0, %add3A_62, %dma_wait3A_110] : memref<2x10240x128xf32, #tpu.memory_space<hbm>> -> memref<1x80x128xf32, #tpu.memory_space<hbm>>
      %dma_wait3A_112 = tpu.memref_squeeze %dma_wait3A_111 : memref<1x80x128xf32, #tpu.memory_space<hbm>> -> memref<80x128xf32, #tpu.memory_space<hbm>>
      tpu.wait_dma2 semaphore(%run_scoped3A : memref<!tpu.dma_semaphore, #tpu.memory_space<semaphore_mem>>) src(%arg7 : memref<80x128xf32, #tpu.memory_space<vmem>>) dst(%dma_wait3A_112 : memref<80x128xf32, #tpu.memory_space<hbm>>)
      tpu.yield
    }) : () -> ()
    %mul3A_63 = arith.constant 640 : i32
    %mul3A_64 = arith.muli %arg1, %mul3A_63 : i32
    %add3A_65 = arith.constant 240 : i32
    %add3A_66 = arith.addi %mul3A_64, %add3A_65 : i32
    "tpu.region"() ({
      %run_scoped3A = tpu.sem_alloc : memref<!tpu.dma_semaphore, #tpu.memory_space<semaphore_mem>>
      %dma_start3A = arith.constant 0 : i32
      %dma_start3A_103 = tpu.memref_slice %arg8[%add3A_66, %dma_start3A] : memref<10240x128xf32, #tpu.memory_space<vmem_shared>> -> memref<80x128xf32, #tpu.memory_space<vmem_shared>>
      %dma_start3A_104 = arith.constant 0 : i32
      %dma_start3A_105 = tpu.memref_slice %arg8[%add3A_66, %dma_start3A_104] : memref<10240x128xf32, #tpu.memory_space<vmem_shared>> -> memref<80x128xf32, #tpu.memory_space<vmem_shared>>
      tpu.enqueue_dma source(%dma_start3A_105 : memref<80x128xf32, #tpu.memory_space<vmem_shared>>) target(%arg7 : memref<80x128xf32, #tpu.memory_space<vmem>>) target_semaphore(%run_scoped3A : memref<!tpu.dma_semaphore, #tpu.memory_space<semaphore_mem>>)
      %dma_wait3A = arith.constant 0 : i32
      %dma_wait3A_106 = tpu.memref_slice %arg8[%add3A_66, %dma_wait3A] : memref<10240x128xf32, #tpu.memory_space<vmem_shared>> -> memref<80x128xf32, #tpu.memory_space<vmem_shared>>
      %dma_wait3A_107 = arith.constant 0 : i32
      %dma_wait3A_108 = tpu.memref_slice %arg8[%add3A_66, %dma_wait3A_107] : memref<10240x128xf32, #tpu.memory_space<vmem_shared>> -> memref<80x128xf32, #tpu.memory_space<vmem_shared>>
      tpu.wait_dma2 semaphore(%run_scoped3A : memref<!tpu.dma_semaphore, #tpu.memory_space<semaphore_mem>>) src(%dma_wait3A_108 : memref<80x128xf32, #tpu.memory_space<vmem_shared>>) dst(%arg7 : memref<80x128xf32, #tpu.memory_space<vmem>>)
      tpu.yield
    }) : () -> ()
    %mul3A_67 = arith.constant 640 : i32
    %mul3A_68 = arith.muli %arg1, %mul3A_67 : i32
    %add3A_69 = arith.constant 240 : i32
    %add3A_70 = arith.addi %mul3A_68, %add3A_69 : i32
    "tpu.region"() ({
      %run_scoped3A = tpu.sem_alloc : memref<!tpu.dma_semaphore, #tpu.memory_space<semaphore_mem>>
      %dma_start3A = arith.constant 0 : i32
      %dma_start3A_103 = tpu.memref_slice %arg5[%arg0, %add3A_70, %dma_start3A] : memref<2x10240x128xf32, #tpu.memory_space<hbm>> -> memref<1x80x128xf32, #tpu.memory_space<hbm>>
      %dma_start3A_104 = tpu.memref_squeeze %dma_start3A_103 : memref<1x80x128xf32, #tpu.memory_space<hbm>> -> memref<80x128xf32, #tpu.memory_space<hbm>>
      %dma_start3A_105 = arith.constant 0 : i32
      %dma_start3A_106 = tpu.memref_slice %arg5[%arg0, %add3A_70, %dma_start3A_105] : memref<2x10240x128xf32, #tpu.memory_space<hbm>> -> memref<1x80x128xf32, #tpu.memory_space<hbm>>
      %dma_start3A_107 = tpu.memref_squeeze %dma_start3A_106 : memref<1x80x128xf32, #tpu.memory_space<hbm>> -> memref<80x128xf32, #tpu.memory_space<hbm>>
      tpu.enqueue_dma source(%arg7 : memref<80x128xf32, #tpu.memory_space<vmem>>) target(%dma_start3A_107 : memref<80x128xf32, #tpu.memory_space<hbm>>) target_semaphore(%run_scoped3A : memref<!tpu.dma_semaphore, #tpu.memory_space<semaphore_mem>>)
      %dma_wait3A = arith.constant 0 : i32
      %dma_wait3A_108 = tpu.memref_slice %arg5[%arg0, %add3A_70, %dma_wait3A] : memref<2x10240x128xf32, #tpu.memory_space<hbm>> -> memref<1x80x128xf32, #tpu.memory_space<hbm>>
      %dma_wait3A_109 = tpu.memref_squeeze %dma_wait3A_108 : memref<1x80x128xf32, #tpu.memory_space<hbm>> -> memref<80x128xf32, #tpu.memory_space<hbm>>
      %dma_wait3A_110 = arith.constant 0 : i32
      %dma_wait3A_111 = tpu.memref_slice %arg5[%arg0, %add3A_70, %dma_wait3A_110] : memref<2x10240x128xf32, #tpu.memory_space<hbm>> -> memref<1x80x128xf32, #tpu.memory_space<hbm>>
      %dma_wait3A_112 = tpu.memref_squeeze %dma_wait3A_111 : memref<1x80x128xf32, #tpu.memory_space<hbm>> -> memref<80x128xf32, #tpu.memory_space<hbm>>
      tpu.wait_dma2 semaphore(%run_scoped3A : memref<!tpu.dma_semaphore, #tpu.memory_space<semaphore_mem>>) src(%arg7 : memref<80x128xf32, #tpu.memory_space<vmem>>) dst(%dma_wait3A_112 : memref<80x128xf32, #tpu.memory_space<hbm>>)
      tpu.yield
    }) : () -> ()
    %mul3A_71 = arith.constant 640 : i32
    %mul3A_72 = arith.muli %arg1, %mul3A_71 : i32
    %add3A_73 = arith.constant 320 : i32
    %add3A_74 = arith.addi %mul3A_72, %add3A_73 : i32
    "tpu.region"() ({
      %run_scoped3A = tpu.sem_alloc : memref<!tpu.dma_semaphore, #tpu.memory_space<semaphore_mem>>
      %dma_start3A = arith.constant 0 : i32
      %dma_start3A_103 = tpu.memref_slice %arg8[%add3A_74, %dma_start3A] : memref<10240x128xf32, #tpu.memory_space<vmem_shared>> -> memref<80x128xf32, #tpu.memory_space<vmem_shared>>
      %dma_start3A_104 = arith.constant 0 : i32
      %dma_start3A_105 = tpu.memref_slice %arg8[%add3A_74, %dma_start3A_104] : memref<10240x128xf32, #tpu.memory_space<vmem_shared>> -> memref<80x128xf32, #tpu.memory_space<vmem_shared>>
      tpu.enqueue_dma source(%dma_start3A_105 : memref<80x128xf32, #tpu.memory_space<vmem_shared>>) target(%arg7 : memref<80x128xf32, #tpu.memory_space<vmem>>) target_semaphore(%run_scoped3A : memref<!tpu.dma_semaphore, #tpu.memory_space<semaphore_mem>>)
      %dma_wait3A = arith.constant 0 : i32
      %dma_wait3A_106 = tpu.memref_slice %arg8[%add3A_74, %dma_wait3A] : memref<10240x128xf32, #tpu.memory_space<vmem_shared>> -> memref<80x128xf32, #tpu.memory_space<vmem_shared>>
      %dma_wait3A_107 = arith.constant 0 : i32
      %dma_wait3A_108 = tpu.memref_slice %arg8[%add3A_74, %dma_wait3A_107] : memref<10240x128xf32, #tpu.memory_space<vmem_shared>> -> memref<80x128xf32, #tpu.memory_space<vmem_shared>>
      tpu.wait_dma2 semaphore(%run_scoped3A : memref<!tpu.dma_semaphore, #tpu.memory_space<semaphore_mem>>) src(%dma_wait3A_108 : memref<80x128xf32, #tpu.memory_space<vmem_shared>>) dst(%arg7 : memref<80x128xf32, #tpu.memory_space<vmem>>)
      tpu.yield
    }) : () -> ()
    %mul3A_75 = arith.constant 640 : i32
    %mul3A_76 = arith.muli %arg1, %mul3A_75 : i32
    %add3A_77 = arith.constant 320 : i32
    %add3A_78 = arith.addi %mul3A_76, %add3A_77 : i32
    "tpu.region"() ({
      %run_scoped3A = tpu.sem_alloc : memref<!tpu.dma_semaphore, #tpu.memory_space<semaphore_mem>>
      %dma_start3A = arith.constant 0 : i32
      %dma_start3A_103 = tpu.memref_slice %arg5[%arg0, %add3A_78, %dma_start3A] : memref<2x10240x128xf32, #tpu.memory_space<hbm>> -> memref<1x80x128xf32, #tpu.memory_space<hbm>>
      %dma_start3A_104 = tpu.memref_squeeze %dma_start3A_103 : memref<1x80x128xf32, #tpu.memory_space<hbm>> -> memref<80x128xf32, #tpu.memory_space<hbm>>
      %dma_start3A_105 = arith.constant 0 : i32
      %dma_start3A_106 = tpu.memref_slice %arg5[%arg0, %add3A_78, %dma_start3A_105] : memref<2x10240x128xf32, #tpu.memory_space<hbm>> -> memref<1x80x128xf32, #tpu.memory_space<hbm>>
      %dma_start3A_107 = tpu.memref_squeeze %dma_start3A_106 : memref<1x80x128xf32, #tpu.memory_space<hbm>> -> memref<80x128xf32, #tpu.memory_space<hbm>>
      tpu.enqueue_dma source(%arg7 : memref<80x128xf32, #tpu.memory_space<vmem>>) target(%dma_start3A_107 : memref<80x128xf32, #tpu.memory_space<hbm>>) target_semaphore(%run_scoped3A : memref<!tpu.dma_semaphore, #tpu.memory_space<semaphore_mem>>)
      %dma_wait3A = arith.constant 0 : i32
      %dma_wait3A_108 = tpu.memref_slice %arg5[%arg0, %add3A_78, %dma_wait3A] : memref<2x10240x128xf32, #tpu.memory_space<hbm>> -> memref<1x80x128xf32, #tpu.memory_space<hbm>>
      %dma_wait3A_109 = tpu.memref_squeeze %dma_wait3A_108 : memref<1x80x128xf32, #tpu.memory_space<hbm>> -> memref<80x128xf32, #tpu.memory_space<hbm>>
      %dma_wait3A_110 = arith.constant 0 : i32
      %dma_wait3A_111 = tpu.memref_slice %arg5[%arg0, %add3A_78, %dma_wait3A_110] : memref<2x10240x128xf32, #tpu.memory_space<hbm>> -> memref<1x80x128xf32, #tpu.memory_space<hbm>>
      %dma_wait3A_112 = tpu.memref_squeeze %dma_wait3A_111 : memref<1x80x128xf32, #tpu.memory_space<hbm>> -> memref<80x128xf32, #tpu.memory_space<hbm>>
      tpu.wait_dma2 semaphore(%run_scoped3A : memref<!tpu.dma_semaphore, #tpu.memory_space<semaphore_mem>>) src(%arg7 : memref<80x128xf32, #tpu.memory_space<vmem>>) dst(%dma_wait3A_112 : memref<80x128xf32, #tpu.memory_space<hbm>>)
      tpu.yield
    }) : () -> ()
    %mul3A_79 = arith.constant 640 : i32
    %mul3A_80 = arith.muli %arg1, %mul3A_79 : i32
    %add3A_81 = arith.constant 400 : i32
    %add3A_82 = arith.addi %mul3A_80, %add3A_81 : i32
    "tpu.region"() ({
      %run_scoped3A = tpu.sem_alloc : memref<!tpu.dma_semaphore, #tpu.memory_space<semaphore_mem>>
      %dma_start3A = arith.constant 0 : i32
      %dma_start3A_103 = tpu.memref_slice %arg8[%add3A_82, %dma_start3A] : memref<10240x128xf32, #tpu.memory_space<vmem_shared>> -> memref<80x128xf32, #tpu.memory_space<vmem_shared>>
      %dma_start3A_104 = arith.constant 0 : i32
      %dma_start3A_105 = tpu.memref_slice %arg8[%add3A_82, %dma_start3A_104] : memref<10240x128xf32, #tpu.memory_space<vmem_shared>> -> memref<80x128xf32, #tpu.memory_space<vmem_shared>>
      tpu.enqueue_dma source(%dma_start3A_105 : memref<80x128xf32, #tpu.memory_space<vmem_shared>>) target(%arg7 : memref<80x128xf32, #tpu.memory_space<vmem>>) target_semaphore(%run_scoped3A : memref<!tpu.dma_semaphore, #tpu.memory_space<semaphore_mem>>)
      %dma_wait3A = arith.constant 0 : i32
      %dma_wait3A_106 = tpu.memref_slice %arg8[%add3A_82, %dma_wait3A] : memref<10240x128xf32, #tpu.memory_space<vmem_shared>> -> memref<80x128xf32, #tpu.memory_space<vmem_shared>>
      %dma_wait3A_107 = arith.constant 0 : i32
      %dma_wait3A_108 = tpu.memref_slice %arg8[%add3A_82, %dma_wait3A_107] : memref<10240x128xf32, #tpu.memory_space<vmem_shared>> -> memref<80x128xf32, #tpu.memory_space<vmem_shared>>
      tpu.wait_dma2 semaphore(%run_scoped3A : memref<!tpu.dma_semaphore, #tpu.memory_space<semaphore_mem>>) src(%dma_wait3A_108 : memref<80x128xf32, #tpu.memory_space<vmem_shared>>) dst(%arg7 : memref<80x128xf32, #tpu.memory_space<vmem>>)
      tpu.yield
    }) : () -> ()
    %mul3A_83 = arith.constant 640 : i32
    %mul3A_84 = arith.muli %arg1, %mul3A_83 : i32
    %add3A_85 = arith.constant 400 : i32
    %add3A_86 = arith.addi %mul3A_84, %add3A_85 : i32
    "tpu.region"() ({
      %run_scoped3A = tpu.sem_alloc : memref<!tpu.dma_semaphore, #tpu.memory_space<semaphore_mem>>
      %dma_start3A = arith.constant 0 : i32
      %dma_start3A_103 = tpu.memref_slice %arg5[%arg0, %add3A_86, %dma_start3A] : memref<2x10240x128xf32, #tpu.memory_space<hbm>> -> memref<1x80x128xf32, #tpu.memory_space<hbm>>
      %dma_start3A_104 = tpu.memref_squeeze %dma_start3A_103 : memref<1x80x128xf32, #tpu.memory_space<hbm>> -> memref<80x128xf32, #tpu.memory_space<hbm>>
      %dma_start3A_105 = arith.constant 0 : i32
      %dma_start3A_106 = tpu.memref_slice %arg5[%arg0, %add3A_86, %dma_start3A_105] : memref<2x10240x128xf32, #tpu.memory_space<hbm>> -> memref<1x80x128xf32, #tpu.memory_space<hbm>>
      %dma_start3A_107 = tpu.memref_squeeze %dma_start3A_106 : memref<1x80x128xf32, #tpu.memory_space<hbm>> -> memref<80x128xf32, #tpu.memory_space<hbm>>
      tpu.enqueue_dma source(%arg7 : memref<80x128xf32, #tpu.memory_space<vmem>>) target(%dma_start3A_107 : memref<80x128xf32, #tpu.memory_space<hbm>>) target_semaphore(%run_scoped3A : memref<!tpu.dma_semaphore, #tpu.memory_space<semaphore_mem>>)
      %dma_wait3A = arith.constant 0 : i32
      %dma_wait3A_108 = tpu.memref_slice %arg5[%arg0, %add3A_86, %dma_wait3A] : memref<2x10240x128xf32, #tpu.memory_space<hbm>> -> memref<1x80x128xf32, #tpu.memory_space<hbm>>
      %dma_wait3A_109 = tpu.memref_squeeze %dma_wait3A_108 : memref<1x80x128xf32, #tpu.memory_space<hbm>> -> memref<80x128xf32, #tpu.memory_space<hbm>>
      %dma_wait3A_110 = arith.constant 0 : i32
      %dma_wait3A_111 = tpu.memref_slice %arg5[%arg0, %add3A_86, %dma_wait3A_110] : memref<2x10240x128xf32, #tpu.memory_space<hbm>> -> memref<1x80x128xf32, #tpu.memory_space<hbm>>
      %dma_wait3A_112 = tpu.memref_squeeze %dma_wait3A_111 : memref<1x80x128xf32, #tpu.memory_space<hbm>> -> memref<80x128xf32, #tpu.memory_space<hbm>>
      tpu.wait_dma2 semaphore(%run_scoped3A : memref<!tpu.dma_semaphore, #tpu.memory_space<semaphore_mem>>) src(%arg7 : memref<80x128xf32, #tpu.memory_space<vmem>>) dst(%dma_wait3A_112 : memref<80x128xf32, #tpu.memory_space<hbm>>)
      tpu.yield
    }) : () -> ()
    %mul3A_87 = arith.constant 640 : i32
    %mul3A_88 = arith.muli %arg1, %mul3A_87 : i32
    %add3A_89 = arith.constant 480 : i32
    %add3A_90 = arith.addi %mul3A_88, %add3A_89 : i32
    "tpu.region"() ({
      %run_scoped3A = tpu.sem_alloc : memref<!tpu.dma_semaphore, #tpu.memory_space<semaphore_mem>>
      %dma_start3A = arith.constant 0 : i32
      %dma_start3A_103 = tpu.memref_slice %arg8[%add3A_90, %dma_start3A] : memref<10240x128xf32, #tpu.memory_space<vmem_shared>> -> memref<80x128xf32, #tpu.memory_space<vmem_shared>>
      %dma_start3A_104 = arith.constant 0 : i32
      %dma_start3A_105 = tpu.memref_slice %arg8[%add3A_90, %dma_start3A_104] : memref<10240x128xf32, #tpu.memory_space<vmem_shared>> -> memref<80x128xf32, #tpu.memory_space<vmem_shared>>
      tpu.enqueue_dma source(%dma_start3A_105 : memref<80x128xf32, #tpu.memory_space<vmem_shared>>) target(%arg7 : memref<80x128xf32, #tpu.memory_space<vmem>>) target_semaphore(%run_scoped3A : memref<!tpu.dma_semaphore, #tpu.memory_space<semaphore_mem>>)
      %dma_wait3A = arith.constant 0 : i32
      %dma_wait3A_106 = tpu.memref_slice %arg8[%add3A_90, %dma_wait3A] : memref<10240x128xf32, #tpu.memory_space<vmem_shared>> -> memref<80x128xf32, #tpu.memory_space<vmem_shared>>
      %dma_wait3A_107 = arith.constant 0 : i32
      %dma_wait3A_108 = tpu.memref_slice %arg8[%add3A_90, %dma_wait3A_107] : memref<10240x128xf32, #tpu.memory_space<vmem_shared>> -> memref<80x128xf32, #tpu.memory_space<vmem_shared>>
      tpu.wait_dma2 semaphore(%run_scoped3A : memref<!tpu.dma_semaphore, #tpu.memory_space<semaphore_mem>>) src(%dma_wait3A_108 : memref<80x128xf32, #tpu.memory_space<vmem_shared>>) dst(%arg7 : memref<80x128xf32, #tpu.memory_space<vmem>>)
      tpu.yield
    }) : () -> ()
    %mul3A_91 = arith.constant 640 : i32
    %mul3A_92 = arith.muli %arg1, %mul3A_91 : i32
    %add3A_93 = arith.constant 480 : i32
    %add3A_94 = arith.addi %mul3A_92, %add3A_93 : i32
    "tpu.region"() ({
      %run_scoped3A = tpu.sem_alloc : memref<!tpu.dma_semaphore, #tpu.memory_space<semaphore_mem>>
      %dma_start3A = arith.constant 0 : i32
      %dma_start3A_103 = tpu.memref_slice %arg5[%arg0, %add3A_94, %dma_start3A] : memref<2x10240x128xf32, #tpu.memory_space<hbm>> -> memref<1x80x128xf32, #tpu.memory_space<hbm>>
      %dma_start3A_104 = tpu.memref_squeeze %dma_start3A_103 : memref<1x80x128xf32, #tpu.memory_space<hbm>> -> memref<80x128xf32, #tpu.memory_space<hbm>>
      %dma_start3A_105 = arith.constant 0 : i32
      %dma_start3A_106 = tpu.memref_slice %arg5[%arg0, %add3A_94, %dma_start3A_105] : memref<2x10240x128xf32, #tpu.memory_space<hbm>> -> memref<1x80x128xf32, #tpu.memory_space<hbm>>
      %dma_start3A_107 = tpu.memref_squeeze %dma_start3A_106 : memref<1x80x128xf32, #tpu.memory_space<hbm>> -> memref<80x128xf32, #tpu.memory_space<hbm>>
      tpu.enqueue_dma source(%arg7 : memref<80x128xf32, #tpu.memory_space<vmem>>) target(%dma_start3A_107 : memref<80x128xf32, #tpu.memory_space<hbm>>) target_semaphore(%run_scoped3A : memref<!tpu.dma_semaphore, #tpu.memory_space<semaphore_mem>>)
      %dma_wait3A = arith.constant 0 : i32
      %dma_wait3A_108 = tpu.memref_slice %arg5[%arg0, %add3A_94, %dma_wait3A] : memref<2x10240x128xf32, #tpu.memory_space<hbm>> -> memref<1x80x128xf32, #tpu.memory_space<hbm>>
      %dma_wait3A_109 = tpu.memref_squeeze %dma_wait3A_108 : memref<1x80x128xf32, #tpu.memory_space<hbm>> -> memref<80x128xf32, #tpu.memory_space<hbm>>
      %dma_wait3A_110 = arith.constant 0 : i32
      %dma_wait3A_111 = tpu.memref_slice %arg5[%arg0, %add3A_94, %dma_wait3A_110] : memref<2x10240x128xf32, #tpu.memory_space<hbm>> -> memref<1x80x128xf32, #tpu.memory_space<hbm>>
      %dma_wait3A_112 = tpu.memref_squeeze %dma_wait3A_111 : memref<1x80x128xf32, #tpu.memory_space<hbm>> -> memref<80x128xf32, #tpu.memory_space<hbm>>
      tpu.wait_dma2 semaphore(%run_scoped3A : memref<!tpu.dma_semaphore, #tpu.memory_space<semaphore_mem>>) src(%arg7 : memref<80x128xf32, #tpu.memory_space<vmem>>) dst(%dma_wait3A_112 : memref<80x128xf32, #tpu.memory_space<hbm>>)
      tpu.yield
    }) : () -> ()
    %mul3A_95 = arith.constant 640 : i32
    %mul3A_96 = arith.muli %arg1, %mul3A_95 : i32
    %add3A_97 = arith.constant 560 : i32
    %add3A_98 = arith.addi %mul3A_96, %add3A_97 : i32
    "tpu.region"() ({
      %run_scoped3A = tpu.sem_alloc : memref<!tpu.dma_semaphore, #tpu.memory_space<semaphore_mem>>
      %dma_start3A = arith.constant 0 : i32
      %dma_start3A_103 = tpu.memref_slice %arg8[%add3A_98, %dma_start3A] : memref<10240x128xf32, #tpu.memory_space<vmem_shared>> -> memref<80x128xf32, #tpu.memory_space<vmem_shared>>
      %dma_start3A_104 = arith.constant 0 : i32
      %dma_start3A_105 = tpu.memref_slice %arg8[%add3A_98, %dma_start3A_104] : memref<10240x128xf32, #tpu.memory_space<vmem_shared>> -> memref<80x128xf32, #tpu.memory_space<vmem_shared>>
      tpu.enqueue_dma source(%dma_start3A_105 : memref<80x128xf32, #tpu.memory_space<vmem_shared>>) target(%arg7 : memref<80x128xf32, #tpu.memory_space<vmem>>) target_semaphore(%run_scoped3A : memref<!tpu.dma_semaphore, #tpu.memory_space<semaphore_mem>>)
      %dma_wait3A = arith.constant 0 : i32
      %dma_wait3A_106 = tpu.memref_slice %arg8[%add3A_98, %dma_wait3A] : memref<10240x128xf32, #tpu.memory_space<vmem_shared>> -> memref<80x128xf32, #tpu.memory_space<vmem_shared>>
      %dma_wait3A_107 = arith.constant 0 : i32
      %dma_wait3A_108 = tpu.memref_slice %arg8[%add3A_98, %dma_wait3A_107] : memref<10240x128xf32, #tpu.memory_space<vmem_shared>> -> memref<80x128xf32, #tpu.memory_space<vmem_shared>>
      tpu.wait_dma2 semaphore(%run_scoped3A : memref<!tpu.dma_semaphore, #tpu.memory_space<semaphore_mem>>) src(%dma_wait3A_108 : memref<80x128xf32, #tpu.memory_space<vmem_shared>>) dst(%arg7 : memref<80x128xf32, #tpu.memory_space<vmem>>)
      tpu.yield
    }) : () -> ()
    %mul3A_99 = arith.constant 640 : i32
    %mul3A_100 = arith.muli %arg1, %mul3A_99 : i32
    %add3A_101 = arith.constant 560 : i32
    %add3A_102 = arith.addi %mul3A_100, %add3A_101 : i32
    "tpu.region"() ({
      %run_scoped3A = tpu.sem_alloc : memref<!tpu.dma_semaphore, #tpu.memory_space<semaphore_mem>>
      %dma_start3A = arith.constant 0 : i32
      %dma_start3A_103 = tpu.memref_slice %arg5[%arg0, %add3A_102, %dma_start3A] : memref<2x10240x128xf32, #tpu.memory_space<hbm>> -> memref<1x80x128xf32, #tpu.memory_space<hbm>>
      %dma_start3A_104 = tpu.memref_squeeze %dma_start3A_103 : memref<1x80x128xf32, #tpu.memory_space<hbm>> -> memref<80x128xf32, #tpu.memory_space<hbm>>
      %dma_start3A_105 = arith.constant 0 : i32
      %dma_start3A_106 = tpu.memref_slice %arg5[%arg0, %add3A_102, %dma_start3A_105] : memref<2x10240x128xf32, #tpu.memory_space<hbm>> -> memref<1x80x128xf32, #tpu.memory_space<hbm>>
      %dma_start3A_107 = tpu.memref_squeeze %dma_start3A_106 : memref<1x80x128xf32, #tpu.memory_space<hbm>> -> memref<80x128xf32, #tpu.memory_space<hbm>>
      tpu.enqueue_dma source(%arg7 : memref<80x128xf32, #tpu.memory_space<vmem>>) target(%dma_start3A_107 : memref<80x128xf32, #tpu.memory_space<hbm>>) target_semaphore(%run_scoped3A : memref<!tpu.dma_semaphore, #tpu.memory_space<semaphore_mem>>)
      %dma_wait3A = arith.constant 0 : i32
      %dma_wait3A_108 = tpu.memref_slice %arg5[%arg0, %add3A_102, %dma_wait3A] : memref<2x10240x128xf32, #tpu.memory_space<hbm>> -> memref<1x80x128xf32, #tpu.memory_space<hbm>>
      %dma_wait3A_109 = tpu.memref_squeeze %dma_wait3A_108 : memref<1x80x128xf32, #tpu.memory_space<hbm>> -> memref<80x128xf32, #tpu.memory_space<hbm>>
      %dma_wait3A_110 = arith.constant 0 : i32
      %dma_wait3A_111 = tpu.memref_slice %arg5[%arg0, %add3A_102, %dma_wait3A_110] : memref<2x10240x128xf32, #tpu.memory_space<hbm>> -> memref<1x80x128xf32, #tpu.memory_space<hbm>>
      %dma_wait3A_112 = tpu.memref_squeeze %dma_wait3A_111 : memref<1x80x128xf32, #tpu.memory_space<hbm>> -> memref<80x128xf32, #tpu.memory_space<hbm>>
      tpu.wait_dma2 semaphore(%run_scoped3A : memref<!tpu.dma_semaphore, #tpu.memory_space<semaphore_mem>>) src(%arg7 : memref<80x128xf32, #tpu.memory_space<vmem>>) dst(%dma_wait3A_112 : memref<80x128xf32, #tpu.memory_space<hbm>>)
      tpu.yield
    }) : () -> ()
    return
  }
}

#map = affine_map<(d0, d1) -> (0, 0)>
#map1 = affine_map<(d0, d1) -> (0)>
#map2 = affine_map<(d0, d1) -> (0, 0, 0)>
module attributes {stable_mosaic.version = 14 : i64} {
  func.func @_agg(%arg0: i32, %arg1: i32, %arg2: memref<10000x128xf32, #tpu.memory_space<hbm>>, %arg3: memref<327680xi32, #tpu.memory_space<hbm>>, %arg4: memref<32x128x80xi32, #tpu.memory_space<hbm>>, %arg5: memref<80x128xf32, #tpu.memory_space<hbm>>, %arg6: memref<2x10240x128xf32, #tpu.memory_space<hbm>>, %arg7: memref<10240xi32, #tpu.memory_space<vmem>>, %arg8: memref<128x80xi32, #tpu.memory_space<vmem>>, %arg9: memref<80x128xf32, #tpu.memory_space<vmem>>, %arg10: memref<80x128xf32, #tpu.memory_space<vmem>>, %arg11: memref<10240x128xf32, #tpu.memory_space<vmem_shared>>, %arg12: memref<!tpu.dma_semaphore, #tpu.memory_space<semaphore_mem>>, %arg13: memref<!tpu.dma_semaphore, #tpu.memory_space<semaphore_mem>>) attributes {dimension_semantics = [#tpu.dimension_semantics<core_parallel>, #tpu.dimension_semantics<subcore_parallel>], iteration_bounds = array<i64: 2, 16>, scalar_prefetch = 0 : i64, scratch_operands = 7 : i64, tpu.core_type = #tpu.core_type<sc_vector_subcore>, window_params = [{transform_indices = #map}, {transform_indices = #map1}, {transform_indices = #map2}, {transform_indices = #map}, {transform_indices = #map2}]} {
    %mul3A = arith.constant 2 : i32
    %mul3A_0 = arith.muli %arg1, %mul3A : i32
    %add3A = arith.addi %mul3A_0, %arg0 : i32
    "tpu.region"() ({
      %run_scoped3A = tpu.sem_alloc : memref<!tpu.dma_semaphore, #tpu.memory_space<semaphore_mem>>
      tpu.enqueue_dma source(%arg5 : memref<80x128xf32, #tpu.memory_space<hbm>>) target(%arg9 : memref<80x128xf32, #tpu.memory_space<vmem>>) target_semaphore(%run_scoped3A : memref<!tpu.dma_semaphore, #tpu.memory_space<semaphore_mem>>)
      tpu.wait_dma2 semaphore(%run_scoped3A : memref<!tpu.dma_semaphore, #tpu.memory_space<semaphore_mem>>) src(%arg5 : memref<80x128xf32, #tpu.memory_space<hbm>>) dst(%arg9 : memref<80x128xf32, #tpu.memory_space<vmem>>)
      tpu.yield
    }) : () -> ()
    %mul3A_1 = arith.constant 640 : i32
    %mul3A_2 = arith.muli %arg1, %mul3A_1 : i32
    %add3A_3 = arith.constant 0 : i32
    %add3A_4 = arith.addi %mul3A_2, %add3A_3 : i32
    "tpu.region"() ({
      %run_scoped3A = tpu.sem_alloc : memref<!tpu.dma_semaphore, #tpu.memory_space<semaphore_mem>>
      %dma_start3A = arith.constant 0 : i32
      %dma_start3A_105 = tpu.memref_slice %arg11[%add3A_4, %dma_start3A] : memref<10240x128xf32, #tpu.memory_space<vmem_shared>> -> memref<80x128xf32, #tpu.memory_space<vmem_shared>>
      %dma_start3A_106 = arith.constant 0 : i32
      %dma_start3A_107 = tpu.memref_slice %arg11[%add3A_4, %dma_start3A_106] : memref<10240x128xf32, #tpu.memory_space<vmem_shared>> -> memref<80x128xf32, #tpu.memory_space<vmem_shared>>
      tpu.enqueue_dma source(%arg9 : memref<80x128xf32, #tpu.memory_space<vmem>>) target(%dma_start3A_107 : memref<80x128xf32, #tpu.memory_space<vmem_shared>>) target_semaphore(%run_scoped3A : memref<!tpu.dma_semaphore, #tpu.memory_space<semaphore_mem>>)
      %dma_wait3A = arith.constant 0 : i32
      %dma_wait3A_108 = tpu.memref_slice %arg11[%add3A_4, %dma_wait3A] : memref<10240x128xf32, #tpu.memory_space<vmem_shared>> -> memref<80x128xf32, #tpu.memory_space<vmem_shared>>
      %dma_wait3A_109 = arith.constant 0 : i32
      %dma_wait3A_110 = tpu.memref_slice %arg11[%add3A_4, %dma_wait3A_109] : memref<10240x128xf32, #tpu.memory_space<vmem_shared>> -> memref<80x128xf32, #tpu.memory_space<vmem_shared>>
      tpu.wait_dma2 semaphore(%run_scoped3A : memref<!tpu.dma_semaphore, #tpu.memory_space<semaphore_mem>>) src(%arg9 : memref<80x128xf32, #tpu.memory_space<vmem>>) dst(%dma_wait3A_110 : memref<80x128xf32, #tpu.memory_space<vmem_shared>>)
      tpu.yield
    }) : () -> ()
    %mul3A_5 = arith.constant 640 : i32
    %mul3A_6 = arith.muli %arg1, %mul3A_5 : i32
    %add3A_7 = arith.constant 80 : i32
    %add3A_8 = arith.addi %mul3A_6, %add3A_7 : i32
    "tpu.region"() ({
      %run_scoped3A = tpu.sem_alloc : memref<!tpu.dma_semaphore, #tpu.memory_space<semaphore_mem>>
      %dma_start3A = arith.constant 0 : i32
      %dma_start3A_105 = tpu.memref_slice %arg11[%add3A_8, %dma_start3A] : memref<10240x128xf32, #tpu.memory_space<vmem_shared>> -> memref<80x128xf32, #tpu.memory_space<vmem_shared>>
      %dma_start3A_106 = arith.constant 0 : i32
      %dma_start3A_107 = tpu.memref_slice %arg11[%add3A_8, %dma_start3A_106] : memref<10240x128xf32, #tpu.memory_space<vmem_shared>> -> memref<80x128xf32, #tpu.memory_space<vmem_shared>>
      tpu.enqueue_dma source(%arg9 : memref<80x128xf32, #tpu.memory_space<vmem>>) target(%dma_start3A_107 : memref<80x128xf32, #tpu.memory_space<vmem_shared>>) target_semaphore(%run_scoped3A : memref<!tpu.dma_semaphore, #tpu.memory_space<semaphore_mem>>)
      %dma_wait3A = arith.constant 0 : i32
      %dma_wait3A_108 = tpu.memref_slice %arg11[%add3A_8, %dma_wait3A] : memref<10240x128xf32, #tpu.memory_space<vmem_shared>> -> memref<80x128xf32, #tpu.memory_space<vmem_shared>>
      %dma_wait3A_109 = arith.constant 0 : i32
      %dma_wait3A_110 = tpu.memref_slice %arg11[%add3A_8, %dma_wait3A_109] : memref<10240x128xf32, #tpu.memory_space<vmem_shared>> -> memref<80x128xf32, #tpu.memory_space<vmem_shared>>
      tpu.wait_dma2 semaphore(%run_scoped3A : memref<!tpu.dma_semaphore, #tpu.memory_space<semaphore_mem>>) src(%arg9 : memref<80x128xf32, #tpu.memory_space<vmem>>) dst(%dma_wait3A_110 : memref<80x128xf32, #tpu.memory_space<vmem_shared>>)
      tpu.yield
    }) : () -> ()
    %mul3A_9 = arith.constant 640 : i32
    %mul3A_10 = arith.muli %arg1, %mul3A_9 : i32
    %add3A_11 = arith.constant 160 : i32
    %add3A_12 = arith.addi %mul3A_10, %add3A_11 : i32
    "tpu.region"() ({
      %run_scoped3A = tpu.sem_alloc : memref<!tpu.dma_semaphore, #tpu.memory_space<semaphore_mem>>
      %dma_start3A = arith.constant 0 : i32
      %dma_start3A_105 = tpu.memref_slice %arg11[%add3A_12, %dma_start3A] : memref<10240x128xf32, #tpu.memory_space<vmem_shared>> -> memref<80x128xf32, #tpu.memory_space<vmem_shared>>
      %dma_start3A_106 = arith.constant 0 : i32
      %dma_start3A_107 = tpu.memref_slice %arg11[%add3A_12, %dma_start3A_106] : memref<10240x128xf32, #tpu.memory_space<vmem_shared>> -> memref<80x128xf32, #tpu.memory_space<vmem_shared>>
      tpu.enqueue_dma source(%arg9 : memref<80x128xf32, #tpu.memory_space<vmem>>) target(%dma_start3A_107 : memref<80x128xf32, #tpu.memory_space<vmem_shared>>) target_semaphore(%run_scoped3A : memref<!tpu.dma_semaphore, #tpu.memory_space<semaphore_mem>>)
      %dma_wait3A = arith.constant 0 : i32
      %dma_wait3A_108 = tpu.memref_slice %arg11[%add3A_12, %dma_wait3A] : memref<10240x128xf32, #tpu.memory_space<vmem_shared>> -> memref<80x128xf32, #tpu.memory_space<vmem_shared>>
      %dma_wait3A_109 = arith.constant 0 : i32
      %dma_wait3A_110 = tpu.memref_slice %arg11[%add3A_12, %dma_wait3A_109] : memref<10240x128xf32, #tpu.memory_space<vmem_shared>> -> memref<80x128xf32, #tpu.memory_space<vmem_shared>>
      tpu.wait_dma2 semaphore(%run_scoped3A : memref<!tpu.dma_semaphore, #tpu.memory_space<semaphore_mem>>) src(%arg9 : memref<80x128xf32, #tpu.memory_space<vmem>>) dst(%dma_wait3A_110 : memref<80x128xf32, #tpu.memory_space<vmem_shared>>)
      tpu.yield
    }) : () -> ()
    %mul3A_13 = arith.constant 640 : i32
    %mul3A_14 = arith.muli %arg1, %mul3A_13 : i32
    %add3A_15 = arith.constant 240 : i32
    %add3A_16 = arith.addi %mul3A_14, %add3A_15 : i32
    "tpu.region"() ({
      %run_scoped3A = tpu.sem_alloc : memref<!tpu.dma_semaphore, #tpu.memory_space<semaphore_mem>>
      %dma_start3A = arith.constant 0 : i32
      %dma_start3A_105 = tpu.memref_slice %arg11[%add3A_16, %dma_start3A] : memref<10240x128xf32, #tpu.memory_space<vmem_shared>> -> memref<80x128xf32, #tpu.memory_space<vmem_shared>>
      %dma_start3A_106 = arith.constant 0 : i32
      %dma_start3A_107 = tpu.memref_slice %arg11[%add3A_16, %dma_start3A_106] : memref<10240x128xf32, #tpu.memory_space<vmem_shared>> -> memref<80x128xf32, #tpu.memory_space<vmem_shared>>
      tpu.enqueue_dma source(%arg9 : memref<80x128xf32, #tpu.memory_space<vmem>>) target(%dma_start3A_107 : memref<80x128xf32, #tpu.memory_space<vmem_shared>>) target_semaphore(%run_scoped3A : memref<!tpu.dma_semaphore, #tpu.memory_space<semaphore_mem>>)
      %dma_wait3A = arith.constant 0 : i32
      %dma_wait3A_108 = tpu.memref_slice %arg11[%add3A_16, %dma_wait3A] : memref<10240x128xf32, #tpu.memory_space<vmem_shared>> -> memref<80x128xf32, #tpu.memory_space<vmem_shared>>
      %dma_wait3A_109 = arith.constant 0 : i32
      %dma_wait3A_110 = tpu.memref_slice %arg11[%add3A_16, %dma_wait3A_109] : memref<10240x128xf32, #tpu.memory_space<vmem_shared>> -> memref<80x128xf32, #tpu.memory_space<vmem_shared>>
      tpu.wait_dma2 semaphore(%run_scoped3A : memref<!tpu.dma_semaphore, #tpu.memory_space<semaphore_mem>>) src(%arg9 : memref<80x128xf32, #tpu.memory_space<vmem>>) dst(%dma_wait3A_110 : memref<80x128xf32, #tpu.memory_space<vmem_shared>>)
      tpu.yield
    }) : () -> ()
    %mul3A_17 = arith.constant 640 : i32
    %mul3A_18 = arith.muli %arg1, %mul3A_17 : i32
    %add3A_19 = arith.constant 320 : i32
    %add3A_20 = arith.addi %mul3A_18, %add3A_19 : i32
    "tpu.region"() ({
      %run_scoped3A = tpu.sem_alloc : memref<!tpu.dma_semaphore, #tpu.memory_space<semaphore_mem>>
      %dma_start3A = arith.constant 0 : i32
      %dma_start3A_105 = tpu.memref_slice %arg11[%add3A_20, %dma_start3A] : memref<10240x128xf32, #tpu.memory_space<vmem_shared>> -> memref<80x128xf32, #tpu.memory_space<vmem_shared>>
      %dma_start3A_106 = arith.constant 0 : i32
      %dma_start3A_107 = tpu.memref_slice %arg11[%add3A_20, %dma_start3A_106] : memref<10240x128xf32, #tpu.memory_space<vmem_shared>> -> memref<80x128xf32, #tpu.memory_space<vmem_shared>>
      tpu.enqueue_dma source(%arg9 : memref<80x128xf32, #tpu.memory_space<vmem>>) target(%dma_start3A_107 : memref<80x128xf32, #tpu.memory_space<vmem_shared>>) target_semaphore(%run_scoped3A : memref<!tpu.dma_semaphore, #tpu.memory_space<semaphore_mem>>)
      %dma_wait3A = arith.constant 0 : i32
      %dma_wait3A_108 = tpu.memref_slice %arg11[%add3A_20, %dma_wait3A] : memref<10240x128xf32, #tpu.memory_space<vmem_shared>> -> memref<80x128xf32, #tpu.memory_space<vmem_shared>>
      %dma_wait3A_109 = arith.constant 0 : i32
      %dma_wait3A_110 = tpu.memref_slice %arg11[%add3A_20, %dma_wait3A_109] : memref<10240x128xf32, #tpu.memory_space<vmem_shared>> -> memref<80x128xf32, #tpu.memory_space<vmem_shared>>
      tpu.wait_dma2 semaphore(%run_scoped3A : memref<!tpu.dma_semaphore, #tpu.memory_space<semaphore_mem>>) src(%arg9 : memref<80x128xf32, #tpu.memory_space<vmem>>) dst(%dma_wait3A_110 : memref<80x128xf32, #tpu.memory_space<vmem_shared>>)
      tpu.yield
    }) : () -> ()
    %mul3A_21 = arith.constant 640 : i32
    %mul3A_22 = arith.muli %arg1, %mul3A_21 : i32
    %add3A_23 = arith.constant 400 : i32
    %add3A_24 = arith.addi %mul3A_22, %add3A_23 : i32
    "tpu.region"() ({
      %run_scoped3A = tpu.sem_alloc : memref<!tpu.dma_semaphore, #tpu.memory_space<semaphore_mem>>
      %dma_start3A = arith.constant 0 : i32
      %dma_start3A_105 = tpu.memref_slice %arg11[%add3A_24, %dma_start3A] : memref<10240x128xf32, #tpu.memory_space<vmem_shared>> -> memref<80x128xf32, #tpu.memory_space<vmem_shared>>
      %dma_start3A_106 = arith.constant 0 : i32
      %dma_start3A_107 = tpu.memref_slice %arg11[%add3A_24, %dma_start3A_106] : memref<10240x128xf32, #tpu.memory_space<vmem_shared>> -> memref<80x128xf32, #tpu.memory_space<vmem_shared>>
      tpu.enqueue_dma source(%arg9 : memref<80x128xf32, #tpu.memory_space<vmem>>) target(%dma_start3A_107 : memref<80x128xf32, #tpu.memory_space<vmem_shared>>) target_semaphore(%run_scoped3A : memref<!tpu.dma_semaphore, #tpu.memory_space<semaphore_mem>>)
      %dma_wait3A = arith.constant 0 : i32
      %dma_wait3A_108 = tpu.memref_slice %arg11[%add3A_24, %dma_wait3A] : memref<10240x128xf32, #tpu.memory_space<vmem_shared>> -> memref<80x128xf32, #tpu.memory_space<vmem_shared>>
      %dma_wait3A_109 = arith.constant 0 : i32
      %dma_wait3A_110 = tpu.memref_slice %arg11[%add3A_24, %dma_wait3A_109] : memref<10240x128xf32, #tpu.memory_space<vmem_shared>> -> memref<80x128xf32, #tpu.memory_space<vmem_shared>>
      tpu.wait_dma2 semaphore(%run_scoped3A : memref<!tpu.dma_semaphore, #tpu.memory_space<semaphore_mem>>) src(%arg9 : memref<80x128xf32, #tpu.memory_space<vmem>>) dst(%dma_wait3A_110 : memref<80x128xf32, #tpu.memory_space<vmem_shared>>)
      tpu.yield
    }) : () -> ()
    %mul3A_25 = arith.constant 640 : i32
    %mul3A_26 = arith.muli %arg1, %mul3A_25 : i32
    %add3A_27 = arith.constant 480 : i32
    %add3A_28 = arith.addi %mul3A_26, %add3A_27 : i32
    "tpu.region"() ({
      %run_scoped3A = tpu.sem_alloc : memref<!tpu.dma_semaphore, #tpu.memory_space<semaphore_mem>>
      %dma_start3A = arith.constant 0 : i32
      %dma_start3A_105 = tpu.memref_slice %arg11[%add3A_28, %dma_start3A] : memref<10240x128xf32, #tpu.memory_space<vmem_shared>> -> memref<80x128xf32, #tpu.memory_space<vmem_shared>>
      %dma_start3A_106 = arith.constant 0 : i32
      %dma_start3A_107 = tpu.memref_slice %arg11[%add3A_28, %dma_start3A_106] : memref<10240x128xf32, #tpu.memory_space<vmem_shared>> -> memref<80x128xf32, #tpu.memory_space<vmem_shared>>
      tpu.enqueue_dma source(%arg9 : memref<80x128xf32, #tpu.memory_space<vmem>>) target(%dma_start3A_107 : memref<80x128xf32, #tpu.memory_space<vmem_shared>>) target_semaphore(%run_scoped3A : memref<!tpu.dma_semaphore, #tpu.memory_space<semaphore_mem>>)
      %dma_wait3A = arith.constant 0 : i32
      %dma_wait3A_108 = tpu.memref_slice %arg11[%add3A_28, %dma_wait3A] : memref<10240x128xf32, #tpu.memory_space<vmem_shared>> -> memref<80x128xf32, #tpu.memory_space<vmem_shared>>
      %dma_wait3A_109 = arith.constant 0 : i32
      %dma_wait3A_110 = tpu.memref_slice %arg11[%add3A_28, %dma_wait3A_109] : memref<10240x128xf32, #tpu.memory_space<vmem_shared>> -> memref<80x128xf32, #tpu.memory_space<vmem_shared>>
      tpu.wait_dma2 semaphore(%run_scoped3A : memref<!tpu.dma_semaphore, #tpu.memory_space<semaphore_mem>>) src(%arg9 : memref<80x128xf32, #tpu.memory_space<vmem>>) dst(%dma_wait3A_110 : memref<80x128xf32, #tpu.memory_space<vmem_shared>>)
      tpu.yield
    }) : () -> ()
    %mul3A_29 = arith.constant 640 : i32
    %mul3A_30 = arith.muli %arg1, %mul3A_29 : i32
    %add3A_31 = arith.constant 560 : i32
    %add3A_32 = arith.addi %mul3A_30, %add3A_31 : i32
    "tpu.region"() ({
      %run_scoped3A = tpu.sem_alloc : memref<!tpu.dma_semaphore, #tpu.memory_space<semaphore_mem>>
      %dma_start3A = arith.constant 0 : i32
      %dma_start3A_105 = tpu.memref_slice %arg11[%add3A_32, %dma_start3A] : memref<10240x128xf32, #tpu.memory_space<vmem_shared>> -> memref<80x128xf32, #tpu.memory_space<vmem_shared>>
      %dma_start3A_106 = arith.constant 0 : i32
      %dma_start3A_107 = tpu.memref_slice %arg11[%add3A_32, %dma_start3A_106] : memref<10240x128xf32, #tpu.memory_space<vmem_shared>> -> memref<80x128xf32, #tpu.memory_space<vmem_shared>>
      tpu.enqueue_dma source(%arg9 : memref<80x128xf32, #tpu.memory_space<vmem>>) target(%dma_start3A_107 : memref<80x128xf32, #tpu.memory_space<vmem_shared>>) target_semaphore(%run_scoped3A : memref<!tpu.dma_semaphore, #tpu.memory_space<semaphore_mem>>)
      %dma_wait3A = arith.constant 0 : i32
      %dma_wait3A_108 = tpu.memref_slice %arg11[%add3A_32, %dma_wait3A] : memref<10240x128xf32, #tpu.memory_space<vmem_shared>> -> memref<80x128xf32, #tpu.memory_space<vmem_shared>>
      %dma_wait3A_109 = arith.constant 0 : i32
      %dma_wait3A_110 = tpu.memref_slice %arg11[%add3A_32, %dma_wait3A_109] : memref<10240x128xf32, #tpu.memory_space<vmem_shared>> -> memref<80x128xf32, #tpu.memory_space<vmem_shared>>
      tpu.wait_dma2 semaphore(%run_scoped3A : memref<!tpu.dma_semaphore, #tpu.memory_space<semaphore_mem>>) src(%arg9 : memref<80x128xf32, #tpu.memory_space<vmem>>) dst(%dma_wait3A_110 : memref<80x128xf32, #tpu.memory_space<vmem_shared>>)
      tpu.yield
    }) : () -> ()
    %mul3A_33 = arith.constant 10240 : i32
    %mul3A_34 = arith.muli %add3A, %mul3A_33 : i32
    "tpu.region"() ({
      %run_scoped3A = tpu.sem_alloc : memref<!tpu.dma_semaphore, #tpu.memory_space<semaphore_mem>>
      %dma_start3A = tpu.memref_slice %arg3[%mul3A_34] : memref<327680xi32, #tpu.memory_space<hbm>> -> memref<10240xi32, #tpu.memory_space<hbm>>
      %dma_start3A_105 = tpu.memref_slice %arg3[%mul3A_34] : memref<327680xi32, #tpu.memory_space<hbm>> -> memref<10240xi32, #tpu.memory_space<hbm>>
      tpu.enqueue_dma source(%dma_start3A_105 : memref<10240xi32, #tpu.memory_space<hbm>>) target(%arg7 : memref<10240xi32, #tpu.memory_space<vmem>>) target_semaphore(%run_scoped3A : memref<!tpu.dma_semaphore, #tpu.memory_space<semaphore_mem>>)
      %dma_wait3A = tpu.memref_slice %arg3[%mul3A_34] : memref<327680xi32, #tpu.memory_space<hbm>> -> memref<10240xi32, #tpu.memory_space<hbm>>
      %dma_wait3A_106 = tpu.memref_slice %arg3[%mul3A_34] : memref<327680xi32, #tpu.memory_space<hbm>> -> memref<10240xi32, #tpu.memory_space<hbm>>
      tpu.wait_dma2 semaphore(%run_scoped3A : memref<!tpu.dma_semaphore, #tpu.memory_space<semaphore_mem>>) src(%dma_wait3A_106 : memref<10240xi32, #tpu.memory_space<hbm>>) dst(%arg7 : memref<10240xi32, #tpu.memory_space<vmem>>)
      tpu.yield
    }) : () -> ()
    "tpu.region"() ({
      %run_scoped3A = tpu.sem_alloc : memref<!tpu.dma_semaphore, #tpu.memory_space<semaphore_mem>>
      %dma_start3A = arith.constant 0 : i32
      %dma_start3A_105 = arith.constant 0 : i32
      %dma_start3A_106 = tpu.memref_slice %arg4[%add3A, %dma_start3A, %dma_start3A_105] : memref<32x128x80xi32, #tpu.memory_space<hbm>> -> memref<1x128x80xi32, #tpu.memory_space<hbm>>
      %dma_start3A_107 = tpu.memref_squeeze %dma_start3A_106 : memref<1x128x80xi32, #tpu.memory_space<hbm>> -> memref<128x80xi32, #tpu.memory_space<hbm>>
      %dma_start3A_108 = arith.constant 0 : i32
      %dma_start3A_109 = arith.constant 0 : i32
      %dma_start3A_110 = tpu.memref_slice %arg4[%add3A, %dma_start3A_108, %dma_start3A_109] : memref<32x128x80xi32, #tpu.memory_space<hbm>> -> memref<1x128x80xi32, #tpu.memory_space<hbm>>
      %dma_start3A_111 = tpu.memref_squeeze %dma_start3A_110 : memref<1x128x80xi32, #tpu.memory_space<hbm>> -> memref<128x80xi32, #tpu.memory_space<hbm>>
      tpu.enqueue_dma source(%dma_start3A_111 : memref<128x80xi32, #tpu.memory_space<hbm>>) target(%arg8 : memref<128x80xi32, #tpu.memory_space<vmem>>) target_semaphore(%run_scoped3A : memref<!tpu.dma_semaphore, #tpu.memory_space<semaphore_mem>>)
      %dma_wait3A = arith.constant 0 : i32
      %dma_wait3A_112 = arith.constant 0 : i32
      %dma_wait3A_113 = tpu.memref_slice %arg4[%add3A, %dma_wait3A, %dma_wait3A_112] : memref<32x128x80xi32, #tpu.memory_space<hbm>> -> memref<1x128x80xi32, #tpu.memory_space<hbm>>
      %dma_wait3A_114 = tpu.memref_squeeze %dma_wait3A_113 : memref<1x128x80xi32, #tpu.memory_space<hbm>> -> memref<128x80xi32, #tpu.memory_space<hbm>>
      %dma_wait3A_115 = arith.constant 0 : i32
      %dma_wait3A_116 = arith.constant 0 : i32
      %dma_wait3A_117 = tpu.memref_slice %arg4[%add3A, %dma_wait3A_115, %dma_wait3A_116] : memref<32x128x80xi32, #tpu.memory_space<hbm>> -> memref<1x128x80xi32, #tpu.memory_space<hbm>>
      %dma_wait3A_118 = tpu.memref_squeeze %dma_wait3A_117 : memref<1x128x80xi32, #tpu.memory_space<hbm>> -> memref<128x80xi32, #tpu.memory_space<hbm>>
      tpu.wait_dma2 semaphore(%run_scoped3A : memref<!tpu.dma_semaphore, #tpu.memory_space<semaphore_mem>>) src(%dma_wait3A_118 : memref<128x80xi32, #tpu.memory_space<hbm>>) dst(%arg8 : memref<128x80xi32, #tpu.memory_space<vmem>>)
      tpu.yield
    }) : () -> ()
    %barrier3A = arith.constant 0 : index
    tpu.barrier barrier_id(%barrier3A)
    %scan3A = arith.constant 0 : i32
    %scan3A_35 = arith.constant 0 : i32
    %scan3A_36 = arith.constant 125 : i32
    %scan3A_37 = arith.addi %scan3A_35, %scan3A_36 : i32
    %scan3A_38 = arith.constant 1 : i32
    scf.for %scan3A_105 = %scan3A_35 to %scan3A_37 step %scan3A_38  : i32 {
      %mul3A_106 = arith.constant 80 : i32
      %mul3A_107 = arith.muli %scan3A_105, %mul3A_106 : i32
      %dma_start3A = tpu.memref_slice %arg7[%mul3A_107] : memref<10240xi32, #tpu.memory_space<vmem>> -> memref<80xi32, #tpu.memory_space<vmem>>
      %dma_start3A_108 = arith.constant 0 : i32
      %dma_start3A_109 = arith.constant 0 : i32
      %dma_start3A_110 = tpu.memref_slice %arg2[%dma_start3A_108, %dma_start3A_109] : memref<10000x128xf32, #tpu.memory_space<hbm>> -> memref<10000x128xf32, #tpu.memory_space<hbm>>
      tpu.enqueue_indirect_dma source(%dma_start3A_110 : memref<10000x128xf32, #tpu.memory_space<hbm>>) target(%arg9 : memref<80x128xf32, #tpu.memory_space<vmem>>) offsets(%dma_start3A : memref<80xi32, #tpu.memory_space<vmem>>) semaphore(%arg12 : memref<!tpu.dma_semaphore, #tpu.memory_space<semaphore_mem>>)
      %dma_wait3A = tpu.memref_slice %arg7[%mul3A_107] : memref<10240xi32, #tpu.memory_space<vmem>> -> memref<80xi32, #tpu.memory_space<vmem>>
      %dma_wait3A_111 = arith.constant 0 : i32
      %dma_wait3A_112 = arith.constant 0 : i32
      %dma_wait3A_113 = tpu.memref_slice %arg2[%dma_wait3A_111, %dma_wait3A_112] : memref<10000x128xf32, #tpu.memory_space<hbm>> -> memref<10000x128xf32, #tpu.memory_space<hbm>>
      tpu.wait_indirect_dma semaphore(%arg12 : memref<!tpu.dma_semaphore, #tpu.memory_space<semaphore_mem>>) src(%dma_wait3A_113 : memref<10000x128xf32, #tpu.memory_space<hbm>>) dst(%arg9 : memref<80x128xf32, #tpu.memory_space<vmem>>)
      "tpu.region"() ({
        %run_scoped3A = tpu.sem_alloc : memref<!tpu.dma_semaphore, #tpu.memory_space<semaphore_mem>>
        %dma_start3A_114 = arith.constant 0 : i32
        %dma_start3A_115 = tpu.memref_slice %arg8[%scan3A_105, %dma_start3A_114] : memref<128x80xi32, #tpu.memory_space<vmem>> -> memref<1x80xi32, #tpu.memory_space<vmem>>
        %dma_start3A_116 = tpu.memref_squeeze %dma_start3A_115 : memref<1x80xi32, #tpu.memory_space<vmem>> -> memref<80xi32, #tpu.memory_space<vmem>>
        %dma_start3A_117 = arith.constant 0 : i32
        %dma_start3A_118 = arith.constant 0 : i32
        %dma_start3A_119 = tpu.memref_slice %arg11[%dma_start3A_117, %dma_start3A_118] : memref<10240x128xf32, #tpu.memory_space<vmem_shared>> -> memref<10240x128xf32, #tpu.memory_space<vmem_shared>>
        tpu.enqueue_indirect_dma source(%arg9 : memref<80x128xf32, #tpu.memory_space<vmem>>) target(%dma_start3A_119 : memref<10240x128xf32, #tpu.memory_space<vmem_shared>>) offsets(%dma_start3A_116 : memref<80xi32, #tpu.memory_space<vmem>>) semaphore(%run_scoped3A : memref<!tpu.dma_semaphore, #tpu.memory_space<semaphore_mem>>) {add = true}
        %dma_wait3A_120 = arith.constant 0 : i32
        %dma_wait3A_121 = tpu.memref_slice %arg8[%scan3A_105, %dma_wait3A_120] : memref<128x80xi32, #tpu.memory_space<vmem>> -> memref<1x80xi32, #tpu.memory_space<vmem>>
        %dma_wait3A_122 = tpu.memref_squeeze %dma_wait3A_121 : memref<1x80xi32, #tpu.memory_space<vmem>> -> memref<80xi32, #tpu.memory_space<vmem>>
        %dma_wait3A_123 = arith.constant 0 : i32
        %dma_wait3A_124 = arith.constant 0 : i32
        %dma_wait3A_125 = tpu.memref_slice %arg11[%dma_wait3A_123, %dma_wait3A_124] : memref<10240x128xf32, #tpu.memory_space<vmem_shared>> -> memref<10240x128xf32, #tpu.memory_space<vmem_shared>>
        tpu.wait_indirect_dma semaphore(%run_scoped3A : memref<!tpu.dma_semaphore, #tpu.memory_space<semaphore_mem>>) src(%arg9 : memref<80x128xf32, #tpu.memory_space<vmem>>) dst(%dma_wait3A_125 : memref<10240x128xf32, #tpu.memory_space<vmem_shared>>)
        tpu.yield
      }) : () -> ()
    }
    %scan3A_39 = arith.constant 125 : i32
    %barrier3A_40 = arith.constant 0 : index
    tpu.barrier barrier_id(%barrier3A_40)
    %mul3A_41 = arith.constant 640 : i32
    %mul3A_42 = arith.muli %arg1, %mul3A_41 : i32
    %add3A_43 = arith.constant 0 : i32
    %add3A_44 = arith.addi %mul3A_42, %add3A_43 : i32
    "tpu.region"() ({
      %run_scoped3A = tpu.sem_alloc : memref<!tpu.dma_semaphore, #tpu.memory_space<semaphore_mem>>
      %dma_start3A = arith.constant 0 : i32
      %dma_start3A_105 = tpu.memref_slice %arg11[%add3A_44, %dma_start3A] : memref<10240x128xf32, #tpu.memory_space<vmem_shared>> -> memref<80x128xf32, #tpu.memory_space<vmem_shared>>
      %dma_start3A_106 = arith.constant 0 : i32
      %dma_start3A_107 = tpu.memref_slice %arg11[%add3A_44, %dma_start3A_106] : memref<10240x128xf32, #tpu.memory_space<vmem_shared>> -> memref<80x128xf32, #tpu.memory_space<vmem_shared>>
      tpu.enqueue_dma source(%dma_start3A_107 : memref<80x128xf32, #tpu.memory_space<vmem_shared>>) target(%arg9 : memref<80x128xf32, #tpu.memory_space<vmem>>) target_semaphore(%run_scoped3A : memref<!tpu.dma_semaphore, #tpu.memory_space<semaphore_mem>>)
      %dma_wait3A = arith.constant 0 : i32
      %dma_wait3A_108 = tpu.memref_slice %arg11[%add3A_44, %dma_wait3A] : memref<10240x128xf32, #tpu.memory_space<vmem_shared>> -> memref<80x128xf32, #tpu.memory_space<vmem_shared>>
      %dma_wait3A_109 = arith.constant 0 : i32
      %dma_wait3A_110 = tpu.memref_slice %arg11[%add3A_44, %dma_wait3A_109] : memref<10240x128xf32, #tpu.memory_space<vmem_shared>> -> memref<80x128xf32, #tpu.memory_space<vmem_shared>>
      tpu.wait_dma2 semaphore(%run_scoped3A : memref<!tpu.dma_semaphore, #tpu.memory_space<semaphore_mem>>) src(%dma_wait3A_110 : memref<80x128xf32, #tpu.memory_space<vmem_shared>>) dst(%arg9 : memref<80x128xf32, #tpu.memory_space<vmem>>)
      tpu.yield
    }) : () -> ()
    %mul3A_45 = arith.constant 640 : i32
    %mul3A_46 = arith.muli %arg1, %mul3A_45 : i32
    %add3A_47 = arith.constant 0 : i32
    %add3A_48 = arith.addi %mul3A_46, %add3A_47 : i32
    "tpu.region"() ({
      %run_scoped3A = tpu.sem_alloc : memref<!tpu.dma_semaphore, #tpu.memory_space<semaphore_mem>>
      %dma_start3A = arith.constant 0 : i32
      %dma_start3A_105 = tpu.memref_slice %arg6[%arg0, %add3A_48, %dma_start3A] : memref<2x10240x128xf32, #tpu.memory_space<hbm>> -> memref<1x80x128xf32, #tpu.memory_space<hbm>>
      %dma_start3A_106 = tpu.memref_squeeze %dma_start3A_105 : memref<1x80x128xf32, #tpu.memory_space<hbm>> -> memref<80x128xf32, #tpu.memory_space<hbm>>
      %dma_start3A_107 = arith.constant 0 : i32
      %dma_start3A_108 = tpu.memref_slice %arg6[%arg0, %add3A_48, %dma_start3A_107] : memref<2x10240x128xf32, #tpu.memory_space<hbm>> -> memref<1x80x128xf32, #tpu.memory_space<hbm>>
      %dma_start3A_109 = tpu.memref_squeeze %dma_start3A_108 : memref<1x80x128xf32, #tpu.memory_space<hbm>> -> memref<80x128xf32, #tpu.memory_space<hbm>>
      tpu.enqueue_dma source(%arg9 : memref<80x128xf32, #tpu.memory_space<vmem>>) target(%dma_start3A_109 : memref<80x128xf32, #tpu.memory_space<hbm>>) target_semaphore(%run_scoped3A : memref<!tpu.dma_semaphore, #tpu.memory_space<semaphore_mem>>)
      %dma_wait3A = arith.constant 0 : i32
      %dma_wait3A_110 = tpu.memref_slice %arg6[%arg0, %add3A_48, %dma_wait3A] : memref<2x10240x128xf32, #tpu.memory_space<hbm>> -> memref<1x80x128xf32, #tpu.memory_space<hbm>>
      %dma_wait3A_111 = tpu.memref_squeeze %dma_wait3A_110 : memref<1x80x128xf32, #tpu.memory_space<hbm>> -> memref<80x128xf32, #tpu.memory_space<hbm>>
      %dma_wait3A_112 = arith.constant 0 : i32
      %dma_wait3A_113 = tpu.memref_slice %arg6[%arg0, %add3A_48, %dma_wait3A_112] : memref<2x10240x128xf32, #tpu.memory_space<hbm>> -> memref<1x80x128xf32, #tpu.memory_space<hbm>>
      %dma_wait3A_114 = tpu.memref_squeeze %dma_wait3A_113 : memref<1x80x128xf32, #tpu.memory_space<hbm>> -> memref<80x128xf32, #tpu.memory_space<hbm>>
      tpu.wait_dma2 semaphore(%run_scoped3A : memref<!tpu.dma_semaphore, #tpu.memory_space<semaphore_mem>>) src(%arg9 : memref<80x128xf32, #tpu.memory_space<vmem>>) dst(%dma_wait3A_114 : memref<80x128xf32, #tpu.memory_space<hbm>>)
      tpu.yield
    }) : () -> ()
    %mul3A_49 = arith.constant 640 : i32
    %mul3A_50 = arith.muli %arg1, %mul3A_49 : i32
    %add3A_51 = arith.constant 80 : i32
    %add3A_52 = arith.addi %mul3A_50, %add3A_51 : i32
    "tpu.region"() ({
      %run_scoped3A = tpu.sem_alloc : memref<!tpu.dma_semaphore, #tpu.memory_space<semaphore_mem>>
      %dma_start3A = arith.constant 0 : i32
      %dma_start3A_105 = tpu.memref_slice %arg11[%add3A_52, %dma_start3A] : memref<10240x128xf32, #tpu.memory_space<vmem_shared>> -> memref<80x128xf32, #tpu.memory_space<vmem_shared>>
      %dma_start3A_106 = arith.constant 0 : i32
      %dma_start3A_107 = tpu.memref_slice %arg11[%add3A_52, %dma_start3A_106] : memref<10240x128xf32, #tpu.memory_space<vmem_shared>> -> memref<80x128xf32, #tpu.memory_space<vmem_shared>>
      tpu.enqueue_dma source(%dma_start3A_107 : memref<80x128xf32, #tpu.memory_space<vmem_shared>>) target(%arg9 : memref<80x128xf32, #tpu.memory_space<vmem>>) target_semaphore(%run_scoped3A : memref<!tpu.dma_semaphore, #tpu.memory_space<semaphore_mem>>)
      %dma_wait3A = arith.constant 0 : i32
      %dma_wait3A_108 = tpu.memref_slice %arg11[%add3A_52, %dma_wait3A] : memref<10240x128xf32, #tpu.memory_space<vmem_shared>> -> memref<80x128xf32, #tpu.memory_space<vmem_shared>>
      %dma_wait3A_109 = arith.constant 0 : i32
      %dma_wait3A_110 = tpu.memref_slice %arg11[%add3A_52, %dma_wait3A_109] : memref<10240x128xf32, #tpu.memory_space<vmem_shared>> -> memref<80x128xf32, #tpu.memory_space<vmem_shared>>
      tpu.wait_dma2 semaphore(%run_scoped3A : memref<!tpu.dma_semaphore, #tpu.memory_space<semaphore_mem>>) src(%dma_wait3A_110 : memref<80x128xf32, #tpu.memory_space<vmem_shared>>) dst(%arg9 : memref<80x128xf32, #tpu.memory_space<vmem>>)
      tpu.yield
    }) : () -> ()
    %mul3A_53 = arith.constant 640 : i32
    %mul3A_54 = arith.muli %arg1, %mul3A_53 : i32
    %add3A_55 = arith.constant 80 : i32
    %add3A_56 = arith.addi %mul3A_54, %add3A_55 : i32
    "tpu.region"() ({
      %run_scoped3A = tpu.sem_alloc : memref<!tpu.dma_semaphore, #tpu.memory_space<semaphore_mem>>
      %dma_start3A = arith.constant 0 : i32
      %dma_start3A_105 = tpu.memref_slice %arg6[%arg0, %add3A_56, %dma_start3A] : memref<2x10240x128xf32, #tpu.memory_space<hbm>> -> memref<1x80x128xf32, #tpu.memory_space<hbm>>
      %dma_start3A_106 = tpu.memref_squeeze %dma_start3A_105 : memref<1x80x128xf32, #tpu.memory_space<hbm>> -> memref<80x128xf32, #tpu.memory_space<hbm>>
      %dma_start3A_107 = arith.constant 0 : i32
      %dma_start3A_108 = tpu.memref_slice %arg6[%arg0, %add3A_56, %dma_start3A_107] : memref<2x10240x128xf32, #tpu.memory_space<hbm>> -> memref<1x80x128xf32, #tpu.memory_space<hbm>>
      %dma_start3A_109 = tpu.memref_squeeze %dma_start3A_108 : memref<1x80x128xf32, #tpu.memory_space<hbm>> -> memref<80x128xf32, #tpu.memory_space<hbm>>
      tpu.enqueue_dma source(%arg9 : memref<80x128xf32, #tpu.memory_space<vmem>>) target(%dma_start3A_109 : memref<80x128xf32, #tpu.memory_space<hbm>>) target_semaphore(%run_scoped3A : memref<!tpu.dma_semaphore, #tpu.memory_space<semaphore_mem>>)
      %dma_wait3A = arith.constant 0 : i32
      %dma_wait3A_110 = tpu.memref_slice %arg6[%arg0, %add3A_56, %dma_wait3A] : memref<2x10240x128xf32, #tpu.memory_space<hbm>> -> memref<1x80x128xf32, #tpu.memory_space<hbm>>
      %dma_wait3A_111 = tpu.memref_squeeze %dma_wait3A_110 : memref<1x80x128xf32, #tpu.memory_space<hbm>> -> memref<80x128xf32, #tpu.memory_space<hbm>>
      %dma_wait3A_112 = arith.constant 0 : i32
      %dma_wait3A_113 = tpu.memref_slice %arg6[%arg0, %add3A_56, %dma_wait3A_112] : memref<2x10240x128xf32, #tpu.memory_space<hbm>> -> memref<1x80x128xf32, #tpu.memory_space<hbm>>
      %dma_wait3A_114 = tpu.memref_squeeze %dma_wait3A_113 : memref<1x80x128xf32, #tpu.memory_space<hbm>> -> memref<80x128xf32, #tpu.memory_space<hbm>>
      tpu.wait_dma2 semaphore(%run_scoped3A : memref<!tpu.dma_semaphore, #tpu.memory_space<semaphore_mem>>) src(%arg9 : memref<80x128xf32, #tpu.memory_space<vmem>>) dst(%dma_wait3A_114 : memref<80x128xf32, #tpu.memory_space<hbm>>)
      tpu.yield
    }) : () -> ()
    %mul3A_57 = arith.constant 640 : i32
    %mul3A_58 = arith.muli %arg1, %mul3A_57 : i32
    %add3A_59 = arith.constant 160 : i32
    %add3A_60 = arith.addi %mul3A_58, %add3A_59 : i32
    "tpu.region"() ({
      %run_scoped3A = tpu.sem_alloc : memref<!tpu.dma_semaphore, #tpu.memory_space<semaphore_mem>>
      %dma_start3A = arith.constant 0 : i32
      %dma_start3A_105 = tpu.memref_slice %arg11[%add3A_60, %dma_start3A] : memref<10240x128xf32, #tpu.memory_space<vmem_shared>> -> memref<80x128xf32, #tpu.memory_space<vmem_shared>>
      %dma_start3A_106 = arith.constant 0 : i32
      %dma_start3A_107 = tpu.memref_slice %arg11[%add3A_60, %dma_start3A_106] : memref<10240x128xf32, #tpu.memory_space<vmem_shared>> -> memref<80x128xf32, #tpu.memory_space<vmem_shared>>
      tpu.enqueue_dma source(%dma_start3A_107 : memref<80x128xf32, #tpu.memory_space<vmem_shared>>) target(%arg9 : memref<80x128xf32, #tpu.memory_space<vmem>>) target_semaphore(%run_scoped3A : memref<!tpu.dma_semaphore, #tpu.memory_space<semaphore_mem>>)
      %dma_wait3A = arith.constant 0 : i32
      %dma_wait3A_108 = tpu.memref_slice %arg11[%add3A_60, %dma_wait3A] : memref<10240x128xf32, #tpu.memory_space<vmem_shared>> -> memref<80x128xf32, #tpu.memory_space<vmem_shared>>
      %dma_wait3A_109 = arith.constant 0 : i32
      %dma_wait3A_110 = tpu.memref_slice %arg11[%add3A_60, %dma_wait3A_109] : memref<10240x128xf32, #tpu.memory_space<vmem_shared>> -> memref<80x128xf32, #tpu.memory_space<vmem_shared>>
      tpu.wait_dma2 semaphore(%run_scoped3A : memref<!tpu.dma_semaphore, #tpu.memory_space<semaphore_mem>>) src(%dma_wait3A_110 : memref<80x128xf32, #tpu.memory_space<vmem_shared>>) dst(%arg9 : memref<80x128xf32, #tpu.memory_space<vmem>>)
      tpu.yield
    }) : () -> ()
    %mul3A_61 = arith.constant 640 : i32
    %mul3A_62 = arith.muli %arg1, %mul3A_61 : i32
    %add3A_63 = arith.constant 160 : i32
    %add3A_64 = arith.addi %mul3A_62, %add3A_63 : i32
    "tpu.region"() ({
      %run_scoped3A = tpu.sem_alloc : memref<!tpu.dma_semaphore, #tpu.memory_space<semaphore_mem>>
      %dma_start3A = arith.constant 0 : i32
      %dma_start3A_105 = tpu.memref_slice %arg6[%arg0, %add3A_64, %dma_start3A] : memref<2x10240x128xf32, #tpu.memory_space<hbm>> -> memref<1x80x128xf32, #tpu.memory_space<hbm>>
      %dma_start3A_106 = tpu.memref_squeeze %dma_start3A_105 : memref<1x80x128xf32, #tpu.memory_space<hbm>> -> memref<80x128xf32, #tpu.memory_space<hbm>>
      %dma_start3A_107 = arith.constant 0 : i32
      %dma_start3A_108 = tpu.memref_slice %arg6[%arg0, %add3A_64, %dma_start3A_107] : memref<2x10240x128xf32, #tpu.memory_space<hbm>> -> memref<1x80x128xf32, #tpu.memory_space<hbm>>
      %dma_start3A_109 = tpu.memref_squeeze %dma_start3A_108 : memref<1x80x128xf32, #tpu.memory_space<hbm>> -> memref<80x128xf32, #tpu.memory_space<hbm>>
      tpu.enqueue_dma source(%arg9 : memref<80x128xf32, #tpu.memory_space<vmem>>) target(%dma_start3A_109 : memref<80x128xf32, #tpu.memory_space<hbm>>) target_semaphore(%run_scoped3A : memref<!tpu.dma_semaphore, #tpu.memory_space<semaphore_mem>>)
      %dma_wait3A = arith.constant 0 : i32
      %dma_wait3A_110 = tpu.memref_slice %arg6[%arg0, %add3A_64, %dma_wait3A] : memref<2x10240x128xf32, #tpu.memory_space<hbm>> -> memref<1x80x128xf32, #tpu.memory_space<hbm>>
      %dma_wait3A_111 = tpu.memref_squeeze %dma_wait3A_110 : memref<1x80x128xf32, #tpu.memory_space<hbm>> -> memref<80x128xf32, #tpu.memory_space<hbm>>
      %dma_wait3A_112 = arith.constant 0 : i32
      %dma_wait3A_113 = tpu.memref_slice %arg6[%arg0, %add3A_64, %dma_wait3A_112] : memref<2x10240x128xf32, #tpu.memory_space<hbm>> -> memref<1x80x128xf32, #tpu.memory_space<hbm>>
      %dma_wait3A_114 = tpu.memref_squeeze %dma_wait3A_113 : memref<1x80x128xf32, #tpu.memory_space<hbm>> -> memref<80x128xf32, #tpu.memory_space<hbm>>
      tpu.wait_dma2 semaphore(%run_scoped3A : memref<!tpu.dma_semaphore, #tpu.memory_space<semaphore_mem>>) src(%arg9 : memref<80x128xf32, #tpu.memory_space<vmem>>) dst(%dma_wait3A_114 : memref<80x128xf32, #tpu.memory_space<hbm>>)
      tpu.yield
    }) : () -> ()
    %mul3A_65 = arith.constant 640 : i32
    %mul3A_66 = arith.muli %arg1, %mul3A_65 : i32
    %add3A_67 = arith.constant 240 : i32
    %add3A_68 = arith.addi %mul3A_66, %add3A_67 : i32
    "tpu.region"() ({
      %run_scoped3A = tpu.sem_alloc : memref<!tpu.dma_semaphore, #tpu.memory_space<semaphore_mem>>
      %dma_start3A = arith.constant 0 : i32
      %dma_start3A_105 = tpu.memref_slice %arg11[%add3A_68, %dma_start3A] : memref<10240x128xf32, #tpu.memory_space<vmem_shared>> -> memref<80x128xf32, #tpu.memory_space<vmem_shared>>
      %dma_start3A_106 = arith.constant 0 : i32
      %dma_start3A_107 = tpu.memref_slice %arg11[%add3A_68, %dma_start3A_106] : memref<10240x128xf32, #tpu.memory_space<vmem_shared>> -> memref<80x128xf32, #tpu.memory_space<vmem_shared>>
      tpu.enqueue_dma source(%dma_start3A_107 : memref<80x128xf32, #tpu.memory_space<vmem_shared>>) target(%arg9 : memref<80x128xf32, #tpu.memory_space<vmem>>) target_semaphore(%run_scoped3A : memref<!tpu.dma_semaphore, #tpu.memory_space<semaphore_mem>>)
      %dma_wait3A = arith.constant 0 : i32
      %dma_wait3A_108 = tpu.memref_slice %arg11[%add3A_68, %dma_wait3A] : memref<10240x128xf32, #tpu.memory_space<vmem_shared>> -> memref<80x128xf32, #tpu.memory_space<vmem_shared>>
      %dma_wait3A_109 = arith.constant 0 : i32
      %dma_wait3A_110 = tpu.memref_slice %arg11[%add3A_68, %dma_wait3A_109] : memref<10240x128xf32, #tpu.memory_space<vmem_shared>> -> memref<80x128xf32, #tpu.memory_space<vmem_shared>>
      tpu.wait_dma2 semaphore(%run_scoped3A : memref<!tpu.dma_semaphore, #tpu.memory_space<semaphore_mem>>) src(%dma_wait3A_110 : memref<80x128xf32, #tpu.memory_space<vmem_shared>>) dst(%arg9 : memref<80x128xf32, #tpu.memory_space<vmem>>)
      tpu.yield
    }) : () -> ()
    %mul3A_69 = arith.constant 640 : i32
    %mul3A_70 = arith.muli %arg1, %mul3A_69 : i32
    %add3A_71 = arith.constant 240 : i32
    %add3A_72 = arith.addi %mul3A_70, %add3A_71 : i32
    "tpu.region"() ({
      %run_scoped3A = tpu.sem_alloc : memref<!tpu.dma_semaphore, #tpu.memory_space<semaphore_mem>>
      %dma_start3A = arith.constant 0 : i32
      %dma_start3A_105 = tpu.memref_slice %arg6[%arg0, %add3A_72, %dma_start3A] : memref<2x10240x128xf32, #tpu.memory_space<hbm>> -> memref<1x80x128xf32, #tpu.memory_space<hbm>>
      %dma_start3A_106 = tpu.memref_squeeze %dma_start3A_105 : memref<1x80x128xf32, #tpu.memory_space<hbm>> -> memref<80x128xf32, #tpu.memory_space<hbm>>
      %dma_start3A_107 = arith.constant 0 : i32
      %dma_start3A_108 = tpu.memref_slice %arg6[%arg0, %add3A_72, %dma_start3A_107] : memref<2x10240x128xf32, #tpu.memory_space<hbm>> -> memref<1x80x128xf32, #tpu.memory_space<hbm>>
      %dma_start3A_109 = tpu.memref_squeeze %dma_start3A_108 : memref<1x80x128xf32, #tpu.memory_space<hbm>> -> memref<80x128xf32, #tpu.memory_space<hbm>>
      tpu.enqueue_dma source(%arg9 : memref<80x128xf32, #tpu.memory_space<vmem>>) target(%dma_start3A_109 : memref<80x128xf32, #tpu.memory_space<hbm>>) target_semaphore(%run_scoped3A : memref<!tpu.dma_semaphore, #tpu.memory_space<semaphore_mem>>)
      %dma_wait3A = arith.constant 0 : i32
      %dma_wait3A_110 = tpu.memref_slice %arg6[%arg0, %add3A_72, %dma_wait3A] : memref<2x10240x128xf32, #tpu.memory_space<hbm>> -> memref<1x80x128xf32, #tpu.memory_space<hbm>>
      %dma_wait3A_111 = tpu.memref_squeeze %dma_wait3A_110 : memref<1x80x128xf32, #tpu.memory_space<hbm>> -> memref<80x128xf32, #tpu.memory_space<hbm>>
      %dma_wait3A_112 = arith.constant 0 : i32
      %dma_wait3A_113 = tpu.memref_slice %arg6[%arg0, %add3A_72, %dma_wait3A_112] : memref<2x10240x128xf32, #tpu.memory_space<hbm>> -> memref<1x80x128xf32, #tpu.memory_space<hbm>>
      %dma_wait3A_114 = tpu.memref_squeeze %dma_wait3A_113 : memref<1x80x128xf32, #tpu.memory_space<hbm>> -> memref<80x128xf32, #tpu.memory_space<hbm>>
      tpu.wait_dma2 semaphore(%run_scoped3A : memref<!tpu.dma_semaphore, #tpu.memory_space<semaphore_mem>>) src(%arg9 : memref<80x128xf32, #tpu.memory_space<vmem>>) dst(%dma_wait3A_114 : memref<80x128xf32, #tpu.memory_space<hbm>>)
      tpu.yield
    }) : () -> ()
    %mul3A_73 = arith.constant 640 : i32
    %mul3A_74 = arith.muli %arg1, %mul3A_73 : i32
    %add3A_75 = arith.constant 320 : i32
    %add3A_76 = arith.addi %mul3A_74, %add3A_75 : i32
    "tpu.region"() ({
      %run_scoped3A = tpu.sem_alloc : memref<!tpu.dma_semaphore, #tpu.memory_space<semaphore_mem>>
      %dma_start3A = arith.constant 0 : i32
      %dma_start3A_105 = tpu.memref_slice %arg11[%add3A_76, %dma_start3A] : memref<10240x128xf32, #tpu.memory_space<vmem_shared>> -> memref<80x128xf32, #tpu.memory_space<vmem_shared>>
      %dma_start3A_106 = arith.constant 0 : i32
      %dma_start3A_107 = tpu.memref_slice %arg11[%add3A_76, %dma_start3A_106] : memref<10240x128xf32, #tpu.memory_space<vmem_shared>> -> memref<80x128xf32, #tpu.memory_space<vmem_shared>>
      tpu.enqueue_dma source(%dma_start3A_107 : memref<80x128xf32, #tpu.memory_space<vmem_shared>>) target(%arg9 : memref<80x128xf32, #tpu.memory_space<vmem>>) target_semaphore(%run_scoped3A : memref<!tpu.dma_semaphore, #tpu.memory_space<semaphore_mem>>)
      %dma_wait3A = arith.constant 0 : i32
      %dma_wait3A_108 = tpu.memref_slice %arg11[%add3A_76, %dma_wait3A] : memref<10240x128xf32, #tpu.memory_space<vmem_shared>> -> memref<80x128xf32, #tpu.memory_space<vmem_shared>>
      %dma_wait3A_109 = arith.constant 0 : i32
      %dma_wait3A_110 = tpu.memref_slice %arg11[%add3A_76, %dma_wait3A_109] : memref<10240x128xf32, #tpu.memory_space<vmem_shared>> -> memref<80x128xf32, #tpu.memory_space<vmem_shared>>
      tpu.wait_dma2 semaphore(%run_scoped3A : memref<!tpu.dma_semaphore, #tpu.memory_space<semaphore_mem>>) src(%dma_wait3A_110 : memref<80x128xf32, #tpu.memory_space<vmem_shared>>) dst(%arg9 : memref<80x128xf32, #tpu.memory_space<vmem>>)
      tpu.yield
    }) : () -> ()
    %mul3A_77 = arith.constant 640 : i32
    %mul3A_78 = arith.muli %arg1, %mul3A_77 : i32
    %add3A_79 = arith.constant 320 : i32
    %add3A_80 = arith.addi %mul3A_78, %add3A_79 : i32
    "tpu.region"() ({
      %run_scoped3A = tpu.sem_alloc : memref<!tpu.dma_semaphore, #tpu.memory_space<semaphore_mem>>
      %dma_start3A = arith.constant 0 : i32
      %dma_start3A_105 = tpu.memref_slice %arg6[%arg0, %add3A_80, %dma_start3A] : memref<2x10240x128xf32, #tpu.memory_space<hbm>> -> memref<1x80x128xf32, #tpu.memory_space<hbm>>
      %dma_start3A_106 = tpu.memref_squeeze %dma_start3A_105 : memref<1x80x128xf32, #tpu.memory_space<hbm>> -> memref<80x128xf32, #tpu.memory_space<hbm>>
      %dma_start3A_107 = arith.constant 0 : i32
      %dma_start3A_108 = tpu.memref_slice %arg6[%arg0, %add3A_80, %dma_start3A_107] : memref<2x10240x128xf32, #tpu.memory_space<hbm>> -> memref<1x80x128xf32, #tpu.memory_space<hbm>>
      %dma_start3A_109 = tpu.memref_squeeze %dma_start3A_108 : memref<1x80x128xf32, #tpu.memory_space<hbm>> -> memref<80x128xf32, #tpu.memory_space<hbm>>
      tpu.enqueue_dma source(%arg9 : memref<80x128xf32, #tpu.memory_space<vmem>>) target(%dma_start3A_109 : memref<80x128xf32, #tpu.memory_space<hbm>>) target_semaphore(%run_scoped3A : memref<!tpu.dma_semaphore, #tpu.memory_space<semaphore_mem>>)
      %dma_wait3A = arith.constant 0 : i32
      %dma_wait3A_110 = tpu.memref_slice %arg6[%arg0, %add3A_80, %dma_wait3A] : memref<2x10240x128xf32, #tpu.memory_space<hbm>> -> memref<1x80x128xf32, #tpu.memory_space<hbm>>
      %dma_wait3A_111 = tpu.memref_squeeze %dma_wait3A_110 : memref<1x80x128xf32, #tpu.memory_space<hbm>> -> memref<80x128xf32, #tpu.memory_space<hbm>>
      %dma_wait3A_112 = arith.constant 0 : i32
      %dma_wait3A_113 = tpu.memref_slice %arg6[%arg0, %add3A_80, %dma_wait3A_112] : memref<2x10240x128xf32, #tpu.memory_space<hbm>> -> memref<1x80x128xf32, #tpu.memory_space<hbm>>
      %dma_wait3A_114 = tpu.memref_squeeze %dma_wait3A_113 : memref<1x80x128xf32, #tpu.memory_space<hbm>> -> memref<80x128xf32, #tpu.memory_space<hbm>>
      tpu.wait_dma2 semaphore(%run_scoped3A : memref<!tpu.dma_semaphore, #tpu.memory_space<semaphore_mem>>) src(%arg9 : memref<80x128xf32, #tpu.memory_space<vmem>>) dst(%dma_wait3A_114 : memref<80x128xf32, #tpu.memory_space<hbm>>)
      tpu.yield
    }) : () -> ()
    %mul3A_81 = arith.constant 640 : i32
    %mul3A_82 = arith.muli %arg1, %mul3A_81 : i32
    %add3A_83 = arith.constant 400 : i32
    %add3A_84 = arith.addi %mul3A_82, %add3A_83 : i32
    "tpu.region"() ({
      %run_scoped3A = tpu.sem_alloc : memref<!tpu.dma_semaphore, #tpu.memory_space<semaphore_mem>>
      %dma_start3A = arith.constant 0 : i32
      %dma_start3A_105 = tpu.memref_slice %arg11[%add3A_84, %dma_start3A] : memref<10240x128xf32, #tpu.memory_space<vmem_shared>> -> memref<80x128xf32, #tpu.memory_space<vmem_shared>>
      %dma_start3A_106 = arith.constant 0 : i32
      %dma_start3A_107 = tpu.memref_slice %arg11[%add3A_84, %dma_start3A_106] : memref<10240x128xf32, #tpu.memory_space<vmem_shared>> -> memref<80x128xf32, #tpu.memory_space<vmem_shared>>
      tpu.enqueue_dma source(%dma_start3A_107 : memref<80x128xf32, #tpu.memory_space<vmem_shared>>) target(%arg9 : memref<80x128xf32, #tpu.memory_space<vmem>>) target_semaphore(%run_scoped3A : memref<!tpu.dma_semaphore, #tpu.memory_space<semaphore_mem>>)
      %dma_wait3A = arith.constant 0 : i32
      %dma_wait3A_108 = tpu.memref_slice %arg11[%add3A_84, %dma_wait3A] : memref<10240x128xf32, #tpu.memory_space<vmem_shared>> -> memref<80x128xf32, #tpu.memory_space<vmem_shared>>
      %dma_wait3A_109 = arith.constant 0 : i32
      %dma_wait3A_110 = tpu.memref_slice %arg11[%add3A_84, %dma_wait3A_109] : memref<10240x128xf32, #tpu.memory_space<vmem_shared>> -> memref<80x128xf32, #tpu.memory_space<vmem_shared>>
      tpu.wait_dma2 semaphore(%run_scoped3A : memref<!tpu.dma_semaphore, #tpu.memory_space<semaphore_mem>>) src(%dma_wait3A_110 : memref<80x128xf32, #tpu.memory_space<vmem_shared>>) dst(%arg9 : memref<80x128xf32, #tpu.memory_space<vmem>>)
      tpu.yield
    }) : () -> ()
    %mul3A_85 = arith.constant 640 : i32
    %mul3A_86 = arith.muli %arg1, %mul3A_85 : i32
    %add3A_87 = arith.constant 400 : i32
    %add3A_88 = arith.addi %mul3A_86, %add3A_87 : i32
    "tpu.region"() ({
      %run_scoped3A = tpu.sem_alloc : memref<!tpu.dma_semaphore, #tpu.memory_space<semaphore_mem>>
      %dma_start3A = arith.constant 0 : i32
      %dma_start3A_105 = tpu.memref_slice %arg6[%arg0, %add3A_88, %dma_start3A] : memref<2x10240x128xf32, #tpu.memory_space<hbm>> -> memref<1x80x128xf32, #tpu.memory_space<hbm>>
      %dma_start3A_106 = tpu.memref_squeeze %dma_start3A_105 : memref<1x80x128xf32, #tpu.memory_space<hbm>> -> memref<80x128xf32, #tpu.memory_space<hbm>>
      %dma_start3A_107 = arith.constant 0 : i32
      %dma_start3A_108 = tpu.memref_slice %arg6[%arg0, %add3A_88, %dma_start3A_107] : memref<2x10240x128xf32, #tpu.memory_space<hbm>> -> memref<1x80x128xf32, #tpu.memory_space<hbm>>
      %dma_start3A_109 = tpu.memref_squeeze %dma_start3A_108 : memref<1x80x128xf32, #tpu.memory_space<hbm>> -> memref<80x128xf32, #tpu.memory_space<hbm>>
      tpu.enqueue_dma source(%arg9 : memref<80x128xf32, #tpu.memory_space<vmem>>) target(%dma_start3A_109 : memref<80x128xf32, #tpu.memory_space<hbm>>) target_semaphore(%run_scoped3A : memref<!tpu.dma_semaphore, #tpu.memory_space<semaphore_mem>>)
      %dma_wait3A = arith.constant 0 : i32
      %dma_wait3A_110 = tpu.memref_slice %arg6[%arg0, %add3A_88, %dma_wait3A] : memref<2x10240x128xf32, #tpu.memory_space<hbm>> -> memref<1x80x128xf32, #tpu.memory_space<hbm>>
      %dma_wait3A_111 = tpu.memref_squeeze %dma_wait3A_110 : memref<1x80x128xf32, #tpu.memory_space<hbm>> -> memref<80x128xf32, #tpu.memory_space<hbm>>
      %dma_wait3A_112 = arith.constant 0 : i32
      %dma_wait3A_113 = tpu.memref_slice %arg6[%arg0, %add3A_88, %dma_wait3A_112] : memref<2x10240x128xf32, #tpu.memory_space<hbm>> -> memref<1x80x128xf32, #tpu.memory_space<hbm>>
      %dma_wait3A_114 = tpu.memref_squeeze %dma_wait3A_113 : memref<1x80x128xf32, #tpu.memory_space<hbm>> -> memref<80x128xf32, #tpu.memory_space<hbm>>
      tpu.wait_dma2 semaphore(%run_scoped3A : memref<!tpu.dma_semaphore, #tpu.memory_space<semaphore_mem>>) src(%arg9 : memref<80x128xf32, #tpu.memory_space<vmem>>) dst(%dma_wait3A_114 : memref<80x128xf32, #tpu.memory_space<hbm>>)
      tpu.yield
    }) : () -> ()
    %mul3A_89 = arith.constant 640 : i32
    %mul3A_90 = arith.muli %arg1, %mul3A_89 : i32
    %add3A_91 = arith.constant 480 : i32
    %add3A_92 = arith.addi %mul3A_90, %add3A_91 : i32
    "tpu.region"() ({
      %run_scoped3A = tpu.sem_alloc : memref<!tpu.dma_semaphore, #tpu.memory_space<semaphore_mem>>
      %dma_start3A = arith.constant 0 : i32
      %dma_start3A_105 = tpu.memref_slice %arg11[%add3A_92, %dma_start3A] : memref<10240x128xf32, #tpu.memory_space<vmem_shared>> -> memref<80x128xf32, #tpu.memory_space<vmem_shared>>
      %dma_start3A_106 = arith.constant 0 : i32
      %dma_start3A_107 = tpu.memref_slice %arg11[%add3A_92, %dma_start3A_106] : memref<10240x128xf32, #tpu.memory_space<vmem_shared>> -> memref<80x128xf32, #tpu.memory_space<vmem_shared>>
      tpu.enqueue_dma source(%dma_start3A_107 : memref<80x128xf32, #tpu.memory_space<vmem_shared>>) target(%arg9 : memref<80x128xf32, #tpu.memory_space<vmem>>) target_semaphore(%run_scoped3A : memref<!tpu.dma_semaphore, #tpu.memory_space<semaphore_mem>>)
      %dma_wait3A = arith.constant 0 : i32
      %dma_wait3A_108 = tpu.memref_slice %arg11[%add3A_92, %dma_wait3A] : memref<10240x128xf32, #tpu.memory_space<vmem_shared>> -> memref<80x128xf32, #tpu.memory_space<vmem_shared>>
      %dma_wait3A_109 = arith.constant 0 : i32
      %dma_wait3A_110 = tpu.memref_slice %arg11[%add3A_92, %dma_wait3A_109] : memref<10240x128xf32, #tpu.memory_space<vmem_shared>> -> memref<80x128xf32, #tpu.memory_space<vmem_shared>>
      tpu.wait_dma2 semaphore(%run_scoped3A : memref<!tpu.dma_semaphore, #tpu.memory_space<semaphore_mem>>) src(%dma_wait3A_110 : memref<80x128xf32, #tpu.memory_space<vmem_shared>>) dst(%arg9 : memref<80x128xf32, #tpu.memory_space<vmem>>)
      tpu.yield
    }) : () -> ()
    %mul3A_93 = arith.constant 640 : i32
    %mul3A_94 = arith.muli %arg1, %mul3A_93 : i32
    %add3A_95 = arith.constant 480 : i32
    %add3A_96 = arith.addi %mul3A_94, %add3A_95 : i32
    "tpu.region"() ({
      %run_scoped3A = tpu.sem_alloc : memref<!tpu.dma_semaphore, #tpu.memory_space<semaphore_mem>>
      %dma_start3A = arith.constant 0 : i32
      %dma_start3A_105 = tpu.memref_slice %arg6[%arg0, %add3A_96, %dma_start3A] : memref<2x10240x128xf32, #tpu.memory_space<hbm>> -> memref<1x80x128xf32, #tpu.memory_space<hbm>>
      %dma_start3A_106 = tpu.memref_squeeze %dma_start3A_105 : memref<1x80x128xf32, #tpu.memory_space<hbm>> -> memref<80x128xf32, #tpu.memory_space<hbm>>
      %dma_start3A_107 = arith.constant 0 : i32
      %dma_start3A_108 = tpu.memref_slice %arg6[%arg0, %add3A_96, %dma_start3A_107] : memref<2x10240x128xf32, #tpu.memory_space<hbm>> -> memref<1x80x128xf32, #tpu.memory_space<hbm>>
      %dma_start3A_109 = tpu.memref_squeeze %dma_start3A_108 : memref<1x80x128xf32, #tpu.memory_space<hbm>> -> memref<80x128xf32, #tpu.memory_space<hbm>>
      tpu.enqueue_dma source(%arg9 : memref<80x128xf32, #tpu.memory_space<vmem>>) target(%dma_start3A_109 : memref<80x128xf32, #tpu.memory_space<hbm>>) target_semaphore(%run_scoped3A : memref<!tpu.dma_semaphore, #tpu.memory_space<semaphore_mem>>)
      %dma_wait3A = arith.constant 0 : i32
      %dma_wait3A_110 = tpu.memref_slice %arg6[%arg0, %add3A_96, %dma_wait3A] : memref<2x10240x128xf32, #tpu.memory_space<hbm>> -> memref<1x80x128xf32, #tpu.memory_space<hbm>>
      %dma_wait3A_111 = tpu.memref_squeeze %dma_wait3A_110 : memref<1x80x128xf32, #tpu.memory_space<hbm>> -> memref<80x128xf32, #tpu.memory_space<hbm>>
      %dma_wait3A_112 = arith.constant 0 : i32
      %dma_wait3A_113 = tpu.memref_slice %arg6[%arg0, %add3A_96, %dma_wait3A_112] : memref<2x10240x128xf32, #tpu.memory_space<hbm>> -> memref<1x80x128xf32, #tpu.memory_space<hbm>>
      %dma_wait3A_114 = tpu.memref_squeeze %dma_wait3A_113 : memref<1x80x128xf32, #tpu.memory_space<hbm>> -> memref<80x128xf32, #tpu.memory_space<hbm>>
      tpu.wait_dma2 semaphore(%run_scoped3A : memref<!tpu.dma_semaphore, #tpu.memory_space<semaphore_mem>>) src(%arg9 : memref<80x128xf32, #tpu.memory_space<vmem>>) dst(%dma_wait3A_114 : memref<80x128xf32, #tpu.memory_space<hbm>>)
      tpu.yield
    }) : () -> ()
    %mul3A_97 = arith.constant 640 : i32
    %mul3A_98 = arith.muli %arg1, %mul3A_97 : i32
    %add3A_99 = arith.constant 560 : i32
    %add3A_100 = arith.addi %mul3A_98, %add3A_99 : i32
    "tpu.region"() ({
      %run_scoped3A = tpu.sem_alloc : memref<!tpu.dma_semaphore, #tpu.memory_space<semaphore_mem>>
      %dma_start3A = arith.constant 0 : i32
      %dma_start3A_105 = tpu.memref_slice %arg11[%add3A_100, %dma_start3A] : memref<10240x128xf32, #tpu.memory_space<vmem_shared>> -> memref<80x128xf32, #tpu.memory_space<vmem_shared>>
      %dma_start3A_106 = arith.constant 0 : i32
      %dma_start3A_107 = tpu.memref_slice %arg11[%add3A_100, %dma_start3A_106] : memref<10240x128xf32, #tpu.memory_space<vmem_shared>> -> memref<80x128xf32, #tpu.memory_space<vmem_shared>>
      tpu.enqueue_dma source(%dma_start3A_107 : memref<80x128xf32, #tpu.memory_space<vmem_shared>>) target(%arg9 : memref<80x128xf32, #tpu.memory_space<vmem>>) target_semaphore(%run_scoped3A : memref<!tpu.dma_semaphore, #tpu.memory_space<semaphore_mem>>)
      %dma_wait3A = arith.constant 0 : i32
      %dma_wait3A_108 = tpu.memref_slice %arg11[%add3A_100, %dma_wait3A] : memref<10240x128xf32, #tpu.memory_space<vmem_shared>> -> memref<80x128xf32, #tpu.memory_space<vmem_shared>>
      %dma_wait3A_109 = arith.constant 0 : i32
      %dma_wait3A_110 = tpu.memref_slice %arg11[%add3A_100, %dma_wait3A_109] : memref<10240x128xf32, #tpu.memory_space<vmem_shared>> -> memref<80x128xf32, #tpu.memory_space<vmem_shared>>
      tpu.wait_dma2 semaphore(%run_scoped3A : memref<!tpu.dma_semaphore, #tpu.memory_space<semaphore_mem>>) src(%dma_wait3A_110 : memref<80x128xf32, #tpu.memory_space<vmem_shared>>) dst(%arg9 : memref<80x128xf32, #tpu.memory_space<vmem>>)
      tpu.yield
    }) : () -> ()
    %mul3A_101 = arith.constant 640 : i32
    %mul3A_102 = arith.muli %arg1, %mul3A_101 : i32
    %add3A_103 = arith.constant 560 : i32
    %add3A_104 = arith.addi %mul3A_102, %add3A_103 : i32
    "tpu.region"() ({
      %run_scoped3A = tpu.sem_alloc : memref<!tpu.dma_semaphore, #tpu.memory_space<semaphore_mem>>
      %dma_start3A = arith.constant 0 : i32
      %dma_start3A_105 = tpu.memref_slice %arg6[%arg0, %add3A_104, %dma_start3A] : memref<2x10240x128xf32, #tpu.memory_space<hbm>> -> memref<1x80x128xf32, #tpu.memory_space<hbm>>
      %dma_start3A_106 = tpu.memref_squeeze %dma_start3A_105 : memref<1x80x128xf32, #tpu.memory_space<hbm>> -> memref<80x128xf32, #tpu.memory_space<hbm>>
      %dma_start3A_107 = arith.constant 0 : i32
      %dma_start3A_108 = tpu.memref_slice %arg6[%arg0, %add3A_104, %dma_start3A_107] : memref<2x10240x128xf32, #tpu.memory_space<hbm>> -> memref<1x80x128xf32, #tpu.memory_space<hbm>>
      %dma_start3A_109 = tpu.memref_squeeze %dma_start3A_108 : memref<1x80x128xf32, #tpu.memory_space<hbm>> -> memref<80x128xf32, #tpu.memory_space<hbm>>
      tpu.enqueue_dma source(%arg9 : memref<80x128xf32, #tpu.memory_space<vmem>>) target(%dma_start3A_109 : memref<80x128xf32, #tpu.memory_space<hbm>>) target_semaphore(%run_scoped3A : memref<!tpu.dma_semaphore, #tpu.memory_space<semaphore_mem>>)
      %dma_wait3A = arith.constant 0 : i32
      %dma_wait3A_110 = tpu.memref_slice %arg6[%arg0, %add3A_104, %dma_wait3A] : memref<2x10240x128xf32, #tpu.memory_space<hbm>> -> memref<1x80x128xf32, #tpu.memory_space<hbm>>
      %dma_wait3A_111 = tpu.memref_squeeze %dma_wait3A_110 : memref<1x80x128xf32, #tpu.memory_space<hbm>> -> memref<80x128xf32, #tpu.memory_space<hbm>>
      %dma_wait3A_112 = arith.constant 0 : i32
      %dma_wait3A_113 = tpu.memref_slice %arg6[%arg0, %add3A_104, %dma_wait3A_112] : memref<2x10240x128xf32, #tpu.memory_space<hbm>> -> memref<1x80x128xf32, #tpu.memory_space<hbm>>
      %dma_wait3A_114 = tpu.memref_squeeze %dma_wait3A_113 : memref<1x80x128xf32, #tpu.memory_space<hbm>> -> memref<80x128xf32, #tpu.memory_space<hbm>>
      tpu.wait_dma2 semaphore(%run_scoped3A : memref<!tpu.dma_semaphore, #tpu.memory_space<semaphore_mem>>) src(%arg9 : memref<80x128xf32, #tpu.memory_space<vmem>>) dst(%dma_wait3A_114 : memref<80x128xf32, #tpu.memory_space<hbm>>)
      tpu.yield
    }) : () -> ()
    return
  }
}

module attributes {stable_mosaic.version = 14 : i64} {
  func.func @_tc_mm(%arg0: memref<10000x128xf32, #tpu.memory_space<vmem>>, %arg1: memref<128x128xf32, #tpu.memory_space<vmem>>, %arg2: memref<10000x128xf32, #tpu.memory_space<vmem>>) attributes {dimension_semantics = [], scalar_prefetch = 0 : i64, scratch_operands = 0 : i64, tpu.core_type = #tpu.core_type<tc>} {
    %get3A = arith.constant 0 : index
    %get3A_0 = arith.constant 0 : index
    %get3A_1 = vector.load %arg0[%get3A, %get3A_0] : memref<10000x128xf32, #tpu.memory_space<vmem>>, vector<10000x128xf32>
    %get3A_2 = arith.constant 0 : index
    %get3A_3 = arith.constant 0 : index
    %get3A_4 = vector.load %arg1[%get3A_2, %get3A_3] : memref<128x128xf32, #tpu.memory_space<vmem>>, vector<128x128xf32>
    %dot_general3A = arith.constant dense<0.000000e+00> : vector<10000x128xf32>
    %dot_general3A_5 = tpu.matmul %get3A_1, %get3A_4, %dot_general3A {dimension_numbers = #tpu.dot_dimension_numbers<[1], [0], [0], [1], [0, 0, 1, 1], [], []>, transpose_lhs_hint = false} : vector<10000x128xf32>, vector<128x128xf32>, vector<10000x128xf32> -> vector<10000x128xf32>
    %swap3A = arith.constant 0 : index
    %swap3A_6 = arith.constant 0 : index
    %swap3A_7 = vector.load %arg2[%swap3A, %swap3A_6] : memref<10000x128xf32, #tpu.memory_space<vmem>>, vector<10000x128xf32>
    tpu.vector_store %arg2[%swap3A, %swap3A_6], %dot_general3A_5 {strides = array<i32>} : memref<10000x128xf32, #tpu.memory_space<vmem>>, vector<10000x128xf32>,
    return
  }
}

module attributes {stable_mosaic.version = 14 : i64} {
  func.func @_tc_scale(%arg0: memref<10000x128xf32, #tpu.memory_space<vmem>>, %arg1: memref<2x10240x128xf32, #tpu.memory_space<vmem>>, %arg2: memref<10000x128xf32, #tpu.memory_space<vmem>>, %arg3: memref<10000x128xf32, #tpu.memory_space<vmem>>) attributes {dimension_semantics = [], scalar_prefetch = 0 : i64, scratch_operands = 0 : i64, tpu.core_type = #tpu.core_type<tc>} {
    %get3A = arith.constant 0 : index
    %get3A_0 = arith.constant 0 : index
    %get3A_1 = arith.constant 0 : index
    %get3A_2 = vector.load %arg1[%get3A, %get3A_0, %get3A_1] : memref<2x10240x128xf32, #tpu.memory_space<vmem>>, vector<1x10000x128xf32>
    %get3A_3 = vector.shape_cast %get3A_2 : vector<1x10000x128xf32> to vector<10000x128xf32>
    %get3A_4 = arith.constant 1 : index
    %get3A_5 = arith.constant 0 : index
    %get3A_6 = arith.constant 0 : index
    %get3A_7 = vector.load %arg1[%get3A_4, %get3A_5, %get3A_6] : memref<2x10240x128xf32, #tpu.memory_space<vmem>>, vector<1x10000x128xf32>
    %get3A_8 = vector.shape_cast %get3A_7 : vector<1x10000x128xf32> to vector<10000x128xf32>
    %add3A = arith.addf %get3A_3, %get3A_8 : vector<10000x128xf32>
    %add3A_9 = arith.constant 1.000000e+00 : f32
    %add3A_10 = vector.broadcast %add3A_9 : f32 to vector<10000x128xf32>
    %add3A_11 = arith.addf %add3A, %add3A_10 : vector<10000x128xf32>
    %max3A = arith.constant 1.000000e+00 : f32
    %max3A_12 = vector.broadcast %max3A : f32 to vector<10000x128xf32>
    %max3A_13 = arith.maximumf %add3A_11, %max3A_12 : vector<10000x128xf32>
    %rsqrt3A = math.rsqrt %max3A_13 : vector<10000x128xf32>
    %get3A_14 = arith.constant 0 : index
    %get3A_15 = arith.constant 0 : index
    %get3A_16 = vector.load %arg0[%get3A_14, %get3A_15] : memref<10000x128xf32, #tpu.memory_space<vmem>>, vector<10000x128xf32>
    %mul3A = arith.mulf %get3A_16, %rsqrt3A : vector<10000x128xf32>
    %swap3A = arith.constant 0 : index
    %swap3A_17 = arith.constant 0 : index
    %swap3A_18 = vector.load %arg2[%swap3A, %swap3A_17] : memref<10000x128xf32, #tpu.memory_space<vmem>>, vector<10000x128xf32>
    tpu.vector_store %arg2[%swap3A, %swap3A_17], %mul3A {strides = array<i32>} : memref<10000x128xf32, #tpu.memory_space<vmem>>, vector<10000x128xf32>,
    %swap3A_19 = arith.constant 0 : index
    %swap3A_20 = arith.constant 0 : index
    %swap3A_21 = vector.load %arg3[%swap3A_19, %swap3A_20] : memref<10000x128xf32, #tpu.memory_space<vmem>>, vector<10000x128xf32>
    tpu.vector_store %arg3[%swap3A_19, %swap3A_20], %rsqrt3A {strides = array<i32>} : memref<10000x128xf32, #tpu.memory_space<vmem>>, vector<10000x128xf32>,
    return
  }
}

module attributes {stable_mosaic.version = 14 : i64} {
  func.func @_tc_mid(%arg0: memref<2x10240x128xf32, #tpu.memory_space<vmem>>, %arg1: memref<10000x128xf32, #tpu.memory_space<vmem>>, %arg2: memref<10000x128xf32, #tpu.memory_space<vmem>>, %arg3: memref<1x128xf32, #tpu.memory_space<vmem>>, %arg4: memref<128x128xf32, #tpu.memory_space<vmem>>, %arg5: memref<10000x128xf32, #tpu.memory_space<vmem>>) attributes {dimension_semantics = [], scalar_prefetch = 0 : i64, scratch_operands = 0 : i64, tpu.core_type = #tpu.core_type<tc>} {
    %get3A = arith.constant 0 : index
    %get3A_0 = arith.constant 0 : index
    %get3A_1 = arith.constant 0 : index
    %get3A_2 = vector.load %arg0[%get3A, %get3A_0, %get3A_1] : memref<2x10240x128xf32, #tpu.memory_space<vmem>>, vector<1x10000x128xf32>
    %get3A_3 = vector.shape_cast %get3A_2 : vector<1x10000x128xf32> to vector<10000x128xf32>
    %get3A_4 = arith.constant 1 : index
    %get3A_5 = arith.constant 0 : index
    %get3A_6 = arith.constant 0 : index
    %get3A_7 = vector.load %arg0[%get3A_4, %get3A_5, %get3A_6] : memref<2x10240x128xf32, #tpu.memory_space<vmem>>, vector<1x10000x128xf32>
    %get3A_8 = vector.shape_cast %get3A_7 : vector<1x10000x128xf32> to vector<10000x128xf32>
    %add3A = arith.addf %get3A_3, %get3A_8 : vector<10000x128xf32>
    %get3A_9 = arith.constant 0 : index
    %get3A_10 = arith.constant 0 : index
    %get3A_11 = vector.load %arg1[%get3A_9, %get3A_10] : memref<10000x128xf32, #tpu.memory_space<vmem>>, vector<10000x128xf32>
    %add3A_12 = arith.addf %add3A, %get3A_11 : vector<10000x128xf32>
    %get3A_13 = arith.constant 0 : index
    %get3A_14 = arith.constant 0 : index
    %get3A_15 = vector.load %arg2[%get3A_13, %get3A_14] : memref<10000x128xf32, #tpu.memory_space<vmem>>, vector<10000x128xf32>
    %mul3A = arith.mulf %add3A_12, %get3A_15 : vector<10000x128xf32>
    %get3A_16 = arith.constant 0 : index
    %get3A_17 = arith.constant 0 : index
    %get3A_18 = vector.load %arg3[%get3A_16, %get3A_17] : memref<1x128xf32, #tpu.memory_space<vmem>>, vector<1x128xf32>
    %add3A_19 = vector.broadcast %get3A_18 : vector<1x128xf32> to vector<10000x128xf32>
    %add3A_20 = arith.addf %mul3A, %add3A_19 : vector<10000x128xf32>
    %max3A = arith.constant 0.000000e+00 : f32
    %max3A_21 = vector.broadcast %max3A : f32 to vector<10000x128xf32>
    %max3A_22 = arith.maximumf %add3A_20, %max3A_21 : vector<10000x128xf32>
    %get3A_23 = arith.constant 0 : index
    %get3A_24 = arith.constant 0 : index
    %get3A_25 = vector.load %arg4[%get3A_23, %get3A_24] : memref<128x128xf32, #tpu.memory_space<vmem>>, vector<128x128xf32>
    %dot_general3A = arith.constant dense<0.000000e+00> : vector<10000x128xf32>
    %dot_general3A_26 = tpu.matmul %max3A_22, %get3A_25, %dot_general3A {dimension_numbers = #tpu.dot_dimension_numbers<[1], [0], [0], [1], [0, 0, 1, 1], [], []>, transpose_lhs_hint = false} : vector<10000x128xf32>, vector<128x128xf32>, vector<10000x128xf32> -> vector<10000x128xf32>
    %get3A_27 = arith.constant 0 : index
    %get3A_28 = arith.constant 0 : index
    %get3A_29 = vector.load %arg2[%get3A_27, %get3A_28] : memref<10000x128xf32, #tpu.memory_space<vmem>>, vector<10000x128xf32>
    %mul3A_30 = arith.mulf %dot_general3A_26, %get3A_29 : vector<10000x128xf32>
    %swap3A = arith.constant 0 : index
    %swap3A_31 = arith.constant 0 : index
    %swap3A_32 = vector.load %arg5[%swap3A, %swap3A_31] : memref<10000x128xf32, #tpu.memory_space<vmem>>, vector<10000x128xf32>
    tpu.vector_store %arg5[%swap3A, %swap3A_31], %mul3A_30 {strides = array<i32>} : memref<10000x128xf32, #tpu.memory_space<vmem>>, vector<10000x128xf32>,
    return
  }
}

module attributes {stable_mosaic.version = 14 : i64} {
  func.func @_tc_final(%arg0: memref<2x10240x128xf32, #tpu.memory_space<vmem>>, %arg1: memref<10000x128xf32, #tpu.memory_space<vmem>>, %arg2: memref<10000x128xf32, #tpu.memory_space<vmem>>, %arg3: memref<1x128xf32, #tpu.memory_space<vmem>>, %arg4: memref<1x10000xi32, #tpu.memory_space<vmem>>, %arg5: memref<128x128xf32, #tpu.memory_space<vmem>>, %arg6: memref<1x128xf32, #tpu.memory_space<vmem>>, %arg7: memref<128x10xf32, #tpu.memory_space<vmem>>, %arg8: memref<1x10xf32, #tpu.memory_space<vmem>>, %arg9: memref<64x10xf32, #tpu.memory_space<vmem>>) attributes {dimension_semantics = [], scalar_prefetch = 0 : i64, scratch_operands = 0 : i64, tpu.core_type = #tpu.core_type<tc>} {
    %get3A = arith.constant 0 : index
    %get3A_0 = arith.constant 0 : index
    %get3A_1 = arith.constant 0 : index
    %get3A_2 = vector.load %arg0[%get3A, %get3A_0, %get3A_1] : memref<2x10240x128xf32, #tpu.memory_space<vmem>>, vector<1x10000x128xf32>
    %get3A_3 = vector.shape_cast %get3A_2 : vector<1x10000x128xf32> to vector<10000x128xf32>
    %get3A_4 = arith.constant 1 : index
    %get3A_5 = arith.constant 0 : index
    %get3A_6 = arith.constant 0 : index
    %get3A_7 = vector.load %arg0[%get3A_4, %get3A_5, %get3A_6] : memref<2x10240x128xf32, #tpu.memory_space<vmem>>, vector<1x10000x128xf32>
    %get3A_8 = vector.shape_cast %get3A_7 : vector<1x10000x128xf32> to vector<10000x128xf32>
    %add3A = arith.addf %get3A_3, %get3A_8 : vector<10000x128xf32>
    %get3A_9 = arith.constant 0 : index
    %get3A_10 = arith.constant 0 : index
    %get3A_11 = vector.load %arg1[%get3A_9, %get3A_10] : memref<10000x128xf32, #tpu.memory_space<vmem>>, vector<10000x128xf32>
    %add3A_12 = arith.addf %add3A, %get3A_11 : vector<10000x128xf32>
    %get3A_13 = arith.constant 0 : index
    %get3A_14 = arith.constant 0 : index
    %get3A_15 = vector.load %arg2[%get3A_13, %get3A_14] : memref<10000x128xf32, #tpu.memory_space<vmem>>, vector<10000x128xf32>
    %mul3A = arith.mulf %add3A_12, %get3A_15 : vector<10000x128xf32>
    %get3A_16 = arith.constant 0 : index
    %get3A_17 = arith.constant 0 : index
    %get3A_18 = vector.load %arg3[%get3A_16, %get3A_17] : memref<1x128xf32, #tpu.memory_space<vmem>>, vector<1x128xf32>
    %add3A_19 = vector.broadcast %get3A_18 : vector<1x128xf32> to vector<10000x128xf32>
    %add3A_20 = arith.addf %mul3A, %add3A_19 : vector<10000x128xf32>
    %max3A = arith.constant 0.000000e+00 : f32
    %max3A_21 = vector.broadcast %max3A : f32 to vector<10000x128xf32>
    %max3A_22 = arith.maximumf %add3A_20, %max3A_21 : vector<10000x128xf32>
    %iota3A = tpu.iota {dimensions = array<i32: 0>} : vector<64x10000xi32>
    %get3A_23 = arith.constant 0 : index
    %get3A_24 = arith.constant 0 : index
    %get3A_25 = vector.load %arg4[%get3A_23, %get3A_24] : memref<1x10000xi32, #tpu.memory_space<vmem>>, vector<1x10000xi32>
    %eq3A = vector.broadcast %get3A_25 : vector<1x10000xi32> to vector<64x10000xi32>
    %eq3A_26 = arith.cmpi eq, %eq3A, %iota3A : vector<64x10000xi32>
    %convert_element_type3A = arith.extui %eq3A_26 : vector<64x10000xi1> to vector<64x10000xi32>
    %convert_element_type3A_27 = arith.sitofp %convert_element_type3A : vector<64x10000xi32> to vector<64x10000xf32>
    %dot_general3A = arith.constant dense<0.000000e+00> : vector<64x128xf32>
    %dot_general3A_28 = tpu.matmul %convert_element_type3A_27, %max3A_22, %dot_general3A {dimension_numbers = #tpu.dot_dimension_numbers<[1], [0], [0], [1], [0, 0, 1, 1], [], []>, transpose_lhs_hint = false} : vector<64x10000xf32>, vector<10000x128xf32>, vector<64x128xf32> -> vector<64x128xf32>
    %get3A_29 = arith.constant 0 : index
    %get3A_30 = arith.constant 0 : index
    %get3A_31 = vector.load %arg5[%get3A_29, %get3A_30] : memref<128x128xf32, #tpu.memory_space<vmem>>, vector<128x128xf32>
    %dot_general3A_32 = arith.constant dense<0.000000e+00> : vector<64x128xf32>
    %dot_general3A_33 = tpu.matmul %dot_general3A_28, %get3A_31, %dot_general3A_32 {dimension_numbers = #tpu.dot_dimension_numbers<[1], [0], [0], [1], [0, 0, 1, 1], [], []>, transpose_lhs_hint = false} : vector<64x128xf32>, vector<128x128xf32>, vector<64x128xf32> -> vector<64x128xf32>
    %get3A_34 = arith.constant 0 : index
    %get3A_35 = arith.constant 0 : index
    %get3A_36 = vector.load %arg6[%get3A_34, %get3A_35] : memref<1x128xf32, #tpu.memory_space<vmem>>, vector<1x128xf32>
    %add3A_37 = vector.broadcast %get3A_36 : vector<1x128xf32> to vector<64x128xf32>
    %add3A_38 = arith.addf %dot_general3A_33, %add3A_37 : vector<64x128xf32>
    %max3A_39 = arith.constant 0.000000e+00 : f32
    %max3A_40 = vector.broadcast %max3A_39 : f32 to vector<64x128xf32>
    %max3A_41 = arith.maximumf %add3A_38, %max3A_40 : vector<64x128xf32>
    %get3A_42 = arith.constant 0 : index
    %get3A_43 = arith.constant 0 : index
    %get3A_44 = vector.load %arg7[%get3A_42, %get3A_43] : memref<128x10xf32, #tpu.memory_space<vmem>>, vector<128x10xf32>
    %dot_general3A_45 = arith.constant dense<0.000000e+00> : vector<64x10xf32>
    %dot_general3A_46 = tpu.matmul %max3A_41, %get3A_44, %dot_general3A_45 {dimension_numbers = #tpu.dot_dimension_numbers<[1], [0], [0], [1], [0, 0, 1, 1], [], []>, transpose_lhs_hint = false} : vector<64x128xf32>, vector<128x10xf32>, vector<64x10xf32> -> vector<64x10xf32>
    %get3A_47 = arith.constant 0 : index
    %get3A_48 = arith.constant 0 : index
    %get3A_49 = vector.load %arg8[%get3A_47, %get3A_48] : memref<1x10xf32, #tpu.memory_space<vmem>>, vector<1x10xf32>
    %add3A_50 = vector.broadcast %get3A_49 : vector<1x10xf32> to vector<64x10xf32>
    %add3A_51 = arith.addf %dot_general3A_46, %add3A_50 : vector<64x10xf32>
    %swap3A = arith.constant 0 : index
    %swap3A_52 = arith.constant 0 : index
    %swap3A_53 = vector.load %arg9[%swap3A, %swap3A_52] : memref<64x10xf32, #tpu.memory_space<vmem>>, vector<64x10xf32>
    tpu.vector_store %arg9[%swap3A, %swap3A_52], %add3A_51 {strides = array<i32>} : memref<64x10xf32, #tpu.memory_space<vmem>>, vector<64x10xf32>,
    return
  }
}

</mosaic_0001>

<sc_bundles>
// kernel: kernel.12.cloned.1.call-start
scs
__scs_entry_jumppad:
0x0: {  	(pc) =	sbr.rel $0x88, $3  }
0x1: {  	(tag) =	ssettag $0x0;
	lr =	simm.s32 $0x1  }
0x2: {  	[smem:$0x3F96] =	sst lr;
	_ =	strace $0xD0000000  }
0x3: {  	_ = 	snop  }
0x4: {  	_ = 	snop  }
0x5: {  	_ = 	snop  }
0x6: {  	_ = 	snop  }
0x7: {  	_ = 	snop  }
__scs_overlays_trampoline_lowered:
0x8: {  	[smem:$0x3FA5] =	sst s0  }
0x9: {  	[smem:$0x3FA6] =	sst s1  }
0xa: {  	[smem:$0x3FA7] =	sst s2  }
0xb: {  	[smem:$0x3FA8] =	sst s3  }
0xc: {  	[smem:$0x3FA9] =	sst s4  }
0xd: {  	[smem:$0x3FAA] =	sst s5  }
0xe: {  	[smem:$0x3FAB] =	sst s6  }
0xf: {  	[smem:$0x3FAC] =	sst s7  }
0x10: {  	[smem:$0x3FAD] =	sst s8  }
0x11: {  	[smem:$0x3FAE] =	sst s9;
	s0 =	simm.s32 @!p0 $0x0  }
0x12: {  	s1 =	sld [smem:$0x3F94];
	s0 =	simm.s32 @p0 $0x1  }
0x13: {  	[smem:$0x3FAF] =	sst s0;
	s0 =	simm.s32 @!p1 $0x0  }
0x14: {  	s2 =	sld [smem:$0x3F93];
	s0 =	simm.s32 @p1 $0x1  }
0x15: {  	[smem:$0x3FB0] =	sst s0;
	s0 =	simm.s32 @!p2 $0x0  }
0x16: {  	s3 =	sld [smem:$0x3FDB];
	s0 =	simm.s32 @p2 $0x1  }
0x17: {  	s4 =	simm.s32 $0x1BF5;
	[smem:$0x3FB2] =	sst s0  }
0x18: {  	s0 =	sld [smem:$0x3F95];
	_ =	swait.ge [sflag:s4], $0x0  }
0x19: {  	s7 =	sld [smem:$0x3F96]  }
0x1a: {  	s8 =	sadd.s32 $0xFFFFE003, lr  }
0x1b: {  	s9 =	sadd.s32 $0xFFFFFEF7, lr;
	s5 =	simm.s32 $0xFFFFFFFF;
	p2 =	slt.u32 s8, $0xFFFFF086  }
0x1c: {  	p1 =	slt.u32 s9, $0xF7A;
	s5 =	simm.s32 @!p2 $0x0  }
0x1d: {  	s5 =	simm.s32 @p1 $0x1;
	p0 =	seq.s32 s7, s2  }
0x1e: {  	s7 =	smul.u32 @!p0 $0xF7A, s2;
	p2 =	seq.s32 @!p0 s5, $0x0  }
0x1f: {  	s9 =	smul.u32 $0xF7A, s1;
	s8 =	simm.s32 @!p0 $0x1BF5;
	p2 =	por !p2, p0  }
0x20: {  	[sflag:s8] =	ssyncset.s32 @!p0 $0xFFFFF086;
	s6 =	sadd.s32 @!p0 s3, s7;
	s7 =	simm.s32 @!p0 $0x108  }
0x21: {  	s3 =	sadd.s32 s3, s9;
	s6 =	sadd.s32 @!p0 $0x88, s6;
	s7 =	simm.s32 @p2 $0x1082  }
0x22: {  	[simem:s7], [sflag:s8] =	dma.local @!p0 [hbm:s6], $0xF7A  }
0x23: {  	s9 =	sor.u32 $0xD0000000, s2;
	s6 =	simm.s32 $0x108;
	_ =	swait.ge @!p0 [sflag:s8], $0x0  }
0x24: {  	s3 =	sadd.s32 $0x88, s3;
	s6 =	simm.s32 @!p1 $0x1082;
	[sflag:s4] =	ssyncset.s32 $0xFFFFF086  }
0x25: {  	[simem:s6], [sflag:s4] =	dma.local [hbm:s3], $0xF7A  }
0x26: {  	[smem:$0x3F96] =	sst s1;
	(tag) =	ssettag s2;
	_ =	strace s9  }
0x27: {  	s1 =	sld [smem:$0x3FA6]  }
0x28: {  	s2 =	sld [smem:$0x3FA7]  }
0x29: {  	s4 =	sld [smem:$0x3FA9]  }
0x2a: {  	p0 =	seq.s32 s5, $0x0;
	s5 =	sld [smem:$0x3FAA]  }
0x2b: {  	s6 =	sld [smem:$0x3FAB]  }
0x2c: {  	s7 =	sld [smem:$0x3FAC]  }
0x2d: {  	s3 =	simm.s32 $0x108;
	s8 =	sld [smem:$0x3FAD]  }
0x2e: {  	s3 =	simm.s32 @!p0 $0x1082;
	s9 =	sld [smem:$0x3FAE]  }
0x2f: {  	lr =	sadd.s32 s0, s3;
	s0 =	sld [smem:$0x3FA5]  }
0x30: {  	s3 =	sld [smem:$0x3FA8]  }
0x31: {  	[smem:$0x3FB1] =	sst s10  }
0x32: {  	s10 =	sld [smem:$0x3FAF];
	_ =	sdelay $0x3  }
0x33: {  	p0 =	seq.s32 s10, $0x1;
	s10 =	sld [smem:$0x3FB1];
	_ =	sdelay $0x3  }
0x34: {  	[smem:$0x3FB1] =	sst s10  }
0x35: {  	s10 =	sld [smem:$0x3FB0];
	_ =	sdelay $0x3  }
0x36: {  	p1 =	seq.s32 s10, $0x1;
	s10 =	sld [smem:$0x3FB1];
	_ =	sdelay $0x3  }
0x37: {  	[smem:$0x3FB1] =	sst s10  }
0x38: {  	s10 =	sld [smem:$0x3FB2]  }
0x39: {  	_ = 	snop;
	(pc) =	sbr.ind lr, $3  }
0x3a: {  	_ = 	snop  }
0x3b: {  	_ = 	snop  }
0x3c: {  	p2 =	seq.s32 s10, $0x1;
	s10 =	sld [smem:$0x3FB1]  }
0x3d: {  	_ =	shalt  }
0x3e: {  	_ =	shalt  }
0x3f: {  	_ =	shalt  }
0x40: {  	_ =	shalt  }
0x41: {  	_ =	shalt  }
0x42: {  	_ =	shalt  }
0x43: {  	_ =	shalt  }
0x44: {  	_ =	shalt  }
0x45: {  	_ =	shalt  }
0x46: {  	_ =	shalt  }
0x47: {  	_ =	shalt  }
0x48: {  	_ =	shalt  }
0x49: {  	_ =	shalt  }
0x4a: {  	_ =	shalt  }
0x4b: {  	_ =	shalt  }
0x4c: {  	_ =	shalt  }
0x4d: {  	_ =	shalt  }
0x4e: {  	_ =	shalt  }
0x4f: {  	_ =	shalt  }
0x50: {  	_ =	shalt  }
0x51: {  	_ =	shalt  }
0x52: {  	_ =	shalt  }
0x53: {  	_ =	shalt  }
0x54: {  	_ =	shalt  }
0x55: {  	_ =	shalt  }
0x56: {  	_ =	shalt  }
0x57: {  	_ =	shalt  }
0x58: {  	_ =	shalt  }
0x59: {  	_ =	shalt  }
0x5a: {  	_ =	shalt  }
0x5b: {  	_ =	shalt  }
0x5c: {  	_ =	shalt  }
0x5d: {  	_ =	shalt  }
0x5e: {  	_ =	shalt  }
0x5f: {  	_ =	shalt  }
0x60: {  	_ =	shalt  }
0x61: {  	_ =	shalt  }
0x62: {  	_ =	shalt  }
0x63: {  	_ =	shalt  }
0x64: {  	_ =	shalt  }
0x65: {  	_ =	shalt  }
0x66: {  	_ =	shalt  }
0x67: {  	_ =	shalt  }
0x68: {  	_ =	shalt  }
0x69: {  	_ =	shalt  }
0x6a: {  	_ =	shalt  }
0x6b: {  	_ =	shalt  }
0x6c: {  	_ =	shalt  }
0x6d: {  	_ =	shalt  }
0x6e: {  	_ =	shalt  }
0x6f: {  	_ =	shalt  }
0x70: {  	_ =	shalt  }
0x71: {  	_ =	shalt  }
0x72: {  	_ =	shalt  }
0x73: {  	_ =	shalt  }
0x74: {  	_ =	shalt  }
0x75: {  	_ =	shalt  }
0x76: {  	_ =	shalt  }
0x77: {  	_ =	shalt  }
0x78: {  	_ =	shalt  }
0x79: {  	_ =	shalt  }
0x7a: {  	_ =	shalt  }
0x7b: {  	_ =	shalt  }
0x7c: {  	_ =	shalt  }
0x7d: {  	_ =	shalt  }
0x7e: {  	_ =	shalt  }
0x7f: {  	_ =	shalt  }
0x80: {  	_ =	shalt  }
0x81: {  	_ =	shalt  }
0x82: {  	_ =	shalt  }
0x83: {  	_ =	shalt  }
0x84: {  	_ =	shalt  }
0x85: {  	_ =	shalt  }
0x86: {  	_ =	shalt  }
0x87: {  	_ =	shalt  }
.Lfunc_end0:
.L_simem_size_0:
called_computation.1_lowered:
.L_overlay_start_0:
0x88: {  	s2 =	sld [smem:$0x3FD9]  }
0x89: {  	s3 =	sld [smem:$0x3FFE];
	_ =	sdelay $0x1  }
0x8a: {  	s1 =	srdreg.scid  }
0x8b: {  	s0 =	sand.u32 $0x1, s1  }
0x8c: {  	s16 =	sshll.u32 s0, $0xA;
	s2 =	sadd.s32 s3, s2  }
0x8d: {  	s2 =	sadd.s32 s2, s16  }
0x8e: {  	[smem:$0x3FBD] =	sst s2  }
0x8f: {  	_ = 	snop  }
0x90: {  	(tm) =	ssettm $0x1  }
0x91: {  	s17 =	sld [smem:$0x3FFB];
	_ =	sdelay $0x3  }
0x92: {  	_ =	strace s17  }
0x93: {  	s2 =	sld [smem:$0x3FFC];
	_ =	sdelay $0x3  }
0x94: {  	_ =	strace s2  }
0x95: {  	s2 =	sld [smem:$0x3FFD];
	_ =	sdelay $0x3  }
0x96: {  	_ =	strace s2  }
0x97: {  	_ =	strace $0x8FFFFFFF  }
0x98: {  	s18 =	sld [smem:$0x3FDB];
	_ =	sdelay $0x1  }
0x99: {  	s19 =	simm.s32 $_scs_section_size  }
0x9a: {  	s4 =	simm.s32 $_size__tile_overlayer_lowered;
	s5 =	simm.s32 $_tile_overlayer_lowered  }
0x9b: {  	s22 =	simm.s32 $0x1BFF;
	s21 =	sshll.u32 s5, $0x1;
	s2 =	sadd.s32 s19, s18  }
0x9c: {  	s6 =	simm.s32 $0x0;
	s20 =	sshll.u32 s4, $0x1;
	s4 =	sadd.s32 s21, s2  }
0x9d: {  	[timem:s6], [sflag:s22] =	dma.local [hbm:s4], s20  }
0x9e: {  	_ =	swait.ge [sflag:s22], s20  }
0x9f: {  	s3 =	ssub.s32 $0x0, s20;
	[sflag:s22] =	ssyncset.done $0x0  }
0xa0: {  	[sflag:s22] =	ssyncadd.s32 s3;
	_ =	sdelay $0x1  }
0xa1: {  	s23 =	simm.s32 $0x1B8B  }
0xa2: {  	_ =	swait.ge [sflag:s23], $0x1  }
0xa3: {  	[sflag:s23] =	ssyncset.done $0x0  }
0xa4: {  	s25 =	simm.s32 $0x1B8E;
	s24 =	sld [smem:$0x3FFE];
	[sflag:s23] =	ssyncadd.s32 $0xFFFFFFFF  }
0xa5: {  	s26 =	simm.s32 $execute0_lowered;
	[smem:$0x3FD2] =	sst s25  }
0xa6: {  	s4 =	sshll.u32 s26, $0x1;
	_ =	strace $0x80000049;
	[dreg:$0x1] =	wrdreg $0xFFFFFFFF  }
0xa7: {  	s28 =	simm.s32 $_size_execute0_lowered;
	s2 =	sadd.s32 s2, s4;
	[dreg:$0x0] =	wrdreg $0x0  }
0xa8: {  	s4 =	sshll.u32 s28, $0x1;
	[dreg:$0x2] =	wrdreg s2  }
0xa9: {  	[dreg:$0x3] =	wrdreg s4  }
0xaa: {  	[dreg:$0x4] =	wrdreg $0xC0  }
0xab: {  	_ =	task [dreg:s6], $0x5FFFF  }
0xac: {  	[dreg:$0x1] =	wrdreg $0xFFFFFFFF  }
0xad: {  	[dreg:$0x0] =	wrdreg $0x60  }
0xae: {  	[dreg:$0x2] =	wrdreg s24  }
0xaf: {  	[dreg:$0x3] =	wrdreg $0x90000  }
0xb0: {  	[dreg:$0x4] =	wrdreg $0x9  }
0xb1: {  	_ =	task.clear_ibuf [dreg:s6], $0x5FFFF;
	_ =	strace $0x90000049  }
0xb2: {  	s29 =	simm.s32 $0x9;
	_ =	strace $0x8000004B  }
0xb3: {  	_ =	swait.ge [sflag:s29], $0x1  }
0xb4: {  	[sflag:s29] =	ssyncadd.s32 $0xFFFFFFFF  }
0xb5: {  	_ =	strace $0x9000004B  }
0xb6: {  	_ =	sfence  }
0xb7: {  	s30 =	sld [smem:$0x0];
	_ =	sdelay $0x2  }
0xb8: {  	s31 =	sshll.u32 s1, $0xD;
	s1 =	sshrl.u32 s1, $0x2  }
0xb9: {  	s3 =	sand.u32 $0x4000, s31;
	s1 =	sadd.s32 s1, s30  }
0xba: {  	s0 =	sor.u32 s3, s0;
	s1 =	sshll.u32 s1, $0x11  }
0xbb: {  	s0 =	sor.u32 s1, s0  }
0xbc: {  	s0 =	sadd.s32 $0x8F2B, s0  }
0xbd: {  	[sflag:s0] =	ssyncadd.remote.s32 $0x1  }
0xbe: {  	_ =	sfence.sel $0xFFFF  }
0xbf: {  	[dreg:$0x0] =	wrdreg $0xFFFFFFFF;
	(pc) =	sbr.abs _section_cstart, $3  }
0xc0: {  	[dreg:$0x1] =	wrdreg $0xFFFFFFFF  }
0xc1: {  	_ =	task.clear_ibuf [dreg:s6], $0x2FFFF;
	_ =	strace $0x9FFFFFFF  }
0xc2: {  	(tm) =	ssettm $0x7FFFFFFF  }
0xc3: {  	_ =	shalt  }
tec
execute0_lowered:
.L_overlay_start_1:
0x0: {  	(tag) =	ssettag $0x1  }
0x1: {  	s0 =	rddreg [dreg:$0x0]  }
0x2: {  	s2 =	rddreg [dreg:$0x1]  }
0x3: {  	s1 =	srdreg.scid;
	s8 =	stileid.u32  }
0x4: {  	s3 =	simm.s32 $0x0;
	s28 =	simm.s32 $0x50;
	s29 =	simm.s32 $0x1  }
0x5: {  	s30 =	simm.s32 $0x0;
	s1 =	sand.u32 $0x1, s1;
	s7 =	smul.u32 $0x50000, s8  }
0x6: {  	s4 =	sshll.u32 s8, $0x1;
	[smem:$0x7FF] =	sst s3;
	s13 =	smul.u32 $0x14000, s8  }
0x7: {  	s24 =	sadd.s32 $0x13200, s0;
	s5 =	sor.u32 s1, s4;
	_ =	strace $0x8000004A  }
0x8: {  	s4 =	sadd.s32 $0x13800, s0;
	s25 =	ssub.s32 $0x2, s1;
	s1 =	smul.u32 $0x140000, s1  }
0x9: {  	[dreg:$0x3] =	wrdreg s24;
	s6 =	smul.u32 $0x500, s5;
	s5 =	sshll.u32 s5, $0xB  }
0xa: {  	s26 =	sshrl.u32 s25, $0x1;
	s7 =	sshrl.u32 s7, $0x2;
	s16 =	sor.u32 $0x2800, s13  }
0xb: {  	s17 =	sadd.s32 $0x5000, s13;
	s18 =	sadd.s32 $0x7800, s13;
	s19 =	sadd.s32 $0xA000, s13  }
0xc: {  	s20 =	sadd.s32 $0xC800, s13;
	s21 =	sadd.s32 $0xF000, s13;
	s22 =	sadd.s32 $0x11800, s13  }
0xd: {  	s15 =	sadd.s32 s5, s0;
	s24 =	ssub.s32 s25, s26;
	s8 =	sadd.s32 s17, s2  }
0xe: {  	s9 =	sadd.s32 s18, s2;
	s10 =	sadd.s32 s19, s2;
	s11 =	sadd.s32 s20, s2  }
0xf: {  	s12 =	sadd.s32 s21, s2;
	s23 =	sadd.s32 s13, s1;
	s25 =	sadd.s32 s1, s17  }
0x10: {  	s18 =	sadd.s32 s1, s18;
	s19 =	sadd.s32 s1, s19;
	s26 =	sadd.s32 s1, s20  }
0x11: {  	s21 =	sadd.s32 s1, s21;
	s13 =	sadd.s32 s22, s2;
	s14 =	sadd.s32 s6, s0  }
0x12: {  	s0 =	sadd.s32 $0x7DE00, s0;
	s6 =	sadd.s32 s7, s2;
	s7 =	sadd.s32 s16, s2  }
0x13: {  	s16 =	sadd.s32 s1, s16;
	s1 =	sadd.s32 s1, s22;
	s5 =	sshrl.u32 s23, $0x3  }
0x14: {  	s15 =	sadd.s32 $0x6DE00, s15;
	s22 =	sshrl.u32 s25, $0x3;
	s23 =	sshrl.u32 s18, $0x3  }
0x15: {  	s25 =	sshrl.u32 s19, $0x3;
	s26 =	sshrl.u32 s26, $0x3;
	s24 =	smax.u32 s24, $0x1  }
0x16: {  	s31 =	sadd.s32 $0x63E00, s14;
	s14 =	sshrl.u32 s16, $0x3;
	s16 =	sadd.s32 s0, s5  }
0x17: {  	s18 =	sadd.s32 s0, s22;
	s19 =	sadd.s32 s0, s23;
	s20 =	sadd.s32 s0, s25  }
0x18: {  	s1 =	sshrl.u32 s1, $0x3;
	s25 =	simm.s32 $0x6800;
	[dreg:$0x4] =	wrdreg s31  }
0x19: {  	s17 =	sadd.s32 s0, s14;
	s31 =	sshrl.u32 s21, $0x3;
	s21 =	sadd.s32 s0, s26  }
0x1a: {  	s23 =	sadd.s32 s0, s1;
	s26 =	simm.s32 $0x2;
	s22 =	sadd.s32 s0, s31  }
.LBB2_1:
0x1b: {  	s0 =	rddreg [dreg:$0x3]  }
0x1c: {  	[tilespmem:s25], [sflag:$0x2] =	stream.linear.gather [hbm4b:s0+s3], $0x2800, $0x38;
	[tilespmem:$0x1D000] =	vst v63  }
0x1d: {  	_ =	swait.ge [sflag:s26], $0x2800  }
0x1e: {  	[sflag:s26] =	ssyncset.done $0x0  }
0x1f: {  	[sflag:s26] =	ssyncadd.s32 $0xFFFFD800  }
0x20: {  	[spmem:s6] =	stream.linear.scatter [tilespmem:s25], [sflag:$0x2], $0x2800, $0x38;
	[tilespmem:$0x1D000] =	vst v63  }
0x21: {  	_ =	swait.ge [sflag:s26], $0x2800  }
0x22: {  	[sflag:s26] =	ssyncset.done $0x0  }
0x23: {  	[sflag:s26] =	ssyncadd.s32 $0xFFFFD800  }
0x24: {  	[spmem:s7] =	stream.linear.scatter [tilespmem:s25], [sflag:$0x2], $0x2800, $0x38;
	[tilespmem:$0x1D000] =	vst v63  }
0x25: {  	_ =	swait.ge [sflag:s26], $0x2800  }
0x26: {  	[sflag:s26] =	ssyncset.done $0x0  }
0x27: {  	[sflag:s26] =	ssyncadd.s32 $0xFFFFD800  }
0x28: {  	[spmem:s8] =	stream.linear.scatter [tilespmem:s25], [sflag:$0x2], $0x2800, $0x38;
	[tilespmem:$0x1D000] =	vst v63  }
0x29: {  	_ =	swait.ge [sflag:s26], $0x2800  }
0x2a: {  	[sflag:s26] =	ssyncset.done $0x0  }
0x2b: {  	[sflag:s26] =	ssyncadd.s32 $0xFFFFD800  }
0x2c: {  	[spmem:s9] =	stream.linear.scatter [tilespmem:s25], [sflag:$0x2], $0x2800, $0x38;
	[tilespmem:$0x1D000] =	vst v63  }
0x2d: {  	_ =	swait.ge [sflag:s26], $0x2800  }
0x2e: {  	[sflag:s26] =	ssyncset.done $0x0  }
0x2f: {  	[sflag:s26] =	ssyncadd.s32 $0xFFFFD800  }
0x30: {  	[spmem:s10] =	stream.linear.scatter [tilespmem:s25], [sflag:$0x2], $0x2800, $0x38;
	[tilespmem:$0x1D000] =	vst v63  }
0x31: {  	_ =	swait.ge [sflag:s26], $0x2800  }
0x32: {  	[sflag:s26] =	ssyncset.done $0x0  }
0x33: {  	[sflag:s26] =	ssyncadd.s32 $0xFFFFD800  }
0x34: {  	[spmem:s11] =	stream.linear.scatter [tilespmem:s25], [sflag:$0x2], $0x2800, $0x38;
	[tilespmem:$0x1D000] =	vst v63  }
0x35: {  	_ =	swait.ge [sflag:s26], $0x2800  }
0x36: {  	[sflag:s26] =	ssyncset.done $0x0  }
0x37: {  	[sflag:s26] =	ssyncadd.s32 $0xFFFFD800  }
0x38: {  	[spmem:s12] =	stream.linear.scatter [tilespmem:s25], [sflag:$0x2], $0x2800, $0x38;
	[tilespmem:$0x1D000] =	vst v63  }
0x39: {  	_ =	swait.ge [sflag:s26], $0x2800  }
0x3a: {  	[sflag:s26] =	ssyncset.done $0x0  }
0x3b: {  	[sflag:s26] =	ssyncadd.s32 $0xFFFFD800  }
0x3c: {  	[spmem:s13] =	stream.linear.scatter [tilespmem:s25], [sflag:$0x2], $0x2800, $0x38;
	[tilespmem:$0x1D000] =	vst v63  }
0x3d: {  	_ =	swait.ge [sflag:s26], $0x2800  }
0x3e: {  	[sflag:s26] =	ssyncset.done $0x0  }
0x3f: {  	s5 =	rddreg [dreg:$0x4];
	[sflag:s26] =	ssyncadd.s32 $0xFFFFD800  }
0x40: {  	[tilespmem:s3], [sflag:$0x2] =	stream.linear.gather [hbm4b:s5+s3], $0x2800, $0x38;
	[tilespmem:$0x1D000] =	vst v63  }
0x41: {  	_ =	swait.ge [sflag:s26], $0x2800  }
0x42: {  	[sflag:s26] =	ssyncset.done $0x0  }
0x43: {  	s14 =	simm.s32 $0x2800;
	[sflag:s26] =	ssyncadd.s32 $0xFFFFD800  }
0x44: {  	[tilespmem:s14], [sflag:$0x2] =	stream.linear.gather [hbm4b:s15+s3], $0x4000, $0x38;
	[tilespmem:$0x1D000] =	vst v63  }
0x45: {  	_ =	swait.ge [sflag:s26], $0x4000  }
0x46: {  	[sflag:s26] =	ssyncset.done $0x0  }
0x47: {  	[sflag:s26] =	ssyncadd.s32 $0xFFFFC000  }
0x48: {  	s1 =	simm.s32 $0x0;
	[bflag:$0x0] =	sbarrier.arrive $0xFFFF  }
0x49: {  	[tilespmem:s25], [sflag:$0x1] =	stream.indirect.gather [hbm4b:s4+s28], $0x80, s1, s28, $0xb8;
	[tilespmem:$0x1D000] =	vst v63  }
0x4a: {  	_ =	swait.ge [sflag:s29], $0x2800  }
0x4b: {  	[sflag:s29] =	ssyncset.done $0x0  }
0x4c: {  	[sflag:s29] =	ssyncadd.s32 $0xFFFFD800  }
0x4d: {  	[spmem:s2] =	stream.indirect.scatter.add.f32 [tilespmem:s25], [sflag:$0x2], $0x80, s14, s28, $0xb8;
	[tilespmem:$0x1D000] =	vst v63  }
0x4e: {  	s31 =	simm.s32 $0x2880;
	_ =	swait.ge [sflag:s26], $0x2800  }
0x4f: {  	s0 =	simm.s32 $0x140;
	s1 =	simm.s32 $0x280;
	[sflag:s26] =	ssyncset.done $0x0  }
.LBB2_2:
0x50: {  	s5 =	sshra.s32 s0, $0x2  }
0x51: {  	[sflag:s26] =	ssyncadd.s32 $0xFFFFD800;
	s0 =	smov.u32 s1;
	s14 =	sadd.s32 $0x140, s1  }
0x52: {  	[tilespmem:s25], [sflag:$0x1] =	stream.indirect.gather [hbm4b:s4+s28], $0x80, s5, s28, $0xb8;
	[tilespmem:$0x1D000] =	vst v63  }
0x53: {  	p0 =	sne.s32 s1, $0x9B00;
	_ =	swait.ge [sflag:s29], $0x2800  }
.Ltmp0:
0x54: {  	[sflag:s29] =	ssyncset.done $0x0;
	(pc) =	sbr.rel @p0 .LBB2_2-.Ltmp0, $4  }
0x55: {  	[sflag:s29] =	ssyncadd.s32 $0xFFFFD800  }
0x56: {  	[spmem:s2] =	stream.indirect.scatter.add.f32 [tilespmem:s25], [sflag:$0x2], $0x80, s31, s28, $0xb8;
	[tilespmem:$0x1D000] =	vst v63  }
0x57: {  	_ =	swait.ge [sflag:s26], $0x2800  }
0x58: {  	s1 =	smov.u32 s14;
	s31 =	sadd.s32 $0x80, s31;
	[sflag:s26] =	ssyncset.done $0x0  }
0x59: {  	s0 =	sshra.s32 s0, $0x2;
	[sflag:s26] =	ssyncadd.s32 $0xFFFFD800  }
0x5a: {  	[tilespmem:s25], [sflag:$0x1] =	stream.indirect.gather [hbm4b:s4+s28], $0x80, s0, s28, $0xb8;
	[tilespmem:$0x1D000] =	vst v63  }
0x5b: {  	_ =	swait.ge [sflag:s29], $0x2800  }
0x5c: {  	[sflag:s29] =	ssyncset.done $0x0  }
0x5d: {  	[sflag:s29] =	ssyncadd.s32 $0xFFFFD800  }
0x5e: {  	[spmem:s2] =	stream.indirect.scatter.add.f32 [tilespmem:s25], [sflag:$0x2], $0x80, s31, s28, $0xb8;
	[tilespmem:$0x1D000] =	vst v63  }
0x5f: {  	_ =	swait.ge [sflag:s26], $0x2800  }
0x60: {  	[sflag:s26] =	ssyncset.done $0x0  }
0x61: {  	[sflag:s26] =	ssyncadd.s32 $0xFFFFD800  }
0x62: {  	[bflag:$0x0] =	sbarrier.arrive $0xFFFF  }
0x63: {  	[tilespmem:s25], [sflag:$0x2] =	stream.linear.gather [spmem:s6], $0x2800, $0x38;
	[tilespmem:$0x1D000] =	vst v63  }
0x64: {  	_ =	swait.ge [sflag:s26], $0x2800  }
0x65: {  	[sflag:s26] =	ssyncset.done $0x0  }
0x66: {  	[sflag:s26] =	ssyncadd.s32 $0xFFFFD800  }
0x67: {  	[hbm4b:s16+s3] =	stream.linear.scatter [tilespmem:s25], [sflag:$0x2], $0x2800, $0x38;
	[tilespmem:$0x1D000] =	vst v63  }
0x68: {  	_ =	swait.ge [sflag:s26], $0x2800  }
0x69: {  	[sflag:s26] =	ssyncset.done $0x0  }
0x6a: {  	[sflag:s26] =	ssyncadd.s32 $0xFFFFD800  }
0x6b: {  	[tilespmem:s25], [sflag:$0x2] =	stream.linear.gather [spmem:s7], $0x2800, $0x38;
	[tilespmem:$0x1D000] =	vst v63  }
0x6c: {  	_ =	swait.ge [sflag:s26], $0x2800  }
0x6d: {  	[sflag:s26] =	ssyncset.done $0x0  }
0x6e: {  	[sflag:s26] =	ssyncadd.s32 $0xFFFFD800  }
0x6f: {  	[hbm4b:s17+s3] =	stream.linear.scatter [tilespmem:s25], [sflag:$0x2], $0x2800, $0x38;
	[tilespmem:$0x1D000] =	vst v63  }
0x70: {  	_ =	swait.ge [sflag:s26], $0x2800  }
0x71: {  	[sflag:s26] =	ssyncset.done $0x0  }
0x72: {  	[sflag:s26] =	ssyncadd.s32 $0xFFFFD800  }
0x73: {  	[tilespmem:s25], [sflag:$0x2] =	stream.linear.gather [spmem:s8], $0x2800, $0x38;
	[tilespmem:$0x1D000] =	vst v63  }
0x74: {  	_ =	swait.ge [sflag:s26], $0x2800  }
0x75: {  	[sflag:s26] =	ssyncset.done $0x0  }
0x76: {  	[sflag:s26] =	ssyncadd.s32 $0xFFFFD800  }
0x77: {  	[hbm4b:s18+s3] =	stream.linear.scatter [tilespmem:s25], [sflag:$0x2], $0x2800, $0x38;
	[tilespmem:$0x1D000] =	vst v63  }
0x78: {  	_ =	swait.ge [sflag:s26], $0x2800  }
0x79: {  	[sflag:s26] =	ssyncset.done $0x0  }
0x7a: {  	[sflag:s26] =	ssyncadd.s32 $0xFFFFD800  }
0x7b: {  	[tilespmem:s25], [sflag:$0x2] =	stream.linear.gather [spmem:s9], $0x2800, $0x38;
	[tilespmem:$0x1D000] =	vst v63  }
0x7c: {  	_ =	swait.ge [sflag:s26], $0x2800  }
0x7d: {  	[sflag:s26] =	ssyncset.done $0x0  }
0x7e: {  	[sflag:s26] =	ssyncadd.s32 $0xFFFFD800  }
0x7f: {  	[hbm4b:s19+s3] =	stream.linear.scatter [tilespmem:s25], [sflag:$0x2], $0x2800, $0x38;
	[tilespmem:$0x1D000] =	vst v63  }
0x80: {  	_ =	swait.ge [sflag:s26], $0x2800  }
0x81: {  	[sflag:s26] =	ssyncset.done $0x0  }
0x82: {  	[sflag:s26] =	ssyncadd.s32 $0xFFFFD800  }
0x83: {  	[tilespmem:s25], [sflag:$0x2] =	stream.linear.gather [spmem:s10], $0x2800, $0x38;
	[tilespmem:$0x1D000] =	vst v63  }
0x84: {  	_ =	swait.ge [sflag:s26], $0x2800  }
0x85: {  	[sflag:s26] =	ssyncset.done $0x0  }
0x86: {  	[sflag:s26] =	ssyncadd.s32 $0xFFFFD800  }
0x87: {  	[hbm4b:s20+s3] =	stream.linear.scatter [tilespmem:s25], [sflag:$0x2], $0x2800, $0x38;
	[tilespmem:$0x1D000] =	vst v63  }
0x88: {  	_ =	swait.ge [sflag:s26], $0x2800  }
0x89: {  	[sflag:s26] =	ssyncset.done $0x0  }
0x8a: {  	[sflag:s26] =	ssyncadd.s32 $0xFFFFD800  }
0x8b: {  	[tilespmem:s25], [sflag:$0x2] =	stream.linear.gather [spmem:s11], $0x2800, $0x38;
	[tilespmem:$0x1D000] =	vst v63  }
0x8c: {  	_ =	swait.ge [sflag:s26], $0x2800  }
0x8d: {  	[sflag:s26] =	ssyncset.done $0x0  }
0x8e: {  	[sflag:s26] =	ssyncadd.s32 $0xFFFFD800  }
0x8f: {  	[hbm4b:s21+s3] =	stream.linear.scatter [tilespmem:s25], [sflag:$0x2], $0x2800, $0x38;
	[tilespmem:$0x1D000] =	vst v63  }
0x90: {  	_ =	swait.ge [sflag:s26], $0x2800  }
0x91: {  	[sflag:s26] =	ssyncset.done $0x0  }
0x92: {  	[sflag:s26] =	ssyncadd.s32 $0xFFFFD800  }
0x93: {  	[tilespmem:s25], [sflag:$0x2] =	stream.linear.gather [spmem:s12], $0x2800, $0x38;
	[tilespmem:$0x1D000] =	vst v63  }
0x94: {  	_ =	swait.ge [sflag:s26], $0x2800  }
0x95: {  	[sflag:s26] =	ssyncset.done $0x0  }
0x96: {  	[sflag:s26] =	ssyncadd.s32 $0xFFFFD800  }
0x97: {  	[hbm4b:s22+s3] =	stream.linear.scatter [tilespmem:s25], [sflag:$0x2], $0x2800, $0x38;
	[tilespmem:$0x1D000] =	vst v63  }
0x98: {  	_ =	swait.ge [sflag:s26], $0x2800  }
0x99: {  	[sflag:s26] =	ssyncset.done $0x0  }
0x9a: {  	[sflag:s26] =	ssyncadd.s32 $0xFFFFD800  }
0x9b: {  	[tilespmem:s25], [sflag:$0x2] =	stream.linear.gather [spmem:s13], $0x2800, $0x38;
	[tilespmem:$0x1D000] =	vst v63  }
0x9c: {  	s30 =	sadd.s32 $0x1, s30;
	_ =	swait.ge [sflag:s26], $0x2800  }
0x9d: {  	p0 =	sne.s32 s30, s24;
	[sflag:s26] =	ssyncset.done $0x0  }
.Ltmp1:
0x9e: {  	[sflag:s26] =	ssyncadd.s32 $0xFFFFD800;
	(pc) =	sbr.rel @p0 .LBB2_1-.Ltmp1, $4  }
0x9f: {  	[hbm4b:s23+s3] =	stream.linear.scatter [tilespmem:s25], [sflag:$0x2], $0x2800, $0x38;
	[tilespmem:$0x1D000] =	vst v63  }
0xa0: {  	_ =	swait.ge [sflag:s26], $0x2800  }
0xa1: {  	[sflag:s26] =	ssyncset.done $0x0  }
0xa2: {  	[sflag:s26] =	ssyncadd.s32 $0xFFFFD800  }
0xa3: {  	_ =	sfence.sel $0x180000  }
0xa4: {  	[bflag:$0x0] =	sbarrier.arrive $0xFFFF  }
0xa5: {  	_ =	strace $0x9000004A  }
0xa6: {  	s0 =	stileid.u32;
	[bflag:$0x2] =	sbarrier.arrive $0xFFFF  }
0xa7: {  	p0 =	sne.s32 s0, $0x0;
	s0 =	rddreg [dreg:$0x2]  }
0xa8: {  	s0 =	sadd.s32 @!p0 $0x100000, s0  }
0xa9: {  	[sflag:s0] =	ssyncadd.tile.s32 @!p0 $0x1;
	_ =	shalt  }
.Lfunc_end2:
_tile_overlayer_lowered:
.L_overlay_start_2:
0xaa: {  	(tag) =	ssettag $0x2  }
0xab: {  	s0 =	rddreg [dreg:$0x0];
	s2 =	stileid.u32  }
0xac: {  	s1 =	rddreg [dreg:$0x1];
	p0 =	sne.s32 s2, $0x0  }
0xad: {  	s3 =	rddreg [dreg:$0x2];
	[bflag:$0x3] =	sbarrier.arrive $0xFFFF;
	s2 =	simm.s32 @!p0 $0x1C02  }
0xae: {  	[timem:s3], [sflag:s2] =	dma.local @!p0 [hbm:s0], s1  }
0xaf: {  	s0 =	simm.s32 @!p0 $0x2  }
0xb0: {  	_ =	swait.ge @!p0 [sflag:s0], s1  }
0xb1: {  	s1 =	ssub.s32 @!p0 $0x0, s1;
	[sflag:s0] =	ssyncset.done @!p0 $0x0  }
0xb2: {  	[sflag:s0] =	ssyncadd.s32 @!p0 s1  }
0xb3: {  	[bflag:$0x3] =	sbarrier.arrive $0xFFFF  }
0xb4: {  	_ =	shalt  }

// kernel: kernel.15.cloned.1.call-start
scs
__scs_entry_jumppad:
0x0: {  	(pc) =	sbr.rel $0x88, $3  }
0x1: {  	(tag) =	ssettag $0x0;
	lr =	simm.s32 $0x1  }
0x2: {  	[smem:$0x3F96] =	sst lr;
	_ =	strace $0xD0000000  }
0x3: {  	_ = 	snop  }
0x4: {  	_ = 	snop  }
0x5: {  	_ = 	snop  }
0x6: {  	_ = 	snop  }
0x7: {  	_ = 	snop  }
__scs_overlays_trampoline_lowered:
0x8: {  	[smem:$0x3FA5] =	sst s0  }
0x9: {  	[smem:$0x3FA6] =	sst s1  }
0xa: {  	[smem:$0x3FA7] =	sst s2  }
0xb: {  	[smem:$0x3FA8] =	sst s3  }
0xc: {  	[smem:$0x3FA9] =	sst s4  }
0xd: {  	[smem:$0x3FAA] =	sst s5  }
0xe: {  	[smem:$0x3FAB] =	sst s6  }
0xf: {  	[smem:$0x3FAC] =	sst s7  }
0x10: {  	[smem:$0x3FAD] =	sst s8  }
0x11: {  	[smem:$0x3FAE] =	sst s9;
	s0 =	simm.s32 @!p0 $0x0  }
0x12: {  	s1 =	sld [smem:$0x3F94];
	s0 =	simm.s32 @p0 $0x1  }
0x13: {  	[smem:$0x3FAF] =	sst s0;
	s0 =	simm.s32 @!p1 $0x0  }
0x14: {  	s2 =	sld [smem:$0x3F93];
	s0 =	simm.s32 @p1 $0x1  }
0x15: {  	[smem:$0x3FB0] =	sst s0;
	s0 =	simm.s32 @!p2 $0x0  }
0x16: {  	s3 =	sld [smem:$0x3FDB];
	s0 =	simm.s32 @p2 $0x1  }
0x17: {  	s4 =	simm.s32 $0x1BF5;
	[smem:$0x3FB2] =	sst s0  }
0x18: {  	s0 =	sld [smem:$0x3F95];
	_ =	swait.ge [sflag:s4], $0x0  }
0x19: {  	s7 =	sld [smem:$0x3F96]  }
0x1a: {  	s8 =	sadd.s32 $0xFFFFE003, lr  }
0x1b: {  	s9 =	sadd.s32 $0xFFFFFEF7, lr;
	s5 =	simm.s32 $0xFFFFFFFF;
	p2 =	slt.u32 s8, $0xFFFFF086  }
0x1c: {  	p1 =	slt.u32 s9, $0xF7A;
	s5 =	simm.s32 @!p2 $0x0  }
0x1d: {  	s5 =	simm.s32 @p1 $0x1;
	p0 =	seq.s32 s7, s2  }
0x1e: {  	s7 =	smul.u32 @!p0 $0xF7A, s2;
	p2 =	seq.s32 @!p0 s5, $0x0  }
0x1f: {  	s9 =	smul.u32 $0xF7A, s1;
	s8 =	simm.s32 @!p0 $0x1BF5;
	p2 =	por !p2, p0  }
0x20: {  	[sflag:s8] =	ssyncset.s32 @!p0 $0xFFFFF086;
	s6 =	sadd.s32 @!p0 s3, s7;
	s7 =	simm.s32 @!p0 $0x108  }
0x21: {  	s3 =	sadd.s32 s3, s9;
	s6 =	sadd.s32 @!p0 $0x88, s6;
	s7 =	simm.s32 @p2 $0x1082  }
0x22: {  	[simem:s7], [sflag:s8] =	dma.local @!p0 [hbm:s6], $0xF7A  }
0x23: {  	s9 =	sor.u32 $0xD0000000, s2;
	s6 =	simm.s32 $0x108;
	_ =	swait.ge @!p0 [sflag:s8], $0x0  }
0x24: {  	s3 =	sadd.s32 $0x88, s3;
	s6 =	simm.s32 @!p1 $0x1082;
	[sflag:s4] =	ssyncset.s32 $0xFFFFF086  }
0x25: {  	[simem:s6], [sflag:s4] =	dma.local [hbm:s3], $0xF7A  }
0x26: {  	[smem:$0x3F96] =	sst s1;
	(tag) =	ssettag s2;
	_ =	strace s9  }
0x27: {  	s1 =	sld [smem:$0x3FA6]  }
0x28: {  	s2 =	sld [smem:$0x3FA7]  }
0x29: {  	s4 =	sld [smem:$0x3FA9]  }
0x2a: {  	p0 =	seq.s32 s5, $0x0;
	s5 =	sld [smem:$0x3FAA]  }
0x2b: {  	s6 =	sld [smem:$0x3FAB]  }
0x2c: {  	s7 =	sld [smem:$0x3FAC]  }
0x2d: {  	s3 =	simm.s32 $0x108;
	s8 =	sld [smem:$0x3FAD]  }
0x2e: {  	s3 =	simm.s32 @!p0 $0x1082;
	s9 =	sld [smem:$0x3FAE]  }
0x2f: {  	lr =	sadd.s32 s0, s3;
	s0 =	sld [smem:$0x3FA5]  }
0x30: {  	s3 =	sld [smem:$0x3FA8]  }
0x31: {  	[smem:$0x3FB1] =	sst s10  }
0x32: {  	s10 =	sld [smem:$0x3FAF];
	_ =	sdelay $0x3  }
0x33: {  	p0 =	seq.s32 s10, $0x1;
	s10 =	sld [smem:$0x3FB1];
	_ =	sdelay $0x3  }
0x34: {  	[smem:$0x3FB1] =	sst s10  }
0x35: {  	s10 =	sld [smem:$0x3FB0];
	_ =	sdelay $0x3  }
0x36: {  	p1 =	seq.s32 s10, $0x1;
	s10 =	sld [smem:$0x3FB1];
	_ =	sdelay $0x3  }
0x37: {  	[smem:$0x3FB1] =	sst s10  }
0x38: {  	s10 =	sld [smem:$0x3FB2]  }
0x39: {  	_ = 	snop;
	(pc) =	sbr.ind lr, $3  }
0x3a: {  	_ = 	snop  }
0x3b: {  	_ = 	snop  }
0x3c: {  	p2 =	seq.s32 s10, $0x1;
	s10 =	sld [smem:$0x3FB1]  }
0x3d: {  	_ =	shalt  }
0x3e: {  	_ =	shalt  }
0x3f: {  	_ =	shalt  }
0x40: {  	_ =	shalt  }
0x41: {  	_ =	shalt  }
0x42: {  	_ =	shalt  }
0x43: {  	_ =	shalt  }
0x44: {  	_ =	shalt  }
0x45: {  	_ =	shalt  }
0x46: {  	_ =	shalt  }
0x47: {  	_ =	shalt  }
0x48: {  	_ =	shalt  }
0x49: {  	_ =	shalt  }
0x4a: {  	_ =	shalt  }
0x4b: {  	_ =	shalt  }
0x4c: {  	_ =	shalt  }
0x4d: {  	_ =	shalt  }
0x4e: {  	_ =	shalt  }
0x4f: {  	_ =	shalt  }
0x50: {  	_ =	shalt  }
0x51: {  	_ =	shalt  }
0x52: {  	_ =	shalt  }
0x53: {  	_ =	shalt  }
0x54: {  	_ =	shalt  }
0x55: {  	_ =	shalt  }
0x56: {  	_ =	shalt  }
0x57: {  	_ =	shalt  }
0x58: {  	_ =	shalt  }
0x59: {  	_ =	shalt  }
0x5a: {  	_ =	shalt  }
0x5b: {  	_ =	shalt  }
0x5c: {  	_ =	shalt  }
0x5d: {  	_ =	shalt  }
0x5e: {  	_ =	shalt  }
0x5f: {  	_ =	shalt  }
0x60: {  	_ =	shalt  }
0x61: {  	_ =	shalt  }
0x62: {  	_ =	shalt  }
0x63: {  	_ =	shalt  }
0x64: {  	_ =	shalt  }
0x65: {  	_ =	shalt  }
0x66: {  	_ =	shalt  }
0x67: {  	_ =	shalt  }
0x68: {  	_ =	shalt  }
0x69: {  	_ =	shalt  }
0x6a: {  	_ =	shalt  }
0x6b: {  	_ =	shalt  }
0x6c: {  	_ =	shalt  }
0x6d: {  	_ =	shalt  }
0x6e: {  	_ =	shalt  }
0x6f: {  	_ =	shalt  }
0x70: {  	_ =	shalt  }
0x71: {  	_ =	shalt  }
0x72: {  	_ =	shalt  }
0x73: {  	_ =	shalt  }
0x74: {  	_ =	shalt  }
0x75: {  	_ =	shalt  }
0x76: {  	_ =	shalt  }
0x77: {  	_ =	shalt  }
0x78: {  	_ =	shalt  }
0x79: {  	_ =	shalt  }
0x7a: {  	_ =	shalt  }
0x7b: {  	_ =	shalt  }
0x7c: {  	_ =	shalt  }
0x7d: {  	_ =	shalt  }
0x7e: {  	_ =	shalt  }
0x7f: {  	_ =	shalt  }
0x80: {  	_ =	shalt  }
0x81: {  	_ =	shalt  }
0x82: {  	_ =	shalt  }
0x83: {  	_ =	shalt  }
0x84: {  	_ =	shalt  }
0x85: {  	_ =	shalt  }
0x86: {  	_ =	shalt  }
0x87: {  	_ =	shalt  }
.Lfunc_end0:
.L_simem_size_0:
called_computation.2_lowered:
.L_overlay_start_0:
0x88: {  	s2 =	sld [smem:$0x3FD9]  }
0x89: {  	s3 =	sld [smem:$0x3FFE];
	_ =	sdelay $0x1  }
0x8a: {  	s1 =	srdreg.scid  }
0x8b: {  	s0 =	sand.u32 $0x1, s1  }
0x8c: {  	s16 =	sshll.u32 s0, $0xA;
	s2 =	sadd.s32 s3, s2  }
0x8d: {  	s2 =	sadd.s32 s2, s16  }
0x8e: {  	[smem:$0x3FBD] =	sst s2  }
0x8f: {  	_ = 	snop  }
0x90: {  	(tm) =	ssettm $0x1  }
0x91: {  	s17 =	sld [smem:$0x3FFB];
	_ =	sdelay $0x3  }
0x92: {  	_ =	strace s17  }
0x93: {  	s2 =	sld [smem:$0x3FFC];
	_ =	sdelay $0x3  }
0x94: {  	_ =	strace s2  }
0x95: {  	s2 =	sld [smem:$0x3FFD];
	_ =	sdelay $0x3  }
0x96: {  	_ =	strace s2  }
0x97: {  	_ =	strace $0x8FFFFFFF  }
0x98: {  	s18 =	sld [smem:$0x3FDB];
	_ =	sdelay $0x1  }
0x99: {  	s19 =	simm.s32 $_scs_section_size  }
0x9a: {  	s4 =	simm.s32 $_size__tile_overlayer_lowered;
	s5 =	simm.s32 $_tile_overlayer_lowered  }
0x9b: {  	s22 =	simm.s32 $0x1BFF;
	s21 =	sshll.u32 s5, $0x1;
	s2 =	sadd.s32 s19, s18  }
0x9c: {  	s6 =	simm.s32 $0x0;
	s20 =	sshll.u32 s4, $0x1;
	s4 =	sadd.s32 s21, s2  }
0x9d: {  	[timem:s6], [sflag:s22] =	dma.local [hbm:s4], s20  }
0x9e: {  	_ =	swait.ge [sflag:s22], s20  }
0x9f: {  	s3 =	ssub.s32 $0x0, s20;
	[sflag:s22] =	ssyncset.done $0x0  }
0xa0: {  	[sflag:s22] =	ssyncadd.s32 s3;
	_ =	sdelay $0x1  }
0xa1: {  	s23 =	simm.s32 $0x1B8B  }
0xa2: {  	_ =	swait.ge [sflag:s23], $0x1  }
0xa3: {  	[sflag:s23] =	ssyncset.done $0x0  }
0xa4: {  	s25 =	simm.s32 $0x1B8E;
	s24 =	sld [smem:$0x3FFE];
	[sflag:s23] =	ssyncadd.s32 $0xFFFFFFFF  }
0xa5: {  	s26 =	simm.s32 $execute0_lowered;
	[smem:$0x3FD2] =	sst s25  }
0xa6: {  	s4 =	sshll.u32 s26, $0x1;
	_ =	strace $0x8000004C;
	[dreg:$0x1] =	wrdreg $0xFFFFFFFF  }
0xa7: {  	s28 =	simm.s32 $_size_execute0_lowered;
	s2 =	sadd.s32 s2, s4;
	[dreg:$0x0] =	wrdreg $0x0  }
0xa8: {  	s4 =	sshll.u32 s28, $0x1;
	[dreg:$0x2] =	wrdreg s2  }
0xa9: {  	[dreg:$0x3] =	wrdreg s4  }
0xaa: {  	[dreg:$0x4] =	wrdreg $0xC0  }
0xab: {  	_ =	task [dreg:s6], $0x5FFFF  }
0xac: {  	[dreg:$0x1] =	wrdreg $0xFFFFFFFF  }
0xad: {  	[dreg:$0x0] =	wrdreg $0x60  }
0xae: {  	[dreg:$0x2] =	wrdreg s24  }
0xaf: {  	[dreg:$0x3] =	wrdreg $0x90000  }
0xb0: {  	[dreg:$0x4] =	wrdreg $0x9  }
0xb1: {  	_ =	task.clear_ibuf [dreg:s6], $0x5FFFF;
	_ =	strace $0x9000004C  }
0xb2: {  	s29 =	simm.s32 $0x9;
	_ =	strace $0x8000004E  }
0xb3: {  	_ =	swait.ge [sflag:s29], $0x1  }
0xb4: {  	[sflag:s29] =	ssyncadd.s32 $0xFFFFFFFF  }
0xb5: {  	_ =	strace $0x9000004E  }
0xb6: {  	_ =	sfence  }
0xb7: {  	s30 =	sld [smem:$0x0];
	_ =	sdelay $0x2  }
0xb8: {  	s31 =	sshll.u32 s1, $0xD;
	s1 =	sshrl.u32 s1, $0x2  }
0xb9: {  	s3 =	sand.u32 $0x4000, s31;
	s1 =	sadd.s32 s1, s30  }
0xba: {  	s0 =	sor.u32 s3, s0;
	s1 =	sshll.u32 s1, $0x11  }
0xbb: {  	s0 =	sor.u32 s1, s0  }
0xbc: {  	s0 =	sadd.s32 $0x8F2B, s0  }
0xbd: {  	[sflag:s0] =	ssyncadd.remote.s32 $0x1  }
0xbe: {  	_ =	sfence.sel $0xFFFF  }
0xbf: {  	[dreg:$0x0] =	wrdreg $0xFFFFFFFF;
	(pc) =	sbr.abs _section_cstart, $3  }
0xc0: {  	[dreg:$0x1] =	wrdreg $0xFFFFFFFF  }
0xc1: {  	_ =	task.clear_ibuf [dreg:s6], $0x2FFFF;
	_ =	strace $0x9FFFFFFF  }
0xc2: {  	(tm) =	ssettm $0x7FFFFFFF  }
0xc3: {  	_ =	shalt  }
tec
execute0_lowered:
.L_overlay_start_1:
0x0: {  	(tag) =	ssettag $0x1  }
0x1: {  	s0 =	rddreg [dreg:$0x0]  }
0x2: {  	s2 =	rddreg [dreg:$0x1]  }
0x3: {  	s1 =	srdreg.scid;
	s8 =	stileid.u32  }
0x4: {  	s3 =	simm.s32 $0x0;
	s28 =	simm.s32 $0x50;
	s29 =	simm.s32 $0x1  }
0x5: {  	s30 =	simm.s32 $0x0;
	s1 =	sand.u32 $0x1, s1;
	s7 =	smul.u32 $0x50000, s8  }
0x6: {  	s4 =	sshll.u32 s8, $0x1;
	[smem:$0x7FF] =	sst s3;
	s13 =	smul.u32 $0x14000, s8  }
0x7: {  	s24 =	sadd.s32 $0x13200, s0;
	s5 =	sor.u32 s1, s4;
	_ =	strace $0x8000004D  }
0x8: {  	s4 =	sadd.s32 $0x13800, s0;
	s25 =	ssub.s32 $0x2, s1;
	s1 =	smul.u32 $0x140000, s1  }
0x9: {  	[dreg:$0x3] =	wrdreg s24;
	s6 =	smul.u32 $0x500, s5;
	s5 =	sshll.u32 s5, $0xB  }
0xa: {  	s26 =	sshrl.u32 s25, $0x1;
	s7 =	sshrl.u32 s7, $0x2;
	s16 =	sor.u32 $0x2800, s13  }
0xb: {  	s17 =	sadd.s32 $0x5000, s13;
	s18 =	sadd.s32 $0x7800, s13;
	s19 =	sadd.s32 $0xA000, s13  }
0xc: {  	s20 =	sadd.s32 $0xC800, s13;
	s21 =	sadd.s32 $0xF000, s13;
	s22 =	sadd.s32 $0x11800, s13  }
0xd: {  	s15 =	sadd.s32 s5, s0;
	s24 =	ssub.s32 s25, s26;
	s8 =	sadd.s32 s17, s2  }
0xe: {  	s9 =	sadd.s32 s18, s2;
	s10 =	sadd.s32 s19, s2;
	s11 =	sadd.s32 s20, s2  }
0xf: {  	s12 =	sadd.s32 s21, s2;
	s23 =	sadd.s32 s13, s1;
	s25 =	sadd.s32 s1, s17  }
0x10: {  	s18 =	sadd.s32 s1, s18;
	s19 =	sadd.s32 s1, s19;
	s26 =	sadd.s32 s1, s20  }
0x11: {  	s21 =	sadd.s32 s1, s21;
	s13 =	sadd.s32 s22, s2;
	s14 =	sadd.s32 s6, s0  }
0x12: {  	s0 =	sadd.s32 $0x7DE00, s0;
	s6 =	sadd.s32 s7, s2;
	s7 =	sadd.s32 s16, s2  }
0x13: {  	s16 =	sadd.s32 s1, s16;
	s1 =	sadd.s32 s1, s22;
	s5 =	sshrl.u32 s23, $0x3  }
0x14: {  	s15 =	sadd.s32 $0x6DE00, s15;
	s22 =	sshrl.u32 s25, $0x3;
	s23 =	sshrl.u32 s18, $0x3  }
0x15: {  	s25 =	sshrl.u32 s19, $0x3;
	s26 =	sshrl.u32 s26, $0x3;
	s24 =	smax.u32 s24, $0x1  }
0x16: {  	s31 =	sadd.s32 $0x63E00, s14;
	s14 =	sshrl.u32 s16, $0x3;
	s16 =	sadd.s32 s0, s5  }
0x17: {  	s18 =	sadd.s32 s0, s22;
	s19 =	sadd.s32 s0, s23;
	s20 =	sadd.s32 s0, s25  }
0x18: {  	s1 =	sshrl.u32 s1, $0x3;
	s25 =	simm.s32 $0x6800;
	[dreg:$0x4] =	wrdreg s31  }
0x19: {  	s17 =	sadd.s32 s0, s14;
	s31 =	sshrl.u32 s21, $0x3;
	s21 =	sadd.s32 s0, s26  }
0x1a: {  	s23 =	sadd.s32 s0, s1;
	s26 =	simm.s32 $0x2;
	s22 =	sadd.s32 s0, s31  }
.LBB2_1:
0x1b: {  	s0 =	rddreg [dreg:$0x3]  }
0x1c: {  	[tilespmem:s25], [sflag:$0x2] =	stream.linear.gather [hbm4b:s0+s3], $0x2800, $0x38;
	[tilespmem:$0x1D000] =	vst v63  }
0x1d: {  	_ =	swait.ge [sflag:s26], $0x2800  }
0x1e: {  	[sflag:s26] =	ssyncset.done $0x0  }
0x1f: {  	[sflag:s26] =	ssyncadd.s32 $0xFFFFD800  }
0x20: {  	[spmem:s6] =	stream.linear.scatter [tilespmem:s25], [sflag:$0x2], $0x2800, $0x38;
	[tilespmem:$0x1D000] =	vst v63  }
0x21: {  	_ =	swait.ge [sflag:s26], $0x2800  }
0x22: {  	[sflag:s26] =	ssyncset.done $0x0  }
0x23: {  	[sflag:s26] =	ssyncadd.s32 $0xFFFFD800  }
0x24: {  	[spmem:s7] =	stream.linear.scatter [tilespmem:s25], [sflag:$0x2], $0x2800, $0x38;
	[tilespmem:$0x1D000] =	vst v63  }
0x25: {  	_ =	swait.ge [sflag:s26], $0x2800  }
0x26: {  	[sflag:s26] =	ssyncset.done $0x0  }
0x27: {  	[sflag:s26] =	ssyncadd.s32 $0xFFFFD800  }
0x28: {  	[spmem:s8] =	stream.linear.scatter [tilespmem:s25], [sflag:$0x2], $0x2800, $0x38;
	[tilespmem:$0x1D000] =	vst v63  }
0x29: {  	_ =	swait.ge [sflag:s26], $0x2800  }
0x2a: {  	[sflag:s26] =	ssyncset.done $0x0  }
0x2b: {  	[sflag:s26] =	ssyncadd.s32 $0xFFFFD800  }
0x2c: {  	[spmem:s9] =	stream.linear.scatter [tilespmem:s25], [sflag:$0x2], $0x2800, $0x38;
	[tilespmem:$0x1D000] =	vst v63  }
0x2d: {  	_ =	swait.ge [sflag:s26], $0x2800  }
0x2e: {  	[sflag:s26] =	ssyncset.done $0x0  }
0x2f: {  	[sflag:s26] =	ssyncadd.s32 $0xFFFFD800  }
0x30: {  	[spmem:s10] =	stream.linear.scatter [tilespmem:s25], [sflag:$0x2], $0x2800, $0x38;
	[tilespmem:$0x1D000] =	vst v63  }
0x31: {  	_ =	swait.ge [sflag:s26], $0x2800  }
0x32: {  	[sflag:s26] =	ssyncset.done $0x0  }
0x33: {  	[sflag:s26] =	ssyncadd.s32 $0xFFFFD800  }
0x34: {  	[spmem:s11] =	stream.linear.scatter [tilespmem:s25], [sflag:$0x2], $0x2800, $0x38;
	[tilespmem:$0x1D000] =	vst v63  }
0x35: {  	_ =	swait.ge [sflag:s26], $0x2800  }
0x36: {  	[sflag:s26] =	ssyncset.done $0x0  }
0x37: {  	[sflag:s26] =	ssyncadd.s32 $0xFFFFD800  }
0x38: {  	[spmem:s12] =	stream.linear.scatter [tilespmem:s25], [sflag:$0x2], $0x2800, $0x38;
	[tilespmem:$0x1D000] =	vst v63  }
0x39: {  	_ =	swait.ge [sflag:s26], $0x2800  }
0x3a: {  	[sflag:s26] =	ssyncset.done $0x0  }
0x3b: {  	[sflag:s26] =	ssyncadd.s32 $0xFFFFD800  }
0x3c: {  	[spmem:s13] =	stream.linear.scatter [tilespmem:s25], [sflag:$0x2], $0x2800, $0x38;
	[tilespmem:$0x1D000] =	vst v63  }
0x3d: {  	_ =	swait.ge [sflag:s26], $0x2800  }
0x3e: {  	[sflag:s26] =	ssyncset.done $0x0  }
0x3f: {  	s5 =	rddreg [dreg:$0x4];
	[sflag:s26] =	ssyncadd.s32 $0xFFFFD800  }
0x40: {  	[tilespmem:s3], [sflag:$0x2] =	stream.linear.gather [hbm4b:s5+s3], $0x2800, $0x38;
	[tilespmem:$0x1D000] =	vst v63  }
0x41: {  	_ =	swait.ge [sflag:s26], $0x2800  }
0x42: {  	[sflag:s26] =	ssyncset.done $0x0  }
0x43: {  	s14 =	simm.s32 $0x2800;
	[sflag:s26] =	ssyncadd.s32 $0xFFFFD800  }
0x44: {  	[tilespmem:s14], [sflag:$0x2] =	stream.linear.gather [hbm4b:s15+s3], $0x4000, $0x38;
	[tilespmem:$0x1D000] =	vst v63  }
0x45: {  	_ =	swait.ge [sflag:s26], $0x4000  }
0x46: {  	[sflag:s26] =	ssyncset.done $0x0  }
0x47: {  	[sflag:s26] =	ssyncadd.s32 $0xFFFFC000  }
0x48: {  	s1 =	simm.s32 $0x0;
	[bflag:$0x0] =	sbarrier.arrive $0xFFFF  }
0x49: {  	[tilespmem:s25], [sflag:$0x1] =	stream.indirect.gather [hbm4b:s4+s28], $0x80, s1, s28, $0xb8;
	[tilespmem:$0x1D000] =	vst v63  }
0x4a: {  	_ =	swait.ge [sflag:s29], $0x2800  }
0x4b: {  	[sflag:s29] =	ssyncset.done $0x0  }
0x4c: {  	[sflag:s29] =	ssyncadd.s32 $0xFFFFD800  }
0x4d: {  	[spmem:s2] =	stream.indirect.scatter.add.f32 [tilespmem:s25], [sflag:$0x2], $0x80, s14, s28, $0xb8;
	[tilespmem:$0x1D000] =	vst v63  }
0x4e: {  	s31 =	simm.s32 $0x2880;
	_ =	swait.ge [sflag:s26], $0x2800  }
0x4f: {  	s0 =	simm.s32 $0x140;
	s1 =	simm.s32 $0x280;
	[sflag:s26] =	ssyncset.done $0x0  }
.LBB2_2:
0x50: {  	s5 =	sshra.s32 s0, $0x2  }
0x51: {  	[sflag:s26] =	ssyncadd.s32 $0xFFFFD800;
	s0 =	smov.u32 s1;
	s14 =	sadd.s32 $0x140, s1  }
0x52: {  	[tilespmem:s25], [sflag:$0x1] =	stream.indirect.gather [hbm4b:s4+s28], $0x80, s5, s28, $0xb8;
	[tilespmem:$0x1D000] =	vst v63  }
0x53: {  	p0 =	sne.s32 s1, $0x9B00;
	_ =	swait.ge [sflag:s29], $0x2800  }
.Ltmp0:
0x54: {  	[sflag:s29] =	ssyncset.done $0x0;
	(pc) =	sbr.rel @p0 .LBB2_2-.Ltmp0, $4  }
0x55: {  	[sflag:s29] =	ssyncadd.s32 $0xFFFFD800  }
0x56: {  	[spmem:s2] =	stream.indirect.scatter.add.f32 [tilespmem:s25], [sflag:$0x2], $0x80, s31, s28, $0xb8;
	[tilespmem:$0x1D000] =	vst v63  }
0x57: {  	_ =	swait.ge [sflag:s26], $0x2800  }
0x58: {  	s1 =	smov.u32 s14;
	s31 =	sadd.s32 $0x80, s31;
	[sflag:s26] =	ssyncset.done $0x0  }
0x59: {  	s0 =	sshra.s32 s0, $0x2;
	[sflag:s26] =	ssyncadd.s32 $0xFFFFD800  }
0x5a: {  	[tilespmem:s25], [sflag:$0x1] =	stream.indirect.gather [hbm4b:s4+s28], $0x80, s0, s28, $0xb8;
	[tilespmem:$0x1D000] =	vst v63  }
0x5b: {  	_ =	swait.ge [sflag:s29], $0x2800  }
0x5c: {  	[sflag:s29] =	ssyncset.done $0x0  }
0x5d: {  	[sflag:s29] =	ssyncadd.s32 $0xFFFFD800  }
0x5e: {  	[spmem:s2] =	stream.indirect.scatter.add.f32 [tilespmem:s25], [sflag:$0x2], $0x80, s31, s28, $0xb8;
	[tilespmem:$0x1D000] =	vst v63  }
0x5f: {  	_ =	swait.ge [sflag:s26], $0x2800  }
0x60: {  	[sflag:s26] =	ssyncset.done $0x0  }
0x61: {  	[sflag:s26] =	ssyncadd.s32 $0xFFFFD800  }
0x62: {  	[bflag:$0x0] =	sbarrier.arrive $0xFFFF  }
0x63: {  	[tilespmem:s25], [sflag:$0x2] =	stream.linear.gather [spmem:s6], $0x2800, $0x38;
	[tilespmem:$0x1D000] =	vst v63  }
0x64: {  	_ =	swait.ge [sflag:s26], $0x2800  }
0x65: {  	[sflag:s26] =	ssyncset.done $0x0  }
0x66: {  	[sflag:s26] =	ssyncadd.s32 $0xFFFFD800  }
0x67: {  	[hbm4b:s16+s3] =	stream.linear.scatter [tilespmem:s25], [sflag:$0x2], $0x2800, $0x38;
	[tilespmem:$0x1D000] =	vst v63  }
0x68: {  	_ =	swait.ge [sflag:s26], $0x2800  }
0x69: {  	[sflag:s26] =	ssyncset.done $0x0  }
0x6a: {  	[sflag:s26] =	ssyncadd.s32 $0xFFFFD800  }
0x6b: {  	[tilespmem:s25], [sflag:$0x2] =	stream.linear.gather [spmem:s7], $0x2800, $0x38;
	[tilespmem:$0x1D000] =	vst v63  }
0x6c: {  	_ =	swait.ge [sflag:s26], $0x2800  }
0x6d: {  	[sflag:s26] =	ssyncset.done $0x0  }
0x6e: {  	[sflag:s26] =	ssyncadd.s32 $0xFFFFD800  }
0x6f: {  	[hbm4b:s17+s3] =	stream.linear.scatter [tilespmem:s25], [sflag:$0x2], $0x2800, $0x38;
	[tilespmem:$0x1D000] =	vst v63  }
0x70: {  	_ =	swait.ge [sflag:s26], $0x2800  }
0x71: {  	[sflag:s26] =	ssyncset.done $0x0  }
0x72: {  	[sflag:s26] =	ssyncadd.s32 $0xFFFFD800  }
0x73: {  	[tilespmem:s25], [sflag:$0x2] =	stream.linear.gather [spmem:s8], $0x2800, $0x38;
	[tilespmem:$0x1D000] =	vst v63  }
0x74: {  	_ =	swait.ge [sflag:s26], $0x2800  }
0x75: {  	[sflag:s26] =	ssyncset.done $0x0  }
0x76: {  	[sflag:s26] =	ssyncadd.s32 $0xFFFFD800  }
0x77: {  	[hbm4b:s18+s3] =	stream.linear.scatter [tilespmem:s25], [sflag:$0x2], $0x2800, $0x38;
	[tilespmem:$0x1D000] =	vst v63  }
0x78: {  	_ =	swait.ge [sflag:s26], $0x2800  }
0x79: {  	[sflag:s26] =	ssyncset.done $0x0  }
0x7a: {  	[sflag:s26] =	ssyncadd.s32 $0xFFFFD800  }
0x7b: {  	[tilespmem:s25], [sflag:$0x2] =	stream.linear.gather [spmem:s9], $0x2800, $0x38;
	[tilespmem:$0x1D000] =	vst v63  }
0x7c: {  	_ =	swait.ge [sflag:s26], $0x2800  }
0x7d: {  	[sflag:s26] =	ssyncset.done $0x0  }
0x7e: {  	[sflag:s26] =	ssyncadd.s32 $0xFFFFD800  }
0x7f: {  	[hbm4b:s19+s3] =	stream.linear.scatter [tilespmem:s25], [sflag:$0x2], $0x2800, $0x38;
	[tilespmem:$0x1D000] =	vst v63  }
0x80: {  	_ =	swait.ge [sflag:s26], $0x2800  }
0x81: {  	[sflag:s26] =	ssyncset.done $0x0  }
0x82: {  	[sflag:s26] =	ssyncadd.s32 $0xFFFFD800  }
0x83: {  	[tilespmem:s25], [sflag:$0x2] =	stream.linear.gather [spmem:s10], $0x2800, $0x38;
	[tilespmem:$0x1D000] =	vst v63  }
0x84: {  	_ =	swait.ge [sflag:s26], $0x2800  }
0x85: {  	[sflag:s26] =	ssyncset.done $0x0  }
0x86: {  	[sflag:s26] =	ssyncadd.s32 $0xFFFFD800  }
0x87: {  	[hbm4b:s20+s3] =	stream.linear.scatter [tilespmem:s25], [sflag:$0x2], $0x2800, $0x38;
	[tilespmem:$0x1D000] =	vst v63  }
0x88: {  	_ =	swait.ge [sflag:s26], $0x2800  }
0x89: {  	[sflag:s26] =	ssyncset.done $0x0  }
0x8a: {  	[sflag:s26] =	ssyncadd.s32 $0xFFFFD800  }
0x8b: {  	[tilespmem:s25], [sflag:$0x2] =	stream.linear.gather [spmem:s11], $0x2800, $0x38;
	[tilespmem:$0x1D000] =	vst v63  }
0x8c: {  	_ =	swait.ge [sflag:s26], $0x2800  }
0x8d: {  	[sflag:s26] =	ssyncset.done $0x0  }
0x8e: {  	[sflag:s26] =	ssyncadd.s32 $0xFFFFD800  }
0x8f: {  	[hbm4b:s21+s3] =	stream.linear.scatter [tilespmem:s25], [sflag:$0x2], $0x2800, $0x38;
	[tilespmem:$0x1D000] =	vst v63  }
0x90: {  	_ =	swait.ge [sflag:s26], $0x2800  }
0x91: {  	[sflag:s26] =	ssyncset.done $0x0  }
0x92: {  	[sflag:s26] =	ssyncadd.s32 $0xFFFFD800  }
0x93: {  	[tilespmem:s25], [sflag:$0x2] =	stream.linear.gather [spmem:s12], $0x2800, $0x38;
	[tilespmem:$0x1D000] =	vst v63  }
0x94: {  	_ =	swait.ge [sflag:s26], $0x2800  }
0x95: {  	[sflag:s26] =	ssyncset.done $0x0  }
0x96: {  	[sflag:s26] =	ssyncadd.s32 $0xFFFFD800  }
0x97: {  	[hbm4b:s22+s3] =	stream.linear.scatter [tilespmem:s25], [sflag:$0x2], $0x2800, $0x38;
	[tilespmem:$0x1D000] =	vst v63  }
0x98: {  	_ =	swait.ge [sflag:s26], $0x2800  }
0x99: {  	[sflag:s26] =	ssyncset.done $0x0  }
0x9a: {  	[sflag:s26] =	ssyncadd.s32 $0xFFFFD800  }
0x9b: {  	[tilespmem:s25], [sflag:$0x2] =	stream.linear.gather [spmem:s13], $0x2800, $0x38;
	[tilespmem:$0x1D000] =	vst v63  }
0x9c: {  	s30 =	sadd.s32 $0x1, s30;
	_ =	swait.ge [sflag:s26], $0x2800  }
0x9d: {  	p0 =	sne.s32 s30, s24;
	[sflag:s26] =	ssyncset.done $0x0  }
.Ltmp1:
0x9e: {  	[sflag:s26] =	ssyncadd.s32 $0xFFFFD800;
	(pc) =	sbr.rel @p0 .LBB2_1-.Ltmp1, $4  }
0x9f: {  	[hbm4b:s23+s3] =	stream.linear.scatter [tilespmem:s25], [sflag:$0x2], $0x2800, $0x38;
	[tilespmem:$0x1D000] =	vst v63  }
0xa0: {  	_ =	swait.ge [sflag:s26], $0x2800  }
0xa1: {  	[sflag:s26] =	ssyncset.done $0x0  }
0xa2: {  	[sflag:s26] =	ssyncadd.s32 $0xFFFFD800  }
0xa3: {  	_ =	sfence.sel $0x180000  }
0xa4: {  	[bflag:$0x0] =	sbarrier.arrive $0xFFFF  }
0xa5: {  	_ =	strace $0x9000004D  }
0xa6: {  	s0 =	stileid.u32;
	[bflag:$0x2] =	sbarrier.arrive $0xFFFF  }
0xa7: {  	p0 =	sne.s32 s0, $0x0;
	s0 =	rddreg [dreg:$0x2]  }
0xa8: {  	s0 =	sadd.s32 @!p0 $0x100000, s0  }
0xa9: {  	[sflag:s0] =	ssyncadd.tile.s32 @!p0 $0x1;
	_ =	shalt  }
.Lfunc_end2:
_tile_overlayer_lowered:
.L_overlay_start_2:
0xaa: {  	(tag) =	ssettag $0x2  }
0xab: {  	s0 =	rddreg [dreg:$0x0];
	s2 =	stileid.u32  }
0xac: {  	s1 =	rddreg [dreg:$0x1];
	p0 =	sne.s32 s2, $0x0  }
0xad: {  	s3 =	rddreg [dreg:$0x2];
	[bflag:$0x3] =	sbarrier.arrive $0xFFFF;
	s2 =	simm.s32 @!p0 $0x1C02  }
0xae: {  	[timem:s3], [sflag:s2] =	dma.local @!p0 [hbm:s0], s1  }
0xaf: {  	s0 =	simm.s32 @!p0 $0x2  }
0xb0: {  	_ =	swait.ge @!p0 [sflag:s0], s1  }
0xb1: {  	s1 =	ssub.s32 @!p0 $0x0, s1;
	[sflag:s0] =	ssyncset.done @!p0 $0x0  }
0xb2: {  	[sflag:s0] =	ssyncadd.s32 @!p0 s1  }
0xb3: {  	[bflag:$0x3] =	sbarrier.arrive $0xFFFF  }
0xb4: {  	_ =	shalt  }

// kernel: kernel.9.cloned.1.call-start
scs
__scs_entry_jumppad:
0x0: {  	(pc) =	sbr.rel $0x88, $3  }
0x1: {  	(tag) =	ssettag $0x0;
	lr =	simm.s32 $0x1  }
0x2: {  	[smem:$0x3F96] =	sst lr;
	_ =	strace $0xD0000000  }
0x3: {  	_ = 	snop  }
0x4: {  	_ = 	snop  }
0x5: {  	_ = 	snop  }
0x6: {  	_ = 	snop  }
0x7: {  	_ = 	snop  }
__scs_overlays_trampoline_lowered:
0x8: {  	[smem:$0x3FA5] =	sst s0  }
0x9: {  	[smem:$0x3FA6] =	sst s1  }
0xa: {  	[smem:$0x3FA7] =	sst s2  }
0xb: {  	[smem:$0x3FA8] =	sst s3  }
0xc: {  	[smem:$0x3FA9] =	sst s4  }
0xd: {  	[smem:$0x3FAA] =	sst s5  }
0xe: {  	[smem:$0x3FAB] =	sst s6  }
0xf: {  	[smem:$0x3FAC] =	sst s7  }
0x10: {  	[smem:$0x3FAD] =	sst s8  }
0x11: {  	[smem:$0x3FAE] =	sst s9;
	s0 =	simm.s32 @!p0 $0x0  }
0x12: {  	s1 =	sld [smem:$0x3F94];
	s0 =	simm.s32 @p0 $0x1  }
0x13: {  	[smem:$0x3FAF] =	sst s0;
	s0 =	simm.s32 @!p1 $0x0  }
0x14: {  	s2 =	sld [smem:$0x3F93];
	s0 =	simm.s32 @p1 $0x1  }
0x15: {  	[smem:$0x3FB0] =	sst s0;
	s0 =	simm.s32 @!p2 $0x0  }
0x16: {  	s3 =	sld [smem:$0x3FDB];
	s0 =	simm.s32 @p2 $0x1  }
0x17: {  	s4 =	simm.s32 $0x1BF5;
	[smem:$0x3FB2] =	sst s0  }
0x18: {  	s0 =	sld [smem:$0x3F95];
	_ =	swait.ge [sflag:s4], $0x0  }
0x19: {  	s7 =	sld [smem:$0x3F96]  }
0x1a: {  	s8 =	sadd.s32 $0xFFFFE003, lr  }
0x1b: {  	s9 =	sadd.s32 $0xFFFFFEF7, lr;
	s5 =	simm.s32 $0xFFFFFFFF;
	p2 =	slt.u32 s8, $0xFFFFF086  }
0x1c: {  	p1 =	slt.u32 s9, $0xF7A;
	s5 =	simm.s32 @!p2 $0x0  }
0x1d: {  	s5 =	simm.s32 @p1 $0x1;
	p0 =	seq.s32 s7, s2  }
0x1e: {  	s7 =	smul.u32 @!p0 $0xF7A, s2;
	p2 =	seq.s32 @!p0 s5, $0x0  }
0x1f: {  	s9 =	smul.u32 $0xF7A, s1;
	s8 =	simm.s32 @!p0 $0x1BF5;
	p2 =	por !p2, p0  }
0x20: {  	[sflag:s8] =	ssyncset.s32 @!p0 $0xFFFFF086;
	s6 =	sadd.s32 @!p0 s3, s7;
	s7 =	simm.s32 @!p0 $0x108  }
0x21: {  	s3 =	sadd.s32 s3, s9;
	s6 =	sadd.s32 @!p0 $0x88, s6;
	s7 =	simm.s32 @p2 $0x1082  }
0x22: {  	[simem:s7], [sflag:s8] =	dma.local @!p0 [hbm:s6], $0xF7A  }
0x23: {  	s9 =	sor.u32 $0xD0000000, s2;
	s6 =	simm.s32 $0x108;
	_ =	swait.ge @!p0 [sflag:s8], $0x0  }
0x24: {  	s3 =	sadd.s32 $0x88, s3;
	s6 =	simm.s32 @!p1 $0x1082;
	[sflag:s4] =	ssyncset.s32 $0xFFFFF086  }
0x25: {  	[simem:s6], [sflag:s4] =	dma.local [hbm:s3], $0xF7A  }
0x26: {  	[smem:$0x3F96] =	sst s1;
	(tag) =	ssettag s2;
	_ =	strace s9  }
0x27: {  	s1 =	sld [smem:$0x3FA6]  }
0x28: {  	s2 =	sld [smem:$0x3FA7]  }
0x29: {  	s4 =	sld [smem:$0x3FA9]  }
0x2a: {  	p0 =	seq.s32 s5, $0x0;
	s5 =	sld [smem:$0x3FAA]  }
0x2b: {  	s6 =	sld [smem:$0x3FAB]  }
0x2c: {  	s7 =	sld [smem:$0x3FAC]  }
0x2d: {  	s3 =	simm.s32 $0x108;
	s8 =	sld [smem:$0x3FAD]  }
0x2e: {  	s3 =	simm.s32 @!p0 $0x1082;
	s9 =	sld [smem:$0x3FAE]  }
0x2f: {  	lr =	sadd.s32 s0, s3;
	s0 =	sld [smem:$0x3FA5]  }
0x30: {  	s3 =	sld [smem:$0x3FA8]  }
0x31: {  	[smem:$0x3FB1] =	sst s10  }
0x32: {  	s10 =	sld [smem:$0x3FAF];
	_ =	sdelay $0x3  }
0x33: {  	p0 =	seq.s32 s10, $0x1;
	s10 =	sld [smem:$0x3FB1];
	_ =	sdelay $0x3  }
0x34: {  	[smem:$0x3FB1] =	sst s10  }
0x35: {  	s10 =	sld [smem:$0x3FB0];
	_ =	sdelay $0x3  }
0x36: {  	p1 =	seq.s32 s10, $0x1;
	s10 =	sld [smem:$0x3FB1];
	_ =	sdelay $0x3  }
0x37: {  	[smem:$0x3FB1] =	sst s10  }
0x38: {  	s10 =	sld [smem:$0x3FB2]  }
0x39: {  	_ = 	snop;
	(pc) =	sbr.ind lr, $3  }
0x3a: {  	_ = 	snop  }
0x3b: {  	_ = 	snop  }
0x3c: {  	p2 =	seq.s32 s10, $0x1;
	s10 =	sld [smem:$0x3FB1]  }
0x3d: {  	_ =	shalt  }
0x3e: {  	_ =	shalt  }
0x3f: {  	_ =	shalt  }
0x40: {  	_ =	shalt  }
0x41: {  	_ =	shalt  }
0x42: {  	_ =	shalt  }
0x43: {  	_ =	shalt  }
0x44: {  	_ =	shalt  }
0x45: {  	_ =	shalt  }
0x46: {  	_ =	shalt  }
0x47: {  	_ =	shalt  }
0x48: {  	_ =	shalt  }
0x49: {  	_ =	shalt  }
0x4a: {  	_ =	shalt  }
0x4b: {  	_ =	shalt  }
0x4c: {  	_ =	shalt  }
0x4d: {  	_ =	shalt  }
0x4e: {  	_ =	shalt  }
0x4f: {  	_ =	shalt  }
0x50: {  	_ =	shalt  }
0x51: {  	_ =	shalt  }
0x52: {  	_ =	shalt  }
0x53: {  	_ =	shalt  }
0x54: {  	_ =	shalt  }
0x55: {  	_ =	shalt  }
0x56: {  	_ =	shalt  }
0x57: {  	_ =	shalt  }
0x58: {  	_ =	shalt  }
0x59: {  	_ =	shalt  }
0x5a: {  	_ =	shalt  }
0x5b: {  	_ =	shalt  }
0x5c: {  	_ =	shalt  }
0x5d: {  	_ =	shalt  }
0x5e: {  	_ =	shalt  }
0x5f: {  	_ =	shalt  }
0x60: {  	_ =	shalt  }
0x61: {  	_ =	shalt  }
0x62: {  	_ =	shalt  }
0x63: {  	_ =	shalt  }
0x64: {  	_ =	shalt  }
0x65: {  	_ =	shalt  }
0x66: {  	_ =	shalt  }
0x67: {  	_ =	shalt  }
0x68: {  	_ =	shalt  }
0x69: {  	_ =	shalt  }
0x6a: {  	_ =	shalt  }
0x6b: {  	_ =	shalt  }
0x6c: {  	_ =	shalt  }
0x6d: {  	_ =	shalt  }
0x6e: {  	_ =	shalt  }
0x6f: {  	_ =	shalt  }
0x70: {  	_ =	shalt  }
0x71: {  	_ =	shalt  }
0x72: {  	_ =	shalt  }
0x73: {  	_ =	shalt  }
0x74: {  	_ =	shalt  }
0x75: {  	_ =	shalt  }
0x76: {  	_ =	shalt  }
0x77: {  	_ =	shalt  }
0x78: {  	_ =	shalt  }
0x79: {  	_ =	shalt  }
0x7a: {  	_ =	shalt  }
0x7b: {  	_ =	shalt  }
0x7c: {  	_ =	shalt  }
0x7d: {  	_ =	shalt  }
0x7e: {  	_ =	shalt  }
0x7f: {  	_ =	shalt  }
0x80: {  	_ =	shalt  }
0x81: {  	_ =	shalt  }
0x82: {  	_ =	shalt  }
0x83: {  	_ =	shalt  }
0x84: {  	_ =	shalt  }
0x85: {  	_ =	shalt  }
0x86: {  	_ =	shalt  }
0x87: {  	_ =	shalt  }
.Lfunc_end0:
.L_simem_size_0:
called_computation_lowered:
.L_overlay_start_0:
0x88: {  	s2 =	sld [smem:$0x3FD9]  }
0x89: {  	s3 =	sld [smem:$0x3FFE];
	_ =	sdelay $0x1  }
0x8a: {  	s1 =	srdreg.scid  }
0x8b: {  	s0 =	sand.u32 $0x1, s1  }
0x8c: {  	s16 =	sshll.u32 s0, $0xA;
	s2 =	sadd.s32 s3, s2  }
0x8d: {  	s2 =	sadd.s32 s2, s16  }
0x8e: {  	[smem:$0x3FBD] =	sst s2  }
0x8f: {  	_ = 	snop  }
0x90: {  	(tm) =	ssettm $0x1  }
0x91: {  	s17 =	sld [smem:$0x3FFB];
	_ =	sdelay $0x3  }
0x92: {  	_ =	strace s17  }
0x93: {  	s2 =	sld [smem:$0x3FFC];
	_ =	sdelay $0x3  }
0x94: {  	_ =	strace s2  }
0x95: {  	s2 =	sld [smem:$0x3FFD];
	_ =	sdelay $0x3  }
0x96: {  	_ =	strace s2  }
0x97: {  	_ =	strace $0x8FFFFFFF  }
0x98: {  	s18 =	sld [smem:$0x3FDB];
	_ =	sdelay $0x1  }
0x99: {  	s19 =	simm.s32 $_scs_section_size  }
0x9a: {  	s4 =	simm.s32 $_size__tile_overlayer_lowered;
	s5 =	simm.s32 $_tile_overlayer_lowered  }
0x9b: {  	s22 =	simm.s32 $0x1BFF;
	s21 =	sshll.u32 s5, $0x1;
	s2 =	sadd.s32 s19, s18  }
0x9c: {  	s6 =	simm.s32 $0x0;
	s20 =	sshll.u32 s4, $0x1;
	s4 =	sadd.s32 s21, s2  }
0x9d: {  	[timem:s6], [sflag:s22] =	dma.local [hbm:s4], s20  }
0x9e: {  	_ =	swait.ge [sflag:s22], s20  }
0x9f: {  	s3 =	ssub.s32 $0x0, s20;
	[sflag:s22] =	ssyncset.done $0x0  }
0xa0: {  	[sflag:s22] =	ssyncadd.s32 s3;
	_ =	sdelay $0x1  }
0xa1: {  	s23 =	simm.s32 $0x1B8B  }
0xa2: {  	_ =	swait.ge [sflag:s23], $0x1  }
0xa3: {  	[sflag:s23] =	ssyncset.done $0x0  }
0xa4: {  	s25 =	simm.s32 $0x1B8E;
	s24 =	sld [smem:$0x3FFE];
	[sflag:s23] =	ssyncadd.s32 $0xFFFFFFFF  }
0xa5: {  	s26 =	simm.s32 $execute0_lowered;
	[smem:$0x3FD2] =	sst s25  }
0xa6: {  	s4 =	sshll.u32 s26, $0x1;
	_ =	strace $0x80000046;
	[dreg:$0x1] =	wrdreg $0xFFFFFFFF  }
0xa7: {  	s28 =	simm.s32 $_size_execute0_lowered;
	s2 =	sadd.s32 s2, s4;
	[dreg:$0x0] =	wrdreg $0x0  }
0xa8: {  	s4 =	sshll.u32 s28, $0x1;
	[dreg:$0x2] =	wrdreg s2  }
0xa9: {  	[dreg:$0x3] =	wrdreg s4  }
0xaa: {  	[dreg:$0x4] =	wrdreg $0xC0  }
0xab: {  	_ =	task [dreg:s6], $0x5FFFF  }
0xac: {  	[dreg:$0x1] =	wrdreg $0xFFFFFFFF  }
0xad: {  	[dreg:$0x0] =	wrdreg $0x60  }
0xae: {  	[dreg:$0x2] =	wrdreg s24  }
0xaf: {  	[dreg:$0x3] =	wrdreg $0x68000  }
0xb0: {  	[dreg:$0x4] =	wrdreg $0x9  }
0xb1: {  	_ =	task.clear_ibuf [dreg:s6], $0x5FFFF;
	_ =	strace $0x90000046  }
0xb2: {  	s29 =	simm.s32 $0x9;
	_ =	strace $0x80000048  }
0xb3: {  	_ =	swait.ge [sflag:s29], $0x1  }
0xb4: {  	[sflag:s29] =	ssyncadd.s32 $0xFFFFFFFF  }
0xb5: {  	_ =	strace $0x90000048  }
0xb6: {  	_ =	sfence  }
0xb7: {  	s30 =	sld [smem:$0x0];
	_ =	sdelay $0x2  }
0xb8: {  	s31 =	sshll.u32 s1, $0xD;
	s1 =	sshrl.u32 s1, $0x2  }
0xb9: {  	s3 =	sand.u32 $0x4000, s31;
	s1 =	sadd.s32 s1, s30  }
0xba: {  	s0 =	sor.u32 s3, s0;
	s1 =	sshll.u32 s1, $0x11  }
0xbb: {  	s0 =	sor.u32 s1, s0  }
0xbc: {  	s0 =	sadd.s32 $0x8F2B, s0  }
0xbd: {  	[sflag:s0] =	ssyncadd.remote.s32 $0x1  }
0xbe: {  	_ =	sfence.sel $0xFFFF  }
0xbf: {  	[dreg:$0x0] =	wrdreg $0xFFFFFFFF;
	(pc) =	sbr.abs _section_cstart, $3  }
0xc0: {  	[dreg:$0x1] =	wrdreg $0xFFFFFFFF  }
0xc1: {  	_ =	task.clear_ibuf [dreg:s6], $0x2FFFF;
	_ =	strace $0x9FFFFFFF  }
0xc2: {  	(tm) =	ssettm $0x7FFFFFFF  }
0xc3: {  	_ =	shalt  }
tec
execute0_lowered:
.L_overlay_start_1:
0x0: {  	(tag) =	ssettag $0x1  }
0x1: {  	s6 =	rddreg [dreg:$0x0]  }
0x2: {  	s1 =	rddreg [dreg:$0x1]  }
0x3: {  	s0 =	rddreg [dreg:$0x2];
	s3 =	simm.s32 $0x0;
	s2 =	srdreg.scid  }
0x4: {  	[smem:$0x7FF] =	sst s3;
	s11 =	sand.u32 $0x1, s2;
	s2 =	stileid.u32  }
0x5: {  	s5 =	sadd.s32 $0x13800, s6;
	s22 =	sadd.s32 $0x13E00, s6;
	s7 =	smul.u32 $0x50000, s2  }
0x6: {  	_ =	strace $0x80000047;
	s4 =	sshll.u32 s11, $0xB;
	s14 =	smul.u32 $0x14000, s2  }
0x7: {  	s30 =	ssub.s32 $0x2, s11;
	s24 =	smul.u32 $0x140000, s11;
	s16 =	sshll.u32 s2, $0xC  }
0x8: {  	s13 =	sadd.s32 s4, s6;
	s4 =	sadd.s32 $0x13200, s6;
	s8 =	sshrl.u32 s30, $0x1  }
0x9: {  	s7 =	sshrl.u32 s7, $0x2;
	s15 =	sor.u32 $0x2800, s14;
	s23 =	ssub.s32 s30, s8  }
0xa: {  	s17 =	sadd.s32 $0x5000, s14;
	s18 =	sadd.s32 $0x7800, s14;
	s19 =	sadd.s32 $0xA000, s14  }
0xb: {  	s20 =	sadd.s32 $0xC800, s14;
	s21 =	sadd.s32 $0xF000, s14;
	s25 =	sadd.s32 $0x11800, s14  }
0xc: {  	s16 =	sadd.s32 s16, s13;
	s14 =	sadd.s32 s14, s24;
	s6 =	sadd.s32 s7, s1  }
0xd: {  	s7 =	sadd.s32 s15, s1;
	s8 =	sadd.s32 s17, s1;
	s9 =	sadd.s32 s18, s1  }
0xe: {  	s10 =	sadd.s32 s19, s1;
	s11 =	sadd.s32 s20, s1;
	s12 =	sadd.s32 s21, s1  }
0xf: {  	s13 =	sadd.s32 s25, s1;
	s26 =	sshrl.u32 s14, $0x3;
	s28 =	sadd.s32 s24, s15  }
0x10: {  	s14 =	sadd.s32 $0x3200, s16;
	s17 =	sadd.s32 s24, s17;
	s18 =	sadd.s32 s24, s18  }
0x11: {  	s19 =	sadd.s32 s24, s19;
	s20 =	sadd.s32 s24, s20;
	s21 =	sadd.s32 s24, s21  }
0x12: {  	s24 =	sadd.s32 s24, s25;
	s23 =	smax.u32 s23, $0x1;
	s25 =	simm.s32 $0x1  }
0x13: {  	s15 =	sadd.s32 s22, s26;
	s31 =	sshrl.u32 s28, $0x3;
	s17 =	sshrl.u32 s17, $0x3  }
0x14: {  	s18 =	sshrl.u32 s18, $0x3;
	s19 =	sshrl.u32 s19, $0x3;
	s20 =	sshrl.u32 s20, $0x3  }
0x15: {  	s21 =	sshrl.u32 s21, $0x3;
	s24 =	sshrl.u32 s24, $0x3;
	s26 =	simm.s32 $0x50  }
0x16: {  	s28 =	simm.s32 $0x0;
	s16 =	sadd.s32 s22, s31;
	s17 =	sadd.s32 s22, s17  }
0x17: {  	s18 =	sadd.s32 s22, s18;
	s19 =	sadd.s32 s22, s19;
	s20 =	sadd.s32 s22, s20  }
0x18: {  	s21 =	sadd.s32 s22, s21;
	s22 =	sadd.s32 s22, s24;
	s24 =	simm.s32 $0x4000  }
.LBB2_1:
0x19: {  	[tilespmem:s24], [sflag:$0x1] =	stream.linear.gather [hbm4b:s4+s3], $0x2800, $0x38;
	[tilespmem:$0x1A800] =	vst v63  }
0x1a: {  	_ =	swait.ge [sflag:s25], $0x2800  }
0x1b: {  	[sflag:s25] =	ssyncset.done $0x0  }
0x1c: {  	[sflag:s25] =	ssyncadd.s32 $0xFFFFD800  }
0x1d: {  	[spmem:s6] =	stream.linear.scatter [tilespmem:s24], [sflag:$0x1], $0x2800, $0x38;
	[tilespmem:$0x1A800] =	vst v63  }
0x1e: {  	_ =	swait.ge [sflag:s25], $0x2800  }
0x1f: {  	[sflag:s25] =	ssyncset.done $0x0  }
0x20: {  	[sflag:s25] =	ssyncadd.s32 $0xFFFFD800  }
0x21: {  	[spmem:s7] =	stream.linear.scatter [tilespmem:s24], [sflag:$0x1], $0x2800, $0x38;
	[tilespmem:$0x1A800] =	vst v63  }
0x22: {  	_ =	swait.ge [sflag:s25], $0x2800  }
0x23: {  	[sflag:s25] =	ssyncset.done $0x0  }
0x24: {  	[sflag:s25] =	ssyncadd.s32 $0xFFFFD800  }
0x25: {  	[spmem:s8] =	stream.linear.scatter [tilespmem:s24], [sflag:$0x1], $0x2800, $0x38;
	[tilespmem:$0x1A800] =	vst v63  }
0x26: {  	_ =	swait.ge [sflag:s25], $0x2800  }
0x27: {  	[sflag:s25] =	ssyncset.done $0x0  }
0x28: {  	[sflag:s25] =	ssyncadd.s32 $0xFFFFD800  }
0x29: {  	[spmem:s9] =	stream.linear.scatter [tilespmem:s24], [sflag:$0x1], $0x2800, $0x38;
	[tilespmem:$0x1A800] =	vst v63  }
0x2a: {  	_ =	swait.ge [sflag:s25], $0x2800  }
0x2b: {  	[sflag:s25] =	ssyncset.done $0x0  }
0x2c: {  	[sflag:s25] =	ssyncadd.s32 $0xFFFFD800  }
0x2d: {  	[spmem:s10] =	stream.linear.scatter [tilespmem:s24], [sflag:$0x1], $0x2800, $0x38;
	[tilespmem:$0x1A800] =	vst v63  }
0x2e: {  	_ =	swait.ge [sflag:s25], $0x2800  }
0x2f: {  	[sflag:s25] =	ssyncset.done $0x0  }
0x30: {  	[sflag:s25] =	ssyncadd.s32 $0xFFFFD800  }
0x31: {  	[spmem:s11] =	stream.linear.scatter [tilespmem:s24], [sflag:$0x1], $0x2800, $0x38;
	[tilespmem:$0x1A800] =	vst v63  }
0x32: {  	_ =	swait.ge [sflag:s25], $0x2800  }
0x33: {  	[sflag:s25] =	ssyncset.done $0x0  }
0x34: {  	[sflag:s25] =	ssyncadd.s32 $0xFFFFD800  }
0x35: {  	[spmem:s12] =	stream.linear.scatter [tilespmem:s24], [sflag:$0x1], $0x2800, $0x38;
	[tilespmem:$0x1A800] =	vst v63  }
0x36: {  	_ =	swait.ge [sflag:s25], $0x2800  }
0x37: {  	[sflag:s25] =	ssyncset.done $0x0  }
0x38: {  	[sflag:s25] =	ssyncadd.s32 $0xFFFFD800  }
0x39: {  	[spmem:s13] =	stream.linear.scatter [tilespmem:s24], [sflag:$0x1], $0x2800, $0x38;
	[tilespmem:$0x1A800] =	vst v63  }
0x3a: {  	_ =	swait.ge [sflag:s25], $0x2800  }
0x3b: {  	[sflag:s25] =	ssyncset.done $0x0  }
0x3c: {  	[sflag:s25] =	ssyncadd.s32 $0xFFFFD800  }
0x3d: {  	[tilespmem:s3], [sflag:$0x1] =	stream.linear.gather [hbm4b:s14+s3], $0x3E80, $0x38;
	[tilespmem:$0x1A800] =	vst v63  }
0x3e: {  	_ =	swait.ge [sflag:s25], $0x3E80  }
0x3f: {  	[sflag:s25] =	ssyncset.done $0x0  }
0x40: {  	[sflag:s25] =	ssyncadd.s32 $0xFFFFC180  }
0x41: {  	[tilespmem:s24], [sflag:$0x1] =	stream.linear.gather [hbm4b:s5+s3], $0x2800, $0x38;
	[tilespmem:$0x1A800] =	vst v63  }
0x42: {  	_ =	swait.ge [sflag:s25], $0x2800  }
0x43: {  	[sflag:s25] =	ssyncset.done $0x0  }
0x44: {  	[sflag:s25] =	ssyncadd.s32 $0xFFFFD800  }
0x45: {  	s29 =	simm.s32 $0x0;
	[bflag:$0x0] =	sbarrier.arrive $0xFFFF  }
0x46: {  	[spmem:s1] =	stream.indirect.scatter.add.f32 [tilespmem:s24], [sflag:$0x1], $0x80, s29, s26, $0xb8;
	[tilespmem:$0x1A800] =	vst v63  }
0x47: {  	_ =	swait.ge [sflag:s25], $0x2800  }
0x48: {  	s29 =	simm.s32 $0x200;
	[sflag:s25] =	ssyncset.done $0x0  }
.LBB2_2:
0x49: {  	s30 =	sshra.s32 s29, $0x2;
	[sflag:s25] =	ssyncadd.s32 $0xFFFFD800;
	p0 =	sne.s32 s29, $0xF800  }
0x4a: {  	[spmem:s1] =	stream.indirect.scatter.add.f32 [tilespmem:s24], [sflag:$0x1], $0x80, s30, s26, $0xb8;
	[tilespmem:$0x1A800] =	vst v63  }
.Ltmp0:
0x4b: {  	_ = 	snop;
	(pc) =	sbr.rel @p0 .LBB2_2-.Ltmp0, $4  }
0x4c: {  	_ = 	snop  }
0x4d: {  	s29 =	sadd.s32 $0x200, s29  }
0x4e: {  	_ =	swait.ge [sflag:s25], $0x2800  }
0x4f: {  	[sflag:s25] =	ssyncset.done $0x0  }
0x50: {  	[sflag:s25] =	ssyncadd.s32 $0xFFFFD800  }
0x51: {  	[bflag:$0x0] =	sbarrier.arrive $0xFFFF  }
0x52: {  	[tilespmem:s24], [sflag:$0x1] =	stream.linear.gather [spmem:s6], $0x2800, $0x38;
	[tilespmem:$0x1A800] =	vst v63  }
0x53: {  	_ =	swait.ge [sflag:s25], $0x2800  }
0x54: {  	[sflag:s25] =	ssyncset.done $0x0  }
0x55: {  	[sflag:s25] =	ssyncadd.s32 $0xFFFFD800  }
0x56: {  	[hbm4b:s15+s3] =	stream.linear.scatter [tilespmem:s24], [sflag:$0x1], $0x2800, $0x38;
	[tilespmem:$0x1A800] =	vst v63  }
0x57: {  	_ =	swait.ge [sflag:s25], $0x2800  }
0x58: {  	[sflag:s25] =	ssyncset.done $0x0  }
0x59: {  	[sflag:s25] =	ssyncadd.s32 $0xFFFFD800  }
0x5a: {  	[tilespmem:s24], [sflag:$0x1] =	stream.linear.gather [spmem:s7], $0x2800, $0x38;
	[tilespmem:$0x1A800] =	vst v63  }
0x5b: {  	_ =	swait.ge [sflag:s25], $0x2800  }
0x5c: {  	[sflag:s25] =	ssyncset.done $0x0  }
0x5d: {  	[sflag:s25] =	ssyncadd.s32 $0xFFFFD800  }
0x5e: {  	[hbm4b:s16+s3] =	stream.linear.scatter [tilespmem:s24], [sflag:$0x1], $0x2800, $0x38;
	[tilespmem:$0x1A800] =	vst v63  }
0x5f: {  	_ =	swait.ge [sflag:s25], $0x2800  }
0x60: {  	[sflag:s25] =	ssyncset.done $0x0  }
0x61: {  	[sflag:s25] =	ssyncadd.s32 $0xFFFFD800  }
0x62: {  	[tilespmem:s24], [sflag:$0x1] =	stream.linear.gather [spmem:s8], $0x2800, $0x38;
	[tilespmem:$0x1A800] =	vst v63  }
0x63: {  	_ =	swait.ge [sflag:s25], $0x2800  }
0x64: {  	[sflag:s25] =	ssyncset.done $0x0  }
0x65: {  	[sflag:s25] =	ssyncadd.s32 $0xFFFFD800  }
0x66: {  	[hbm4b:s17+s3] =	stream.linear.scatter [tilespmem:s24], [sflag:$0x1], $0x2800, $0x38;
	[tilespmem:$0x1A800] =	vst v63  }
0x67: {  	_ =	swait.ge [sflag:s25], $0x2800  }
0x68: {  	[sflag:s25] =	ssyncset.done $0x0  }
0x69: {  	[sflag:s25] =	ssyncadd.s32 $0xFFFFD800  }
0x6a: {  	[tilespmem:s24], [sflag:$0x1] =	stream.linear.gather [spmem:s9], $0x2800, $0x38;
	[tilespmem:$0x1A800] =	vst v63  }
0x6b: {  	_ =	swait.ge [sflag:s25], $0x2800  }
0x6c: {  	[sflag:s25] =	ssyncset.done $0x0  }
0x6d: {  	[sflag:s25] =	ssyncadd.s32 $0xFFFFD800  }
0x6e: {  	[hbm4b:s18+s3] =	stream.linear.scatter [tilespmem:s24], [sflag:$0x1], $0x2800, $0x38;
	[tilespmem:$0x1A800] =	vst v63  }
0x6f: {  	_ =	swait.ge [sflag:s25], $0x2800  }
0x70: {  	[sflag:s25] =	ssyncset.done $0x0  }
0x71: {  	[sflag:s25] =	ssyncadd.s32 $0xFFFFD800  }
0x72: {  	[tilespmem:s24], [sflag:$0x1] =	stream.linear.gather [spmem:s10], $0x2800, $0x38;
	[tilespmem:$0x1A800] =	vst v63  }
0x73: {  	_ =	swait.ge [sflag:s25], $0x2800  }
0x74: {  	[sflag:s25] =	ssyncset.done $0x0  }
0x75: {  	[sflag:s25] =	ssyncadd.s32 $0xFFFFD800  }
0x76: {  	[hbm4b:s19+s3] =	stream.linear.scatter [tilespmem:s24], [sflag:$0x1], $0x2800, $0x38;
	[tilespmem:$0x1A800] =	vst v63  }
0x77: {  	_ =	swait.ge [sflag:s25], $0x2800  }
0x78: {  	[sflag:s25] =	ssyncset.done $0x0  }
0x79: {  	[sflag:s25] =	ssyncadd.s32 $0xFFFFD800  }
0x7a: {  	[tilespmem:s24], [sflag:$0x1] =	stream.linear.gather [spmem:s11], $0x2800, $0x38;
	[tilespmem:$0x1A800] =	vst v63  }
0x7b: {  	_ =	swait.ge [sflag:s25], $0x2800  }
0x7c: {  	[sflag:s25] =	ssyncset.done $0x0  }
0x7d: {  	[sflag:s25] =	ssyncadd.s32 $0xFFFFD800  }
0x7e: {  	[hbm4b:s20+s3] =	stream.linear.scatter [tilespmem:s24], [sflag:$0x1], $0x2800, $0x38;
	[tilespmem:$0x1A800] =	vst v63  }
0x7f: {  	_ =	swait.ge [sflag:s25], $0x2800  }
0x80: {  	[sflag:s25] =	ssyncset.done $0x0  }
0x81: {  	[sflag:s25] =	ssyncadd.s32 $0xFFFFD800  }
0x82: {  	[tilespmem:s24], [sflag:$0x1] =	stream.linear.gather [spmem:s12], $0x2800, $0x38;
	[tilespmem:$0x1A800] =	vst v63  }
0x83: {  	_ =	swait.ge [sflag:s25], $0x2800  }
0x84: {  	[sflag:s25] =	ssyncset.done $0x0  }
0x85: {  	[sflag:s25] =	ssyncadd.s32 $0xFFFFD800  }
0x86: {  	[hbm4b:s21+s3] =	stream.linear.scatter [tilespmem:s24], [sflag:$0x1], $0x2800, $0x38;
	[tilespmem:$0x1A800] =	vst v63  }
0x87: {  	_ =	swait.ge [sflag:s25], $0x2800  }
0x88: {  	[sflag:s25] =	ssyncset.done $0x0  }
0x89: {  	[sflag:s25] =	ssyncadd.s32 $0xFFFFD800  }
0x8a: {  	[tilespmem:s24], [sflag:$0x1] =	stream.linear.gather [spmem:s13], $0x2800, $0x38;
	[tilespmem:$0x1A800] =	vst v63  }
0x8b: {  	s28 =	sadd.s32 $0x1, s28;
	_ =	swait.ge [sflag:s25], $0x2800  }
0x8c: {  	p0 =	sne.s32 s28, s23;
	[sflag:s25] =	ssyncset.done $0x0  }
.Ltmp1:
0x8d: {  	[sflag:s25] =	ssyncadd.s32 $0xFFFFD800;
	(pc) =	sbr.rel @p0 .LBB2_1-.Ltmp1, $4  }
0x8e: {  	[hbm4b:s22+s3] =	stream.linear.scatter [tilespmem:s24], [sflag:$0x1], $0x2800, $0x38;
	[tilespmem:$0x1A800] =	vst v63  }
0x8f: {  	_ =	swait.ge [sflag:s25], $0x2800  }
0x90: {  	[sflag:s25] =	ssyncset.done $0x0  }
0x91: {  	[sflag:s25] =	ssyncadd.s32 $0xFFFFD800  }
0x92: {  	_ =	sfence.sel $0x180000  }
0x93: {  	[bflag:$0x0] =	sbarrier.arrive $0xFFFF  }
0x94: {  	p0 =	sne.s32 s2, $0x0;
	_ =	strace $0x90000047  }
0x95: {  	s0 =	sadd.s32 @!p0 $0x100000, s0;
	[bflag:$0x2] =	sbarrier.arrive $0xFFFF  }
0x96: {  	[sflag:s0] =	ssyncadd.tile.s32 @!p0 $0x1;
	_ =	shalt  }
.Lfunc_end2:
_tile_overlayer_lowered:
.L_overlay_start_2:
0x97: {  	(tag) =	ssettag $0x2  }
0x98: {  	s0 =	rddreg [dreg:$0x0];
	s2 =	stileid.u32  }
0x99: {  	s1 =	rddreg [dreg:$0x1];
	p0 =	sne.s32 s2, $0x0  }
0x9a: {  	s3 =	rddreg [dreg:$0x2];
	[bflag:$0x3] =	sbarrier.arrive $0xFFFF;
	s2 =	simm.s32 @!p0 $0x1C01  }
0x9b: {  	[timem:s3], [sflag:s2] =	dma.local @!p0 [hbm:s0], s1  }
0x9c: {  	s0 =	simm.s32 @!p0 $0x1  }
0x9d: {  	_ =	swait.ge @!p0 [sflag:s0], s1  }
0x9e: {  	s1 =	ssub.s32 @!p0 $0x0, s1;
	[sflag:s0] =	ssyncset.done @!p0 $0x0  }
0x9f: {  	[sflag:s0] =	ssyncadd.s32 @!p0 s1  }
0xa0: {  	[bflag:$0x3] =	sbarrier.arrive $0xFFFF  }
0xa1: {  	_ =	shalt  }

</sc_bundles>
